<compile_context>
chip_gen: v7x
topology: tpu7x:2x2x1
jax: 0.10.2.dev20260603
libtpu: 0.0.44.dev20260713+nightly
codegen_flags: <defaults>
</compile_context>

<pallas_src>
import math

import jax
import jax.numpy as jnp
from jax.experimental import pallas as pl
from jax.experimental.pallas import tpu as pltpu

_B = 64
_HEADS = 4


def _cdiv(a, b):
    return (a + b - 1) // b


def _rup(a, b):
    return _cdiv(a, b) * b


def _mm(x, y, *, bias=None, addend=None, relu=False, out_dtype=jnp.float32,
        stats_n=None):
    M, K = x.shape
    _, Nn = y.shape
    bm = 512 if M % 512 == 0 else min(256, M)
    bn = min(1024, Nn)
    bk = min(512, K)
    gm, gn, gk = M // bm, Nn // bn, K // bk

    def kern(*refs):
        i = 0
        x_ref, y_ref = refs[0], refs[1]
        nxt = 2
        b_ref = ad_ref = None
        if bias is not None:
            b_ref = refs[nxt]
            nxt += 1
        if addend is not None:
            ad_ref = refs[nxt]
            nxt += 1
        if stats_n is not None:
            o_ref, s_ref, acc_ref = refs[nxt], refs[nxt + 1], refs[nxt + 2]
        else:
            o_ref, acc_ref = refs[nxt], refs[nxt + 1]
        i = pl.program_id(0)
        k = pl.program_id(2)

        @pl.when(k == 0)
        def _():
            acc_ref[...] = jnp.zeros_like(acc_ref)

        acc_ref[...] += jnp.dot(x_ref[...], y_ref[...],
                                preferred_element_type=jnp.float32)

        @pl.when(k == gk - 1)
        def _():
            r = acc_ref[...]
            if b_ref is not None:
                r = r + b_ref[0:1, :]
            if ad_ref is not None:
                r = r + ad_ref[...].astype(jnp.float32)
            if relu:
                r = jnp.maximum(r, 0.0)
            o_ref[...] = r.astype(out_dtype)
            if stats_n is not None:
                @pl.when(i == 0)
                def _():
                    s_ref[...] = jnp.zeros_like(s_ref)

                rows = jax.lax.broadcasted_iota(jnp.int32, (bm, 1), 0) + i * bm
                rm = jnp.where(rows < stats_n, r, 0.0)
                s_ref[0:1, :] += jnp.sum(rm, axis=0, keepdims=True)
                s_ref[1:2, :] += jnp.sum(rm * rm, axis=0, keepdims=True)

    in_specs = [
        pl.BlockSpec((bm, bk), lambda i, j, k: (i, k)),
        pl.BlockSpec((bk, bn), lambda i, j, k: (k, j)),
    ]
    ops = [x, y]
    if bias is not None:
        in_specs.append(pl.BlockSpec((8, bn), lambda i, j, k: (0, j)))
        ops.append(bias)
    if addend is not None:
        in_specs.append(pl.BlockSpec((bm, bn), lambda i, j, k: (i, j)))
        ops.append(addend)
    out_specs = pl.BlockSpec((bm, bn), lambda i, j, k: (i, j))
    out_shape = jax.ShapeDtypeStruct((M, Nn), out_dtype)
    sem = ("parallel", "parallel", "arbitrary")
    if stats_n is not None:
        out_specs = [out_specs, pl.BlockSpec((8, bn), lambda i, j, k: (0, j))]
        out_shape = [out_shape, jax.ShapeDtypeStruct((8, Nn), jnp.float32)]
        sem = ("arbitrary", "parallel", "arbitrary")
    return pl.pallas_call(
        kern,
        grid=(gm, gn, gk),
        in_specs=in_specs,
        out_specs=out_specs,
        out_shape=out_shape,
        scratch_shapes=[pltpu.VMEM((bm, bn), jnp.float32)],
        compiler_params=pltpu.CompilerParams(dimension_semantics=sem),
    )(*ops)


def _colstats(z, n_valid):
    M, Dh = z.shape
    bm = min(512, M)
    gm = M // bm

    def kern(z_ref, o_ref):
        i = pl.program_id(0)

        @pl.when(i == 0)
        def _():
            o_ref[...] = jnp.zeros_like(o_ref)

        rows = jax.lax.broadcasted_iota(jnp.int32, (bm, 1), 0) + i * bm
        zz = jnp.where(rows < n_valid, z_ref[...], 0.0)
        o_ref[0:1, :] += jnp.sum(zz, axis=0, keepdims=True)
        o_ref[1:2, :] += jnp.sum(zz * zz, axis=0, keepdims=True)

    return pl.pallas_call(
        kern,
        grid=(gm,),
        in_specs=[pl.BlockSpec((bm, Dh), lambda i: (i, 0))],
        out_specs=pl.BlockSpec((8, Dh), lambda i: (0, 0)),
        out_shape=jax.ShapeDtypeStruct((8, Dh), jnp.float32),
        compiler_params=pltpu.CompilerParams(
            dimension_semantics=("arbitrary",)),
    )(z)


def _bn_relu(z, stats, g8, b8, n_valid):
    M, Dh = z.shape
    bm = min(512, M)

    def kern(z_ref, s_ref, g_ref, b_ref, o_ref):
        inv_n = 1.0 / n_valid
        mu = s_ref[0:1, :] * inv_n
        var = s_ref[1:2, :] * inv_n - mu * mu
        scale = jax.lax.rsqrt(var + 1e-5) * g_ref[0:1, :]
        r = (z_ref[...] - mu) * scale + b_ref[0:1, :]
        o_ref[...] = jnp.maximum(r, 0.0).astype(jnp.bfloat16)

    return pl.pallas_call(
        kern,
        grid=(M // bm,),
        in_specs=[
            pl.BlockSpec((bm, Dh), lambda i: (i, 0)),
            pl.BlockSpec((8, Dh), lambda i: (0, 0)),
            pl.BlockSpec((8, Dh), lambda i: (0, 0)),
            pl.BlockSpec((8, Dh), lambda i: (0, 0)),
        ],
        out_specs=pl.BlockSpec((bm, Dh), lambda i: (i, 0)),
        out_shape=jax.ShapeDtypeStruct((M, Dh), jnp.bfloat16),
        compiler_params=pltpu.CompilerParams(
            dimension_semantics=("arbitrary",)),
    )(z, stats, g8, b8)


def _scale_dinv(v, indeg, n_valid, bias8=None, out_dtype=jnp.float32):
    M, C = v.shape
    bm = min(512, M)

    def kern(*refs):
        if bias8 is not None:
            v_ref, ind_ref, b_ref, o_ref = refs
        else:
            v_ref, ind_ref, o_ref = refs
            b_ref = None
        i = pl.program_id(0)
        rows = jax.lax.broadcasted_iota(jnp.int32, (bm, 1), 0) + i * bm
        ind = ind_ref[...][:, 0:1].astype(jnp.float32)
        dinv = jnp.where(rows < n_valid, jax.lax.rsqrt(ind + 1.0), 0.0)
        r = v_ref[...].astype(jnp.float32) * dinv
        if b_ref is not None:
            r = r + b_ref[0:1, :]
        o_ref[...] = r.astype(out_dtype)

    in_specs = [
        pl.BlockSpec((bm, C), lambda i: (i, 0)),
        pl.BlockSpec((bm, 128), lambda i: (i, 0)),
    ]
    ops = [v, indeg]
    if bias8 is not None:
        in_specs.append(pl.BlockSpec((8, C), lambda i: (0, 0)))
        ops.append(bias8)
    return pl.pallas_call(
        kern,
        grid=(M // bm,),
        in_specs=in_specs,
        out_specs=pl.BlockSpec((bm, C), lambda i: (i, 0)),
        out_shape=jax.ShapeDtypeStruct((M, C), out_dtype),
        compiler_params=pltpu.CompilerParams(
            dimension_semantics=("arbitrary",)),
    )(*ops)


def _pma1(kv, s1p, wq, bq8, wo, bo8, starts, n_seeds):
    Np, C = kv.shape
    D = C // 2
    hd = D // _HEADS
    Sp, _ = s1p.shape
    T = 1024 if Np % 1024 == 0 else 512
    NT = Np // T
    scale = 1.0 / math.sqrt(D)

    def kern(st_ref, kv_ref, s1_ref, wq_ref, bq_ref, wo_ref, bo_ref,
             o_ref, q_ref, m_ref, l_ref, acc_ref):
        b = pl.program_id(0)
        t = pl.program_id(1)
        start = st_ref[b]
        end = st_ref[b + 1]

        @pl.when(t == 0)
        def _():
            q_ref[...] = jnp.dot(s1_ref[...], wq_ref[...],
                                 preferred_element_type=jnp.float32) + bq_ref[0:1, :]
            m_ref[...] = jnp.full((Sp, D), -1e30, jnp.float32)
            l_ref[...] = jnp.zeros((Sp, D), jnp.float32)
            acc_ref[...] = jnp.zeros((Sp, D), jnp.float32)

        @pl.when((t * T < end) & ((t + 1) * T > start))
        def _():
            kt = kv_ref[pl.ds(t * T, T), :]
            ids = jax.lax.broadcasted_iota(jnp.int32, (1, T), 1) + t * T
            valid = (ids >= start) & (ids < end)
            qp = q_ref[...]
            for h in range(_HEADS):
                lo, hi = h * hd, (h + 1) * hd
                qh = qp[:, lo:hi].astype(jnp.bfloat16)
                kh = kt[:, lo:hi].astype(jnp.bfloat16)
                vh = kt[:, D + lo:D + hi].astype(jnp.bfloat16)
                s = jax.lax.dot_general(qh, kh, (((1,), (1,)), ((), ())),
                                        preferred_element_type=jnp.float32) * scale
                s = jnp.where(valid, s, -1e30)
                mold = m_ref[:, lo:hi][:, 0:1]
                mnew = jnp.maximum(mold, jnp.max(s, axis=1, keepdims=True))
                p = jnp.where(valid, jnp.exp(s - mnew), 0.0)
                resc = jnp.exp(mold - mnew)
                lnew = l_ref[:, lo:hi][:, 0:1] * resc + jnp.sum(p, axis=1, keepdims=True)
                accn = acc_ref[:, lo:hi] * resc + jnp.dot(
                    p.astype(jnp.bfloat16), vh, preferred_element_type=jnp.float32)
                m_ref[:, lo:hi] = jnp.broadcast_to(mnew, (Sp, hd))
                l_ref[:, lo:hi] = jnp.broadcast_to(lnew, (Sp, hd))
                acc_ref[:, lo:hi] = accn

        @pl.when(t == NT - 1)
        def _():
            l = l_ref[...]
            attn = acc_ref[...] * jnp.where(l > 0, 1.0 / l, 0.0)
            o = q_ref[...] + attn
            o2 = jnp.dot(o, wo_ref[...], preferred_element_type=jnp.float32)
            o_ref[0] = o + jnp.maximum(o2 + bo_ref[0:1, :], 0.0)

    return pl.pallas_call(
        kern,
        grid=(_B, NT),
        in_specs=[
            pl.BlockSpec(memory_space=pltpu.SMEM),
            pl.BlockSpec((Np, C), lambda b, t: (0, 0)),
            pl.BlockSpec((Sp, D), lambda b, t: (0, 0)),
            pl.BlockSpec((D, D), lambda b, t: (0, 0)),
            pl.BlockSpec((8, D), lambda b, t: (0, 0)),
            pl.BlockSpec((D, D), lambda b, t: (0, 0)),
            pl.BlockSpec((8, D), lambda b, t: (0, 0)),
        ],
        out_specs=pl.BlockSpec((1, Sp, D), lambda b, t: (b, 0, 0)),
        out_shape=jax.ShapeDtypeStruct((_B, Sp, D), jnp.float32),
        scratch_shapes=[pltpu.VMEM((Sp, D), jnp.float32)] * 4,
        compiler_params=pltpu.CompilerParams(
            dimension_semantics=("arbitrary", "arbitrary")),
    )(starts, kv, s1p, wq, bq8, wo, bo8)


def _attn_block(x, kk, vv, qh_all, wo, bo8, n_seeds, D):
    hd = D // _HEADS
    scale = 1.0 / math.sqrt(D)
    Sp = kk.shape[0]
    cols = jax.lax.broadcasted_iota(jnp.int32, (1, Sp), 1)
    keymask = cols < n_seeds
    outs = []
    for h in range(_HEADS):
        lo, hi = h * hd, (h + 1) * hd
        qh = qh_all[:, lo:hi]
        kh = kk[:, lo:hi]
        vh = vv[:, lo:hi]
        s = jax.lax.dot_general(qh.astype(jnp.bfloat16), kh.astype(jnp.bfloat16),
                                (((1,), (1,)), ((), ())),
                                preferred_element_type=jnp.float32) * scale
        s = jnp.where(keymask, s, -1e30)
        m = jnp.max(s, axis=1, keepdims=True)
        p = jnp.exp(s - m)
        l = jnp.sum(p, axis=1, keepdims=True)
        a = p * (1.0 / l)
        outs.append(qh + jnp.dot(a.astype(jnp.bfloat16), vh.astype(jnp.bfloat16),
                                 preferred_element_type=jnp.float32))
    o = jnp.concatenate(outs, axis=1)
    o2 = jnp.dot(o, wo, preferred_element_type=jnp.float32)
    return o + jnp.maximum(o2 + bo8[0:1, :], 0.0)


def _gmt_tail(bx1, n_seeds, sab, pma2, s2p, lin2w, lin2b8, outw, outb8):
    Bt, Sp, D = bx1.shape

    (swq, sbq8, swk, sbk8, swv, sbv8, swo, sbo8) = sab
    (pwq, pbq8, pwk, pbk8, pwv, pbv8, pwo, pbo8) = pma2

    def kern(x_ref, swq_r, sbq_r, swk_r, sbk_r, swv_r, sbv_r, swo_r, sbo_r,
             s2_r, pwq_r, pbq_r, pwk_r, pbk_r, pwv_r, pbv_r, pwo_r, pbo_r,
             l2w_r, l2b_r, ow_r, ob_r, o_ref):
        x = x_ref[0]
        qp = jnp.dot(x, swq_r[...], preferred_element_type=jnp.float32) + sbq_r[0:1, :]
        kk = jnp.dot(x, swk_r[...], preferred_element_type=jnp.float32) + sbk_r[0:1, :]
        vv = jnp.dot(x, swv_r[...], preferred_element_type=jnp.float32) + sbv_r[0:1, :]
        x2 = _attn_block(x, kk, vv, qp, swo_r[...], sbo_r[...], n_seeds, D)
        q2 = jnp.dot(s2_r[...], pwq_r[...], preferred_element_type=jnp.float32) + pbq_r[0:1, :]
        k2 = jnp.dot(x2, pwk_r[...], preferred_element_type=jnp.float32) + pbk_r[0:1, :]
        v2 = jnp.dot(x2, pwv_r[...], preferred_element_type=jnp.float32) + pbv_r[0:1, :]
        x3 = _attn_block(None, k2, v2, q2, pwo_r[...], pbo_r[...], n_seeds, D)
        gx = jnp.dot(x3, l2w_r[...], preferred_element_type=jnp.float32) + l2b_r[0:1, :]
        y = jnp.dot(gx, ow_r[...], preferred_element_type=jnp.float32) + ob_r[0:1, :]
        o_ref[0] = y

    wb = lambda shape: pl.BlockSpec(shape, lambda b: (0, 0))
    return pl.pallas_call(
        kern,
        grid=(Bt,),
        in_specs=[pl.BlockSpec((1, Sp, D), lambda b: (b, 0, 0))]
        + [wb((D, D)), wb((8, D))] * 4
        + [wb((8, D))]
        + [wb((D, D)), wb((8, D))] * 4
        + [wb((D, D)), wb((8, D)), wb((D, D)), wb((8, D))],
        out_specs=pl.BlockSpec((1, 8, D), lambda b: (b, 0, 0)),
        out_shape=jax.ShapeDtypeStruct((Bt, 8, D), jnp.float32),
        compiler_params=pltpu.CompilerParams(
            dimension_semantics=("arbitrary",)),
    )(bx1, swq, sbq8, swk, sbk8, swv, sbv8, swo, sbo8,
      s2p, pwq, pbq8, pwk, pbk8, pwv, pbv8, pwo, pbo8,
      lin2w, lin2b8, outw, outb8)


def _row8(b):
    return jnp.broadcast_to(b[None, :], (8, b.shape[0])).astype(jnp.float32)


def kernel(x, edge_index, edge_weight, batch, params):
    del edge_weight
    N, D = x.shape
    Np = _rup(N, 2048)
    bf = jnp.bfloat16
    src, dst = edge_index[0], edge_index[1]

    flat = dst.astype(jnp.int32) * Np + src.astype(jnp.int32)
    A = jnp.zeros((Np * Np,), jnp.int32).at[flat].add(1)
    A = A.reshape(Np, Np).astype(bf)

    h_bf = jnp.pad(x, ((0, Np - N), (0, 0))).astype(bf)
    add_prev = jnp.pad(x, ((0, Np - N), (0, 0)))
    indeg = None
    for lyr in params["gin"]:
        w1, b1 = lyr["lin1"]["W"], lyr["lin1"]["b"]
        w2, b2 = lyr["lin2"]["W"], lyr["lin2"]["b"]
        if indeg is None:
            rhs = jnp.concatenate([h_bf, jnp.ones((Np, 128), bf)], axis=1)
            ad = jnp.concatenate(
                [add_prev, jnp.zeros((Np, 128), add_prev.dtype)], axis=1)
            both = _mm(A, rhs, addend=ad, out_dtype=bf)
            h2in = both[:, :h_bf.shape[1]]
            indeg = both[:, h_bf.shape[1]:]
        else:
            h2in = _mm(A, h_bf, addend=add_prev, out_dtype=bf)
        t = _mm(h2in, w1.astype(bf), bias=_row8(b1), relu=True, out_dtype=bf)
        z, stats = _mm(t, w2.astype(bf), bias=_row8(b2), stats_n=N, out_dtype=bf)
        h_bf = _bn_relu(z, stats, _row8(lyr["bn_g"]), _row8(lyr["bn_b"]), N)
        add_prev = h_bf

    h128 = _mm(h_bf, params["proj"]["W"].astype(bf),
               bias=_row8(params["proj"]["b"]), out_dtype=bf)
    g = params["gmt"]
    hx_bf = _mm(h128, g["lin1"]["W"].astype(bf),
                bias=_row8(g["lin1"]["b"]), out_dtype=bf)

    p1 = g["pma1"]
    wkv = jnp.concatenate([p1["gcn_k"]["W"], p1["gcn_v"]["W"]], axis=1)
    bkv = jnp.concatenate([p1["gcn_k"]["b"], p1["gcn_v"]["b"]])
    hkv = _mm(hx_bf, wkv.astype(bf))
    u = _scale_dinv(hkv, indeg, N, out_dtype=bf)
    w_agg = _mm(A, u, addend=u)
    kv = _scale_dinv(w_agg, indeg, N, bias8=_row8(bkv))

    starts = jnp.searchsorted(
        batch, jnp.arange(_B + 1, dtype=batch.dtype), side="left").astype(jnp.int32)
    starts = jnp.pad(starts, (0, 72 - (_B + 1)))

    S1 = p1["S"][0]
    n_seeds = S1.shape[0]
    Sp = _rup(n_seeds, 8)
    s1p = jnp.pad(S1, ((0, Sp - n_seeds), (0, 0)))
    bx1 = _pma1(kv, s1p, p1["fc_q"]["W"], _row8(p1["fc_q"]["b"]),
                p1["fc_o"]["W"], _row8(p1["fc_o"]["b"]), starts, n_seeds)

    s = g["sab"]
    p2 = g["pma2"]
    s2p = jnp.pad(p2["S"][0], ((0, 8 - p2["S"].shape[1]), (0, 0)))
    outw = jnp.pad(params["out"]["W"], ((0, 0), (0, D - params["out"]["W"].shape[1])))
    outb = jnp.pad(params["out"]["b"], (0, D - params["out"]["b"].shape[0]))
    y = _gmt_tail(
        bx1, n_seeds,
        (s["fc_q"]["W"], _row8(s["fc_q"]["b"]),
         s["layer_k"]["W"], _row8(s["layer_k"]["b"]),
         s["layer_v"]["W"], _row8(s["layer_v"]["b"]),
         s["fc_o"]["W"], _row8(s["fc_o"]["b"])),
        (p2["fc_q"]["W"], _row8(p2["fc_q"]["b"]),
         p2["layer_k"]["W"], _row8(p2["layer_k"]["b"]),
         p2["layer_v"]["W"], _row8(p2["layer_v"]["b"]),
         p2["fc_o"]["W"], _row8(p2["fc_o"]["b"])),
        s2p, g["lin2"]["W"], _row8(g["lin2"]["b"]), outw, _row8(outb))
    return y[:, 0, :params["out"]["W"].shape[1]]

# --- scband reference (transcript-rebuilt; emitter-appended) ---
"""Pipeline reference for scband-ginenc-38465727103471 (READ-ONLY COPY).

The authoritative reference and input builder live on the scoring server;
editing this copy changes nothing except your own understanding.
"""

import jax, jax.numpy as jnp
import numpy as np
import math

N = 10000
E = 320000
D = 128
B = 64
HEADS = 4
SEEDS1 = 75  # ceil(300 * 0.25), PyG GraphMultisetTransformer defaults
GIN_DIMS = [(128, 256), (256, 512), (512, 1024), (1024, 1024)]


def _lin(key, din, dout):
    return {"W": jax.random.normal(key, (din, dout), jnp.float32) / np.sqrt(din),
            "b": jnp.zeros((dout,), jnp.float32)}


def _make_params(key):
    ctr = [0]
    def nk():
        ctr[0] += 1
        return jax.random.fold_in(key, ctr[0])
    gin = []
    for din, dh in GIN_DIMS:
        gin.append({"lin1": _lin(nk(), din, dh),
                    "lin2": _lin(nk(), dh, dh),
                    "bn_g": jnp.ones((dh,), jnp.float32),
                    "bn_b": jnp.zeros((dh,), jnp.float32)})
    proj = _lin(nk(), 1024, D)
    gmt = {
        "lin1": _lin(nk(), D, D),
        "pma1": {"S": jax.random.normal(nk(), (1, SEEDS1, D), jnp.float32) * 0.1,
                 "fc_q": _lin(nk(), D, D), "gcn_k": _lin(nk(), D, D),
                 "gcn_v": _lin(nk(), D, D), "fc_o": _lin(nk(), D, D)},
        "sab": {"fc_q": _lin(nk(), D, D), "layer_k": _lin(nk(), D, D),
                "layer_v": _lin(nk(), D, D), "fc_o": _lin(nk(), D, D)},
        "pma2": {"S": jax.random.normal(nk(), (1, 1, D), jnp.float32) * 0.1,
                 "fc_q": _lin(nk(), D, D), "layer_k": _lin(nk(), D, D),
                 "layer_v": _lin(nk(), D, D), "fc_o": _lin(nk(), D, D)},
        "lin2": _lin(nk(), D, D),
    }
    out = _lin(nk(), D, 10)
    return {"gin": gin, "proj": proj, "gmt": gmt, "out": out}


def setup_inputs(seed: int = 0):
    key = jax.random.key(seed)
    x = jax.random.normal(jax.random.fold_in(key, 100), (N, D), jnp.float32)
    edge_index = jax.random.randint(jax.random.fold_in(key, 101), (2, E), 0, N)
    edge_weight = jax.random.uniform(jax.random.fold_in(key, 102), (E,), jnp.float32)
    batch = jnp.sort(jax.random.randint(jax.random.fold_in(key, 103), (N,), 0, B))
    params = _make_params(jax.random.fold_in(key, 104))
    return {"x": x, "edge_index": edge_index, "edge_weight": edge_weight,
            "batch": batch, "params": params}


def _to_dense(h, batch, max_count):
    n = h.shape[0]
    counts = jnp.bincount(batch, length=B)
    starts = jnp.cumsum(counts) - counts
    pos = jnp.arange(n) - starts[batch]
    dense = jnp.zeros((B, max_count, h.shape[1]), h.dtype).at[batch, pos].set(h)
    mask = jnp.zeros((B, max_count), dtype=bool).at[batch, pos].set(True)
    return dense, mask


def _gcn(h, src, dst, p, n):
    hw = h @ p["W"]
    loops = jnp.arange(n, dtype=src.dtype)
    si = jnp.concatenate([src, loops])
    di = jnp.concatenate([dst, loops])
    deg = jax.ops.segment_sum(jnp.ones(si.shape[0], jnp.float32), di, num_segments=n)
    dinv = jnp.where(deg > 0, 1.0 / jnp.sqrt(deg), 0.0)
    norm = dinv[si] * dinv[di]
    out = jax.ops.segment_sum(hw[si] * norm[:, None], di, num_segments=n)
    return out + p["b"]


def _split_heads(t):
    return jnp.concatenate(jnp.split(t, HEADS, axis=2), axis=0)


def _merge_heads(t):
    return jnp.concatenate(jnp.split(t, HEADS, axis=0), axis=2)


def _mab(Q, K, V, p, mask):
    Qp = Q @ p["fc_q"]["W"] + p["fc_q"]["b"]
    dv = Qp.shape[-1]
    Q_ = _split_heads(Qp)
    K_ = _split_heads(K)
    V_ = _split_heads(V)
    scores = jnp.einsum('bqd,bkd->bqk', Q_, K_) / math.sqrt(dv)
    if mask is not None:
        scores = scores + jnp.concatenate([mask] * HEADS, axis=0)
    A = jax.nn.softmax(scores, axis=-1)
    O = _merge_heads(Q_ + jnp.einsum('bqk,bkd->bqd', A, V_))
    return O + jax.nn.relu(O @ p["fc_o"]["W"] + p["fc_o"]["b"])


def _forward(x, edge_index, batch, params, max_count):
    src, dst = edge_index[0], edge_index[1]
    n = x.shape[0]
    h = x
    for lyr in params["gin"]:
        agg = jax.ops.segment_sum(h[src], dst, num_segments=n)
        h2 = h + agg  # (1 + eps) * x + sum_neighbors, eps = 0
        h2 = jax.nn.relu(h2 @ lyr["lin1"]["W"] + lyr["lin1"]["b"])
        h2 = h2 @ lyr["lin2"]["W"] + lyr["lin2"]["b"]
        mu = h2.mean(axis=0)
        var = h2.var(axis=0)
        h2 = lyr["bn_g"] * (h2 - mu) / jnp.sqrt(var + 1e-5) + lyr["bn_b"]
        h = jax.nn.relu(h2)
    h = h @ params["proj"]["W"] + params["proj"]["b"]
    g = params["gmt"]
    hx = h @ g["lin1"]["W"] + g["lin1"]["b"]
    dense, maskb = _to_dense(hx, batch, max_count)
    mask = jnp.where(maskb, 0.0, -1e9)[:, None, :]
    # GMPool_G: PMA with GCN key/value transforms
    p1 = g["pma1"]
    Kn = _gcn(hx, src, dst, p1["gcn_k"], n)
    Vn = _gcn(hx, src, dst, p1["gcn_v"], n)
    Kd, _m = _to_dense(Kn, batch, max_count)
    Vd, _m = _to_dense(Vn, batch, max_count)
    Q1 = jnp.tile(p1["S"], (B, 1, 1))
    bx = _mab(Q1, Kd, Vd, p1, mask)
    # SelfAtt: SAB
    s = g["sab"]
    Ks = bx @ s["layer_k"]["W"] + s["layer_k"]["b"]
    Vs = bx @ s["layer_v"]["W"] + s["layer_v"]["b"]
    bx = _mab(bx, Ks, Vs, s, None)
    # GMPool_I: PMA with 1 seed
    p2 = g["pma2"]
    K2 = bx @ p2["layer_k"]["W"] + p2["layer_k"]["b"]
    V2 = bx @ p2["layer_v"]["W"] + p2["layer_v"]["b"]
    Q2 = jnp.tile(p2["S"], (B, 1, 1))
    bx = _mab(Q2, K2, V2, p2, None)
    gx = bx[:, 0, :] @ g["lin2"]["W"] + g["lin2"]["b"]
    return gx @ params["out"]["W"] + params["out"]["b"]


def reference(x, edge_index, edge_weight, batch, params):
    max_count = batch.shape[0]
    return _forward(x, edge_index, batch, params, max_count)

if __name__ == "__main__":
    import jax
    _d = setup_inputs()
    print(jax.jit(kernel)(*tuple(_d.values())))

</pallas_src>

<mosaic_0001>
module attributes {stable_mosaic.version = 14 : i64} {
  func.func @kern(%arg0: i32, %arg1: i32, %arg2: i32, %arg3: memref<512x512xbf16, #tpu.memory_space<vmem>>, %arg4: memref<512x256xbf16, #tpu.memory_space<vmem>>, %arg5: memref<512x256xf32, #tpu.memory_space<vmem>>, %arg6: memref<512x256xbf16, #tpu.memory_space<vmem>>, %arg7: memref<512x256xf32, #tpu.memory_space<vmem>>) attributes {dimension_semantics = [#tpu.dimension_semantics<parallel>, #tpu.dimension_semantics<parallel>, #tpu.dimension_semantics<arbitrary>], iteration_bounds = array<i64: 20, 1, 20>, scalar_prefetch = 0 : i64, scratch_operands = 1 : i64, tpu.core_type = #tpu.core_type<tc>, window_params = [{transform_indices = @transform_0, window_bounds = array<i64: 512, 512>}, {transform_indices = @transform_1, window_bounds = array<i64: 512, 256>}, {transform_indices = @transform_2, window_bounds = array<i64: 512, 256>}, {transform_indices = @transform_3, window_bounds = array<i64: 512, 256>}]} {
    %eq3A = arith.constant 0 : i32
    %eq3A_0 = arith.cmpi eq, %arg2, %eq3A : i32
    %convert_element_type3A = arith.extui %eq3A_0 : i1 to i32
    %cond3A = arith.constant 0 : i32
    %cond3A_1 = arith.cmpi ne, %convert_element_type3A, %cond3A : i32
    scf.if %cond3A_1 {
      %broadcast_in_dim3A = arith.constant 0.000000e+00 : f32
      %broadcast_in_dim3A_18 = vector.broadcast %broadcast_in_dim3A : f32 to vector<512x256xf32>
      %swap3A_19 = arith.constant 0 : index
      %swap3A_20 = arith.constant 0 : index
      %swap3A_21 = vector.load %arg7[%swap3A_19, %swap3A_20] : memref<512x256xf32, #tpu.memory_space<vmem>>, vector<512x256xf32>
      tpu.vector_store %arg7[%swap3A_19, %swap3A_20], %broadcast_in_dim3A_18 {strides = array<i32>} : memref<512x256xf32, #tpu.memory_space<vmem>>, vector<512x256xf32>,
    } else {
    }
    %get3A = arith.constant 0 : index
    %get3A_2 = arith.constant 0 : index
    %get3A_3 = vector.load %arg7[%get3A, %get3A_2] : memref<512x256xf32, #tpu.memory_space<vmem>>, vector<512x256xf32>
    %get3A_4 = arith.constant 0 : index
    %get3A_5 = arith.constant 0 : index
    %get3A_6 = vector.load %arg3[%get3A_4, %get3A_5] : memref<512x512xbf16, #tpu.memory_space<vmem>>, vector<512x512xbf16>
    %get3A_7 = arith.constant 0 : index
    %get3A_8 = arith.constant 0 : index
    %get3A_9 = vector.load %arg4[%get3A_7, %get3A_8] : memref<512x256xbf16, #tpu.memory_space<vmem>>, vector<512x256xbf16>
    %dot_general3A = arith.constant dense<0.000000e+00> : vector<512x256xf32>
    %dot_general3A_10 = tpu.matmul %get3A_6, %get3A_9, %dot_general3A {dimension_numbers = #tpu.dot_dimension_numbers<[1], [0], [0], [1], [0, 0, 1, 1], [], []>, transpose_lhs_hint = false} : vector<512x512xbf16>, vector<512x256xbf16>, vector<512x256xf32> -> vector<512x256xf32>
    %add3A = arith.addf %get3A_3, %dot_general3A_10 : vector<512x256xf32>
    %swap3A = arith.constant 0 : index
    %swap3A_11 = arith.constant 0 : index
    %swap3A_12 = vector.load %arg7[%swap3A, %swap3A_11] : memref<512x256xf32, #tpu.memory_space<vmem>>, vector<512x256xf32>
    tpu.vector_store %arg7[%swap3A, %swap3A_11], %add3A {strides = array<i32>} : memref<512x256xf32, #tpu.memory_space<vmem>>, vector<512x256xf32>,
    %eq3A_13 = arith.constant 19 : i32
    %eq3A_14 = arith.cmpi eq, %arg2, %eq3A_13 : i32
    %convert_element_type3A_15 = arith.extui %eq3A_14 : i1 to i32
    %cond3A_16 = arith.constant 0 : i32
    %cond3A_17 = arith.cmpi ne, %convert_element_type3A_15, %cond3A_16 : i32
    scf.if %cond3A_17 {
      %get3A_18 = arith.constant 0 : index
      %get3A_19 = arith.constant 0 : index
      %get3A_20 = vector.load %arg7[%get3A_18, %get3A_19] : memref<512x256xf32, #tpu.memory_space<vmem>>, vector<512x256xf32>
      %get3A_21 = arith.constant 0 : index
      %get3A_22 = arith.constant 0 : index
      %get3A_23 = vector.load %arg5[%get3A_21, %get3A_22] : memref<512x256xf32, #tpu.memory_space<vmem>>, vector<512x256xf32>
      %add3A_24 = arith.addf %get3A_20, %get3A_23 : vector<512x256xf32>
      %convert_element_type3A_25 = arith.truncf %add3A_24 : vector<512x256xf32> to vector<512x256xbf16>
      %swap3A_26 = arith.constant 0 : index
      %swap3A_27 = arith.constant 0 : index
      %swap3A_28 = vector.load %arg6[%swap3A_26, %swap3A_27] : memref<512x256xbf16, #tpu.memory_space<vmem>>, vector<512x256xbf16>
      tpu.vector_store %arg6[%swap3A_26, %swap3A_27], %convert_element_type3A_25 {strides = array<i32>} : memref<512x256xbf16, #tpu.memory_space<vmem>>, vector<512x256xbf16>,
    } else {
    }
    return
  }
  func.func @transform_0(%arg0: i32, %arg1: i32, %arg2: i32) -> (i32, i32) {
    %c0_i32 = arith.constant 0 : i32
    return %arg0, %arg2 : i32, i32
  }
  func.func @transform_1(%arg0: i32, %arg1: i32, %arg2: i32) -> (i32, i32) {
    %c0_i32 = arith.constant 0 : i32
    return %arg2, %arg1 : i32, i32
  }
  func.func @transform_2(%arg0: i32, %arg1: i32, %arg2: i32) -> (i32, i32) {
    %c0_i32 = arith.constant 0 : i32
    return %arg0, %arg1 : i32, i32
  }
  func.func @transform_3(%arg0: i32, %arg1: i32, %arg2: i32) -> (i32, i32) {
    %c0_i32 = arith.constant 0 : i32
    return %arg0, %arg1 : i32, i32
  }
}

module attributes {stable_mosaic.version = 14 : i64} {
  func.func @kern(%arg0: i32, %arg1: i32, %arg2: i32, %arg3: memref<512x128xbf16, #tpu.memory_space<vmem>>, %arg4: memref<128x256xbf16, #tpu.memory_space<vmem>>, %arg5: memref<8x256xf32, #tpu.memory_space<vmem>>, %arg6: memref<512x256xbf16, #tpu.memory_space<vmem>>, %arg7: memref<512x256xf32, #tpu.memory_space<vmem>>) attributes {dimension_semantics = [#tpu.dimension_semantics<parallel>, #tpu.dimension_semantics<parallel>, #tpu.dimension_semantics<arbitrary>], iteration_bounds = array<i64: 20, 1, 1>, scalar_prefetch = 0 : i64, scratch_operands = 1 : i64, tpu.core_type = #tpu.core_type<tc>, window_params = [{transform_indices = @transform_0, window_bounds = array<i64: 512, 128>}, {transform_indices = @transform_1, window_bounds = array<i64: 128, 256>}, {transform_indices = @transform_2, window_bounds = array<i64: 8, 256>}, {transform_indices = @transform_3, window_bounds = array<i64: 512, 256>}]} {
    %eq3A = arith.constant 0 : i32
    %eq3A_0 = arith.cmpi eq, %arg2, %eq3A : i32
    %convert_element_type3A = arith.extui %eq3A_0 : i1 to i32
    %cond3A = arith.constant 0 : i32
    %cond3A_1 = arith.cmpi ne, %convert_element_type3A, %cond3A : i32
    scf.if %cond3A_1 {
      %broadcast_in_dim3A = arith.constant 0.000000e+00 : f32
      %broadcast_in_dim3A_18 = vector.broadcast %broadcast_in_dim3A : f32 to vector<512x256xf32>
      %swap3A_19 = arith.constant 0 : index
      %swap3A_20 = arith.constant 0 : index
      %swap3A_21 = vector.load %arg7[%swap3A_19, %swap3A_20] : memref<512x256xf32, #tpu.memory_space<vmem>>, vector<512x256xf32>
      tpu.vector_store %arg7[%swap3A_19, %swap3A_20], %broadcast_in_dim3A_18 {strides = array<i32>} : memref<512x256xf32, #tpu.memory_space<vmem>>, vector<512x256xf32>,
    } else {
    }
    %get3A = arith.constant 0 : index
    %get3A_2 = arith.constant 0 : index
    %get3A_3 = vector.load %arg7[%get3A, %get3A_2] : memref<512x256xf32, #tpu.memory_space<vmem>>, vector<512x256xf32>
    %get3A_4 = arith.constant 0 : index
    %get3A_5 = arith.constant 0 : index
    %get3A_6 = vector.load %arg3[%get3A_4, %get3A_5] : memref<512x128xbf16, #tpu.memory_space<vmem>>, vector<512x128xbf16>
    %get3A_7 = arith.constant 0 : index
    %get3A_8 = arith.constant 0 : index
    %get3A_9 = vector.load %arg4[%get3A_7, %get3A_8] : memref<128x256xbf16, #tpu.memory_space<vmem>>, vector<128x256xbf16>
    %dot_general3A = arith.constant dense<0.000000e+00> : vector<512x256xf32>
    %dot_general3A_10 = tpu.matmul %get3A_6, %get3A_9, %dot_general3A {dimension_numbers = #tpu.dot_dimension_numbers<[1], [0], [0], [1], [0, 0, 1, 1], [], []>, transpose_lhs_hint = false} : vector<512x128xbf16>, vector<128x256xbf16>, vector<512x256xf32> -> vector<512x256xf32>
    %add3A = arith.addf %get3A_3, %dot_general3A_10 : vector<512x256xf32>
    %swap3A = arith.constant 0 : index
    %swap3A_11 = arith.constant 0 : index
    %swap3A_12 = vector.load %arg7[%swap3A, %swap3A_11] : memref<512x256xf32, #tpu.memory_space<vmem>>, vector<512x256xf32>
    tpu.vector_store %arg7[%swap3A, %swap3A_11], %add3A {strides = array<i32>} : memref<512x256xf32, #tpu.memory_space<vmem>>, vector<512x256xf32>,
    %eq3A_13 = arith.constant 0 : i32
    %eq3A_14 = arith.cmpi eq, %arg2, %eq3A_13 : i32
    %convert_element_type3A_15 = arith.extui %eq3A_14 : i1 to i32
    %cond3A_16 = arith.constant 0 : i32
    %cond3A_17 = arith.cmpi ne, %convert_element_type3A_15, %cond3A_16 : i32
    scf.if %cond3A_17 {
      %get3A_18 = arith.constant 0 : index
      %get3A_19 = arith.constant 0 : index
      %get3A_20 = vector.load %arg7[%get3A_18, %get3A_19] : memref<512x256xf32, #tpu.memory_space<vmem>>, vector<512x256xf32>
      %get3A_21 = arith.constant 0 : index
      %get3A_22 = arith.constant 0 : index
      %get3A_23 = vector.load %arg5[%get3A_21, %get3A_22] : memref<8x256xf32, #tpu.memory_space<vmem>>, vector<1x256xf32>
      %add3A_24 = vector.broadcast %get3A_23 : vector<1x256xf32> to vector<512x256xf32>
      %add3A_25 = arith.addf %get3A_20, %add3A_24 : vector<512x256xf32>
      %max3A = arith.constant 0.000000e+00 : f32
      %max3A_26 = vector.broadcast %max3A : f32 to vector<512x256xf32>
      %max3A_27 = arith.maximumf %add3A_25, %max3A_26 : vector<512x256xf32>
      %convert_element_type3A_28 = arith.truncf %max3A_27 : vector<512x256xf32> to vector<512x256xbf16>
      %swap3A_29 = arith.constant 0 : index
      %swap3A_30 = arith.constant 0 : index
      %swap3A_31 = vector.load %arg6[%swap3A_29, %swap3A_30] : memref<512x256xbf16, #tpu.memory_space<vmem>>, vector<512x256xbf16>
      tpu.vector_store %arg6[%swap3A_29, %swap3A_30], %convert_element_type3A_28 {strides = array<i32>} : memref<512x256xbf16, #tpu.memory_space<vmem>>, vector<512x256xbf16>,
    } else {
    }
    return
  }
  func.func @transform_0(%arg0: i32, %arg1: i32, %arg2: i32) -> (i32, i32) {
    %c0_i32 = arith.constant 0 : i32
    return %arg0, %arg2 : i32, i32
  }
  func.func @transform_1(%arg0: i32, %arg1: i32, %arg2: i32) -> (i32, i32) {
    %c0_i32 = arith.constant 0 : i32
    return %arg2, %arg1 : i32, i32
  }
  func.func @transform_2(%arg0: i32, %arg1: i32, %arg2: i32) -> (i32, i32) {
    %c0_i32 = arith.constant 0 : i32
    %c0_i32_0 = arith.constant 0 : i32
    return %c0_i32, %arg1 : i32, i32
  }
  func.func @transform_3(%arg0: i32, %arg1: i32, %arg2: i32) -> (i32, i32) {
    %c0_i32 = arith.constant 0 : i32
    return %arg0, %arg1 : i32, i32
  }
}

module attributes {stable_mosaic.version = 14 : i64} {
  func.func @kern(%arg0: i32, %arg1: i32, %arg2: i32, %arg3: memref<512x256xbf16, #tpu.memory_space<vmem>>, %arg4: memref<256x256xbf16, #tpu.memory_space<vmem>>, %arg5: memref<8x256xf32, #tpu.memory_space<vmem>>, %arg6: memref<512x256xbf16, #tpu.memory_space<vmem>>, %arg7: memref<8x256xf32, #tpu.memory_space<vmem>>, %arg8: memref<512x256xf32, #tpu.memory_space<vmem>>) attributes {dimension_semantics = [#tpu.dimension_semantics<arbitrary>, #tpu.dimension_semantics<parallel>, #tpu.dimension_semantics<arbitrary>], iteration_bounds = array<i64: 20, 1, 1>, scalar_prefetch = 0 : i64, scratch_operands = 1 : i64, tpu.core_type = #tpu.core_type<tc>, window_params = [{transform_indices = @transform_0, window_bounds = array<i64: 512, 256>}, {transform_indices = @transform_1, window_bounds = array<i64: 256, 256>}, {transform_indices = @transform_2, window_bounds = array<i64: 8, 256>}, {transform_indices = @transform_3, window_bounds = array<i64: 512, 256>}, {transform_indices = @transform_4, window_bounds = array<i64: 8, 256>}]} {
    %eq3A = arith.constant 0 : i32
    %eq3A_0 = arith.cmpi eq, %arg2, %eq3A : i32
    %convert_element_type3A = arith.extui %eq3A_0 : i1 to i32
    %cond3A = arith.constant 0 : i32
    %cond3A_1 = arith.cmpi ne, %convert_element_type3A, %cond3A : i32
    scf.if %cond3A_1 {
      %broadcast_in_dim3A = arith.constant 0.000000e+00 : f32
      %broadcast_in_dim3A_18 = vector.broadcast %broadcast_in_dim3A : f32 to vector<512x256xf32>
      %swap3A_19 = arith.constant 0 : index
      %swap3A_20 = arith.constant 0 : index
      %swap3A_21 = vector.load %arg8[%swap3A_19, %swap3A_20] : memref<512x256xf32, #tpu.memory_space<vmem>>, vector<512x256xf32>
      tpu.vector_store %arg8[%swap3A_19, %swap3A_20], %broadcast_in_dim3A_18 {strides = array<i32>} : memref<512x256xf32, #tpu.memory_space<vmem>>, vector<512x256xf32>,
    } else {
    }
    %get3A = arith.constant 0 : index
    %get3A_2 = arith.constant 0 : index
    %get3A_3 = vector.load %arg8[%get3A, %get3A_2] : memref<512x256xf32, #tpu.memory_space<vmem>>, vector<512x256xf32>
    %get3A_4 = arith.constant 0 : index
    %get3A_5 = arith.constant 0 : index
    %get3A_6 = vector.load %arg3[%get3A_4, %get3A_5] : memref<512x256xbf16, #tpu.memory_space<vmem>>, vector<512x256xbf16>
    %get3A_7 = arith.constant 0 : index
    %get3A_8 = arith.constant 0 : index
    %get3A_9 = vector.load %arg4[%get3A_7, %get3A_8] : memref<256x256xbf16, #tpu.memory_space<vmem>>, vector<256x256xbf16>
    %dot_general3A = arith.constant dense<0.000000e+00> : vector<512x256xf32>
    %dot_general3A_10 = tpu.matmul %get3A_6, %get3A_9, %dot_general3A {dimension_numbers = #tpu.dot_dimension_numbers<[1], [0], [0], [1], [0, 0, 1, 1], [], []>, transpose_lhs_hint = false} : vector<512x256xbf16>, vector<256x256xbf16>, vector<512x256xf32> -> vector<512x256xf32>
    %add3A = arith.addf %get3A_3, %dot_general3A_10 : vector<512x256xf32>
    %swap3A = arith.constant 0 : index
    %swap3A_11 = arith.constant 0 : index
    %swap3A_12 = vector.load %arg8[%swap3A, %swap3A_11] : memref<512x256xf32, #tpu.memory_space<vmem>>, vector<512x256xf32>
    tpu.vector_store %arg8[%swap3A, %swap3A_11], %add3A {strides = array<i32>} : memref<512x256xf32, #tpu.memory_space<vmem>>, vector<512x256xf32>,
    %eq3A_13 = arith.constant 0 : i32
    %eq3A_14 = arith.cmpi eq, %arg2, %eq3A_13 : i32
    %convert_element_type3A_15 = arith.extui %eq3A_14 : i1 to i32
    %cond3A_16 = arith.constant 0 : i32
    %cond3A_17 = arith.cmpi ne, %convert_element_type3A_15, %cond3A_16 : i32
    scf.if %cond3A_17 {
      %get3A_18 = arith.constant 0 : index
      %get3A_19 = arith.constant 0 : index
      %get3A_20 = vector.load %arg8[%get3A_18, %get3A_19] : memref<512x256xf32, #tpu.memory_space<vmem>>, vector<512x256xf32>
      %get3A_21 = arith.constant 0 : index
      %get3A_22 = arith.constant 0 : index
      %get3A_23 = vector.load %arg5[%get3A_21, %get3A_22] : memref<8x256xf32, #tpu.memory_space<vmem>>, vector<1x256xf32>
      %add3A_24 = vector.broadcast %get3A_23 : vector<1x256xf32> to vector<512x256xf32>
      %add3A_25 = arith.addf %get3A_20, %add3A_24 : vector<512x256xf32>
      %convert_element_type3A_26 = arith.truncf %add3A_25 : vector<512x256xf32> to vector<512x256xbf16>
      %swap3A_27 = arith.constant 0 : index
      %swap3A_28 = arith.constant 0 : index
      %swap3A_29 = vector.load %arg6[%swap3A_27, %swap3A_28] : memref<512x256xbf16, #tpu.memory_space<vmem>>, vector<512x256xbf16>
      tpu.vector_store %arg6[%swap3A_27, %swap3A_28], %convert_element_type3A_26 {strides = array<i32>} : memref<512x256xbf16, #tpu.memory_space<vmem>>, vector<512x256xbf16>,
      %eq3A_30 = arith.constant 0 : i32
      %eq3A_31 = arith.cmpi eq, %arg0, %eq3A_30 : i32
      %convert_element_type3A_32 = arith.extui %eq3A_31 : i1 to i32
      %cond3A_33 = arith.constant 0 : i32
      %cond3A_34 = arith.cmpi ne, %convert_element_type3A_32, %cond3A_33 : i32
      scf.if %cond3A_34 {
        %broadcast_in_dim3A_62 = arith.constant 0.000000e+00 : f32
        %broadcast_in_dim3A_63 = vector.broadcast %broadcast_in_dim3A_62 : f32 to vector<8x256xf32>
        %swap3A_64 = arith.constant 0 : index
        %swap3A_65 = arith.constant 0 : index
        %swap3A_66 = vector.load %arg7[%swap3A_64, %swap3A_65] : memref<8x256xf32, #tpu.memory_space<vmem>>, vector<8x256xf32>
        tpu.vector_store %arg7[%swap3A_64, %swap3A_65], %broadcast_in_dim3A_63 {strides = array<i32>} : memref<8x256xf32, #tpu.memory_space<vmem>>, vector<8x256xf32>,
      } else {
      }
      %iota3A = tpu.iota {dimensions = array<i32: 0>} : vector<512x1xi32>
      %mul3A = arith.constant 512 : i32
      %mul3A_35 = arith.muli %arg0, %mul3A : i32
      %add3A_36 = vector.broadcast %mul3A_35 : i32 to vector<512x1xi32>
      %add3A_37 = arith.addi %iota3A, %add3A_36 : vector<512x1xi32>
      %lt3A = arith.constant 10000 : i32
      %lt3A_38 = vector.broadcast %lt3A : i32 to vector<512x1xi32>
      %lt3A_39 = arith.cmpi slt, %add3A_37, %lt3A_38 : vector<512x1xi32>
      %jit3A = arith.constant 0.000000e+00 : f32
      %broadcast_in_dim3A = vector.shape_cast %lt3A_39 : vector<512x1xi1> to vector<512x1xi1>
      %broadcast_in_dim3A_40 = vector.broadcast %broadcast_in_dim3A : vector<512x1xi1> to vector<512x256xi1>
      %broadcast_in_dim3A_41 = vector.broadcast %jit3A : f32 to vector<512x256xf32>
      %select_n3A = arith.select %broadcast_in_dim3A_40, %add3A_25, %broadcast_in_dim3A_41 : vector<512x256xi1>, vector<512x256xf32>
      %get3A_42 = arith.constant 0 : index
      %get3A_43 = arith.constant 0 : index
      %get3A_44 = vector.load %arg7[%get3A_42, %get3A_43] : memref<8x256xf32, #tpu.memory_space<vmem>>, vector<1x256xf32>
      %reduce_sum3A = arith.constant dense<0.000000e+00> : vector<256xf32>
      %reduce_sum3A_45 = vector.multi_reduction <add>, %select_n3A, %reduce_sum3A [0] : vector<512x256xf32> to vector<256xf32>
      %broadcast_in_dim3A_46 = vector.shape_cast %reduce_sum3A_45 : vector<256xf32> to vector<1x256xf32>
      %add3A_47 = arith.addf %get3A_44, %broadcast_in_dim3A_46 : vector<1x256xf32>
      %swap3A_48 = arith.constant 0 : index
      %swap3A_49 = arith.constant 0 : index
      %swap3A_50 = vector.load %arg7[%swap3A_48, %swap3A_49] : memref<8x256xf32, #tpu.memory_space<vmem>>, vector<1x256xf32>
      tpu.vector_store %arg7[%swap3A_48, %swap3A_49], %add3A_47 {strides = array<i32>} : memref<8x256xf32, #tpu.memory_space<vmem>>, vector<1x256xf32>,
      %get3A_51 = arith.constant 1 : index
      %get3A_52 = arith.constant 0 : index
      %get3A_53 = vector.load %arg7[%get3A_51, %get3A_52] : memref<8x256xf32, #tpu.memory_space<vmem>>, vector<1x256xf32>
      %mul3A_54 = arith.mulf %select_n3A, %select_n3A : vector<512x256xf32>
      %reduce_sum3A_55 = arith.constant dense<0.000000e+00> : vector<256xf32>
      %reduce_sum3A_56 = vector.multi_reduction <add>, %mul3A_54, %reduce_sum3A_55 [0] : vector<512x256xf32> to vector<256xf32>
      %broadcast_in_dim3A_57 = vector.shape_cast %reduce_sum3A_56 : vector<256xf32> to vector<1x256xf32>
      %add3A_58 = arith.addf %get3A_53, %broadcast_in_dim3A_57 : vector<1x256xf32>
      %swap3A_59 = arith.constant 1 : index
      %swap3A_60 = arith.constant 0 : index
      %swap3A_61 = vector.load %arg7[%swap3A_59, %swap3A_60] : memref<8x256xf32, #tpu.memory_space<vmem>>, vector<1x256xf32>
      tpu.vector_store %arg7[%swap3A_59, %swap3A_60], %add3A_58 {strides = array<i32>} : memref<8x256xf32, #tpu.memory_space<vmem>>, vector<1x256xf32>,
    } else {
    }
    return
  }
  func.func @transform_0(%arg0: i32, %arg1: i32, %arg2: i32) -> (i32, i32) {
    %c0_i32 = arith.constant 0 : i32
    return %arg0, %arg2 : i32, i32
  }
  func.func @transform_1(%arg0: i32, %arg1: i32, %arg2: i32) -> (i32, i32) {
    %c0_i32 = arith.constant 0 : i32
    return %arg2, %arg1 : i32, i32
  }
  func.func @transform_2(%arg0: i32, %arg1: i32, %arg2: i32) -> (i32, i32) {
    %c0_i32 = arith.constant 0 : i32
    %c0_i32_0 = arith.constant 0 : i32
    return %c0_i32, %arg1 : i32, i32
  }
  func.func @transform_3(%arg0: i32, %arg1: i32, %arg2: i32) -> (i32, i32) {
    %c0_i32 = arith.constant 0 : i32
    return %arg0, %arg1 : i32, i32
  }
  func.func @transform_4(%arg0: i32, %arg1: i32, %arg2: i32) -> (i32, i32) {
    %c0_i32 = arith.constant 0 : i32
    %c0_i32_0 = arith.constant 0 : i32
    return %c0_i32, %arg1 : i32, i32
  }
}

module attributes {stable_mosaic.version = 14 : i64} {
  func.func @kern(%arg0: i32, %arg1: memref<512x256xbf16, #tpu.memory_space<vmem>>, %arg2: memref<8x256xf32, #tpu.memory_space<vmem>>, %arg3: memref<8x256xf32, #tpu.memory_space<vmem>>, %arg4: memref<8x256xf32, #tpu.memory_space<vmem>>, %arg5: memref<512x256xbf16, #tpu.memory_space<vmem>>) attributes {dimension_semantics = [#tpu.dimension_semantics<arbitrary>], iteration_bounds = array<i64: 20>, scalar_prefetch = 0 : i64, scratch_operands = 0 : i64, tpu.core_type = #tpu.core_type<tc>, window_params = [{transform_indices = @transform_0, window_bounds = array<i64: 512, 256>}, {pipeline_mode = #tpu.pipeline_mode<synchronous>, transform_indices = @transform_1, window_bounds = array<i64: 8, 256>}, {pipeline_mode = #tpu.pipeline_mode<synchronous>, transform_indices = @transform_2, window_bounds = array<i64: 8, 256>}, {pipeline_mode = #tpu.pipeline_mode<synchronous>, transform_indices = @transform_3, window_bounds = array<i64: 8, 256>}, {transform_indices = @transform_4, window_bounds = array<i64: 512, 256>}]} {
    %get3A = arith.constant 0 : index
    %get3A_0 = arith.constant 0 : index
    %get3A_1 = vector.load %arg2[%get3A, %get3A_0] : memref<8x256xf32, #tpu.memory_space<vmem>>, vector<1x256xf32>
    %mul3A = arith.constant 9.99999974E-5 : f32
    %mul3A_2 = vector.broadcast %mul3A : f32 to vector<1x256xf32>
    %mul3A_3 = arith.mulf %get3A_1, %mul3A_2 : vector<1x256xf32>
    %get3A_4 = arith.constant 1 : index
    %get3A_5 = arith.constant 0 : index
    %get3A_6 = vector.load %arg2[%get3A_4, %get3A_5] : memref<8x256xf32, #tpu.memory_space<vmem>>, vector<1x256xf32>
    %mul3A_7 = arith.constant 9.99999974E-5 : f32
    %mul3A_8 = vector.broadcast %mul3A_7 : f32 to vector<1x256xf32>
    %mul3A_9 = arith.mulf %get3A_6, %mul3A_8 : vector<1x256xf32>
    %mul3A_10 = arith.mulf %mul3A_3, %mul3A_3 : vector<1x256xf32>
    %sub3A = arith.subf %mul3A_9, %mul3A_10 : vector<1x256xf32>
    %add3A = arith.constant 9.99999974E-6 : f32
    %add3A_11 = vector.broadcast %add3A : f32 to vector<1x256xf32>
    %add3A_12 = arith.addf %sub3A, %add3A_11 : vector<1x256xf32>
    %rsqrt3A = math.rsqrt %add3A_12 : vector<1x256xf32>
    %get3A_13 = arith.constant 0 : index
    %get3A_14 = arith.constant 0 : index
    %get3A_15 = vector.load %arg3[%get3A_13, %get3A_14] : memref<8x256xf32, #tpu.memory_space<vmem>>, vector<1x256xf32>
    %mul3A_16 = arith.mulf %rsqrt3A, %get3A_15 : vector<1x256xf32>
    %get3A_17 = arith.constant 0 : index
    %get3A_18 = arith.constant 0 : index
    %get3A_19 = vector.load %arg1[%get3A_17, %get3A_18] : memref<512x256xbf16, #tpu.memory_space<vmem>>, vector<512x256xbf16>
    %convert_element_type3A = arith.extf %get3A_19 : vector<512x256xbf16> to vector<512x256xf32>
    %sub3A_20 = vector.broadcast %mul3A_3 : vector<1x256xf32> to vector<512x256xf32>
    %sub3A_21 = arith.subf %convert_element_type3A, %sub3A_20 : vector<512x256xf32>
    %mul3A_22 = vector.broadcast %mul3A_16 : vector<1x256xf32> to vector<512x256xf32>
    %mul3A_23 = arith.mulf %sub3A_21, %mul3A_22 : vector<512x256xf32>
    %get3A_24 = arith.constant 0 : index
    %get3A_25 = arith.constant 0 : index
    %get3A_26 = vector.load %arg4[%get3A_24, %get3A_25] : memref<8x256xf32, #tpu.memory_space<vmem>>, vector<1x256xf32>
    %add3A_27 = vector.broadcast %get3A_26 : vector<1x256xf32> to vector<512x256xf32>
    %add3A_28 = arith.addf %mul3A_23, %add3A_27 : vector<512x256xf32>
    %max3A = arith.constant 0.000000e+00 : f32
    %max3A_29 = vector.broadcast %max3A : f32 to vector<512x256xf32>
    %max3A_30 = arith.maximumf %add3A_28, %max3A_29 : vector<512x256xf32>
    %convert_element_type3A_31 = arith.truncf %max3A_30 : vector<512x256xf32> to vector<512x256xbf16>
    %swap3A = arith.constant 0 : index
    %swap3A_32 = arith.constant 0 : index
    %swap3A_33 = vector.load %arg5[%swap3A, %swap3A_32] : memref<512x256xbf16, #tpu.memory_space<vmem>>, vector<512x256xbf16>
    tpu.vector_store %arg5[%swap3A, %swap3A_32], %convert_element_type3A_31 {strides = array<i32>} : memref<512x256xbf16, #tpu.memory_space<vmem>>, vector<512x256xbf16>,
    return
  }
  func.func @transform_0(%arg0: i32) -> (i32, i32) {
    %c0_i32 = arith.constant 0 : i32
    %c0_i32_0 = arith.constant 0 : i32
    return %arg0, %c0_i32 : i32, i32
  }
  func.func @transform_1(%arg0: i32) -> (i32, i32) {
    %c0_i32 = arith.constant 0 : i32
    %c0_i32_0 = arith.constant 0 : i32
    %c0_i32_1 = arith.constant 0 : i32
    return %c0_i32, %c0_i32_0 : i32, i32
  }
  func.func @transform_2(%arg0: i32) -> (i32, i32) {
    %c0_i32 = arith.constant 0 : i32
    %c0_i32_0 = arith.constant 0 : i32
    %c0_i32_1 = arith.constant 0 : i32
    return %c0_i32, %c0_i32_0 : i32, i32
  }
  func.func @transform_3(%arg0: i32) -> (i32, i32) {
    %c0_i32 = arith.constant 0 : i32
    %c0_i32_0 = arith.constant 0 : i32
    %c0_i32_1 = arith.constant 0 : i32
    return %c0_i32, %c0_i32_0 : i32, i32
  }
  func.func @transform_4(%arg0: i32) -> (i32, i32) {
    %c0_i32 = arith.constant 0 : i32
    %c0_i32_0 = arith.constant 0 : i32
    return %arg0, %c0_i32 : i32, i32
  }
}

module attributes {stable_mosaic.version = 14 : i64} {
  func.func @kern(%arg0: i32, %arg1: i32, %arg2: i32, %arg3: memref<512x512xbf16, #tpu.memory_space<vmem>>, %arg4: memref<512x256xbf16, #tpu.memory_space<vmem>>, %arg5: memref<512x256xbf16, #tpu.memory_space<vmem>>, %arg6: memref<512x256xbf16, #tpu.memory_space<vmem>>, %arg7: memref<512x256xf32, #tpu.memory_space<vmem>>) attributes {dimension_semantics = [#tpu.dimension_semantics<parallel>, #tpu.dimension_semantics<parallel>, #tpu.dimension_semantics<arbitrary>], iteration_bounds = array<i64: 20, 1, 20>, scalar_prefetch = 0 : i64, scratch_operands = 1 : i64, tpu.core_type = #tpu.core_type<tc>, window_params = [{transform_indices = @transform_0, window_bounds = array<i64: 512, 512>}, {transform_indices = @transform_1, window_bounds = array<i64: 512, 256>}, {transform_indices = @transform_2, window_bounds = array<i64: 512, 256>}, {transform_indices = @transform_3, window_bounds = array<i64: 512, 256>}]} {
    %eq3A = arith.constant 0 : i32
    %eq3A_0 = arith.cmpi eq, %arg2, %eq3A : i32
    %convert_element_type3A = arith.extui %eq3A_0 : i1 to i32
    %cond3A = arith.constant 0 : i32
    %cond3A_1 = arith.cmpi ne, %convert_element_type3A, %cond3A : i32
    scf.if %cond3A_1 {
      %broadcast_in_dim3A = arith.constant 0.000000e+00 : f32
      %broadcast_in_dim3A_18 = vector.broadcast %broadcast_in_dim3A : f32 to vector<512x256xf32>
      %swap3A_19 = arith.constant 0 : index
      %swap3A_20 = arith.constant 0 : index
      %swap3A_21 = vector.load %arg7[%swap3A_19, %swap3A_20] : memref<512x256xf32, #tpu.memory_space<vmem>>, vector<512x256xf32>
      tpu.vector_store %arg7[%swap3A_19, %swap3A_20], %broadcast_in_dim3A_18 {strides = array<i32>} : memref<512x256xf32, #tpu.memory_space<vmem>>, vector<512x256xf32>,
    } else {
    }
    %get3A = arith.constant 0 : index
    %get3A_2 = arith.constant 0 : index
    %get3A_3 = vector.load %arg7[%get3A, %get3A_2] : memref<512x256xf32, #tpu.memory_space<vmem>>, vector<512x256xf32>
    %get3A_4 = arith.constant 0 : index
    %get3A_5 = arith.constant 0 : index
    %get3A_6 = vector.load %arg3[%get3A_4, %get3A_5] : memref<512x512xbf16, #tpu.memory_space<vmem>>, vector<512x512xbf16>
    %get3A_7 = arith.constant 0 : index
    %get3A_8 = arith.constant 0 : index
    %get3A_9 = vector.load %arg4[%get3A_7, %get3A_8] : memref<512x256xbf16, #tpu.memory_space<vmem>>, vector<512x256xbf16>
    %dot_general3A = arith.constant dense<0.000000e+00> : vector<512x256xf32>
    %dot_general3A_10 = tpu.matmul %get3A_6, %get3A_9, %dot_general3A {dimension_numbers = #tpu.dot_dimension_numbers<[1], [0], [0], [1], [0, 0, 1, 1], [], []>, transpose_lhs_hint = false} : vector<512x512xbf16>, vector<512x256xbf16>, vector<512x256xf32> -> vector<512x256xf32>
    %add3A = arith.addf %get3A_3, %dot_general3A_10 : vector<512x256xf32>
    %swap3A = arith.constant 0 : index
    %swap3A_11 = arith.constant 0 : index
    %swap3A_12 = vector.load %arg7[%swap3A, %swap3A_11] : memref<512x256xf32, #tpu.memory_space<vmem>>, vector<512x256xf32>
    tpu.vector_store %arg7[%swap3A, %swap3A_11], %add3A {strides = array<i32>} : memref<512x256xf32, #tpu.memory_space<vmem>>, vector<512x256xf32>,
    %eq3A_13 = arith.constant 19 : i32
    %eq3A_14 = arith.cmpi eq, %arg2, %eq3A_13 : i32
    %convert_element_type3A_15 = arith.extui %eq3A_14 : i1 to i32
    %cond3A_16 = arith.constant 0 : i32
    %cond3A_17 = arith.cmpi ne, %convert_element_type3A_15, %cond3A_16 : i32
    scf.if %cond3A_17 {
      %get3A_18 = arith.constant 0 : index
      %get3A_19 = arith.constant 0 : index
      %get3A_20 = vector.load %arg7[%get3A_18, %get3A_19] : memref<512x256xf32, #tpu.memory_space<vmem>>, vector<512x256xf32>
      %get3A_21 = arith.constant 0 : index
      %get3A_22 = arith.constant 0 : index
      %get3A_23 = vector.load %arg5[%get3A_21, %get3A_22] : memref<512x256xbf16, #tpu.memory_space<vmem>>, vector<512x256xbf16>
      %convert_element_type3A_24 = arith.extf %get3A_23 : vector<512x256xbf16> to vector<512x256xf32>
      %add3A_25 = arith.addf %get3A_20, %convert_element_type3A_24 : vector<512x256xf32>
      %convert_element_type3A_26 = arith.truncf %add3A_25 : vector<512x256xf32> to vector<512x256xbf16>
      %swap3A_27 = arith.constant 0 : index
      %swap3A_28 = arith.constant 0 : index
      %swap3A_29 = vector.load %arg6[%swap3A_27, %swap3A_28] : memref<512x256xbf16, #tpu.memory_space<vmem>>, vector<512x256xbf16>
      tpu.vector_store %arg6[%swap3A_27, %swap3A_28], %convert_element_type3A_26 {strides = array<i32>} : memref<512x256xbf16, #tpu.memory_space<vmem>>, vector<512x256xbf16>,
    } else {
    }
    return
  }
  func.func @transform_0(%arg0: i32, %arg1: i32, %arg2: i32) -> (i32, i32) {
    %c0_i32 = arith.constant 0 : i32
    return %arg0, %arg2 : i32, i32
  }
  func.func @transform_1(%arg0: i32, %arg1: i32, %arg2: i32) -> (i32, i32) {
    %c0_i32 = arith.constant 0 : i32
    return %arg2, %arg1 : i32, i32
  }
  func.func @transform_2(%arg0: i32, %arg1: i32, %arg2: i32) -> (i32, i32) {
    %c0_i32 = arith.constant 0 : i32
    return %arg0, %arg1 : i32, i32
  }
  func.func @transform_3(%arg0: i32, %arg1: i32, %arg2: i32) -> (i32, i32) {
    %c0_i32 = arith.constant 0 : i32
    return %arg0, %arg1 : i32, i32
  }
}

module attributes {stable_mosaic.version = 14 : i64} {
  func.func @kern(%arg0: i32, %arg1: i32, %arg2: i32, %arg3: memref<512x256xbf16, #tpu.memory_space<vmem>>, %arg4: memref<256x512xbf16, #tpu.memory_space<vmem>>, %arg5: memref<8x512xf32, #tpu.memory_space<vmem>>, %arg6: memref<512x512xbf16, #tpu.memory_space<vmem>>, %arg7: memref<512x512xf32, #tpu.memory_space<vmem>>) attributes {dimension_semantics = [#tpu.dimension_semantics<parallel>, #tpu.dimension_semantics<parallel>, #tpu.dimension_semantics<arbitrary>], iteration_bounds = array<i64: 20, 1, 1>, scalar_prefetch = 0 : i64, scratch_operands = 1 : i64, tpu.core_type = #tpu.core_type<tc>, window_params = [{transform_indices = @transform_0, window_bounds = array<i64: 512, 256>}, {transform_indices = @transform_1, window_bounds = array<i64: 256, 512>}, {transform_indices = @transform_2, window_bounds = array<i64: 8, 512>}, {transform_indices = @transform_3, window_bounds = array<i64: 512, 512>}]} {
    %eq3A = arith.constant 0 : i32
    %eq3A_0 = arith.cmpi eq, %arg2, %eq3A : i32
    %convert_element_type3A = arith.extui %eq3A_0 : i1 to i32
    %cond3A = arith.constant 0 : i32
    %cond3A_1 = arith.cmpi ne, %convert_element_type3A, %cond3A : i32
    scf.if %cond3A_1 {
      %broadcast_in_dim3A = arith.constant 0.000000e+00 : f32
      %broadcast_in_dim3A_18 = vector.broadcast %broadcast_in_dim3A : f32 to vector<512x512xf32>
      %swap3A_19 = arith.constant 0 : index
      %swap3A_20 = arith.constant 0 : index
      %swap3A_21 = vector.load %arg7[%swap3A_19, %swap3A_20] : memref<512x512xf32, #tpu.memory_space<vmem>>, vector<512x512xf32>
      tpu.vector_store %arg7[%swap3A_19, %swap3A_20], %broadcast_in_dim3A_18 {strides = array<i32>} : memref<512x512xf32, #tpu.memory_space<vmem>>, vector<512x512xf32>,
    } else {
    }
    %get3A = arith.constant 0 : index
    %get3A_2 = arith.constant 0 : index
    %get3A_3 = vector.load %arg7[%get3A, %get3A_2] : memref<512x512xf32, #tpu.memory_space<vmem>>, vector<512x512xf32>
    %get3A_4 = arith.constant 0 : index
    %get3A_5 = arith.constant 0 : index
    %get3A_6 = vector.load %arg3[%get3A_4, %get3A_5] : memref<512x256xbf16, #tpu.memory_space<vmem>>, vector<512x256xbf16>
    %get3A_7 = arith.constant 0 : index
    %get3A_8 = arith.constant 0 : index
    %get3A_9 = vector.load %arg4[%get3A_7, %get3A_8] : memref<256x512xbf16, #tpu.memory_space<vmem>>, vector<256x512xbf16>
    %dot_general3A = arith.constant dense<0.000000e+00> : vector<512x512xf32>
    %dot_general3A_10 = tpu.matmul %get3A_6, %get3A_9, %dot_general3A {dimension_numbers = #tpu.dot_dimension_numbers<[1], [0], [0], [1], [0, 0, 1, 1], [], []>, transpose_lhs_hint = false} : vector<512x256xbf16>, vector<256x512xbf16>, vector<512x512xf32> -> vector<512x512xf32>
    %add3A = arith.addf %get3A_3, %dot_general3A_10 : vector<512x512xf32>
    %swap3A = arith.constant 0 : index
    %swap3A_11 = arith.constant 0 : index
    %swap3A_12 = vector.load %arg7[%swap3A, %swap3A_11] : memref<512x512xf32, #tpu.memory_space<vmem>>, vector<512x512xf32>
    tpu.vector_store %arg7[%swap3A, %swap3A_11], %add3A {strides = array<i32>} : memref<512x512xf32, #tpu.memory_space<vmem>>, vector<512x512xf32>,
    %eq3A_13 = arith.constant 0 : i32
    %eq3A_14 = arith.cmpi eq, %arg2, %eq3A_13 : i32
    %convert_element_type3A_15 = arith.extui %eq3A_14 : i1 to i32
    %cond3A_16 = arith.constant 0 : i32
    %cond3A_17 = arith.cmpi ne, %convert_element_type3A_15, %cond3A_16 : i32
    scf.if %cond3A_17 {
      %get3A_18 = arith.constant 0 : index
      %get3A_19 = arith.constant 0 : index
      %get3A_20 = vector.load %arg7[%get3A_18, %get3A_19] : memref<512x512xf32, #tpu.memory_space<vmem>>, vector<512x512xf32>
      %get3A_21 = arith.constant 0 : index
      %get3A_22 = arith.constant 0 : index
      %get3A_23 = vector.load %arg5[%get3A_21, %get3A_22] : memref<8x512xf32, #tpu.memory_space<vmem>>, vector<1x512xf32>
      %add3A_24 = vector.broadcast %get3A_23 : vector<1x512xf32> to vector<512x512xf32>
      %add3A_25 = arith.addf %get3A_20, %add3A_24 : vector<512x512xf32>
      %max3A = arith.constant 0.000000e+00 : f32
      %max3A_26 = vector.broadcast %max3A : f32 to vector<512x512xf32>
      %max3A_27 = arith.maximumf %add3A_25, %max3A_26 : vector<512x512xf32>
      %convert_element_type3A_28 = arith.truncf %max3A_27 : vector<512x512xf32> to vector<512x512xbf16>
      %swap3A_29 = arith.constant 0 : index
      %swap3A_30 = arith.constant 0 : index
      %swap3A_31 = vector.load %arg6[%swap3A_29, %swap3A_30] : memref<512x512xbf16, #tpu.memory_space<vmem>>, vector<512x512xbf16>
      tpu.vector_store %arg6[%swap3A_29, %swap3A_30], %convert_element_type3A_28 {strides = array<i32>} : memref<512x512xbf16, #tpu.memory_space<vmem>>, vector<512x512xbf16>,
    } else {
    }
    return
  }
  func.func @transform_0(%arg0: i32, %arg1: i32, %arg2: i32) -> (i32, i32) {
    %c0_i32 = arith.constant 0 : i32
    return %arg0, %arg2 : i32, i32
  }
  func.func @transform_1(%arg0: i32, %arg1: i32, %arg2: i32) -> (i32, i32) {
    %c0_i32 = arith.constant 0 : i32
    return %arg2, %arg1 : i32, i32
  }
  func.func @transform_2(%arg0: i32, %arg1: i32, %arg2: i32) -> (i32, i32) {
    %c0_i32 = arith.constant 0 : i32
    %c0_i32_0 = arith.constant 0 : i32
    return %c0_i32, %arg1 : i32, i32
  }
  func.func @transform_3(%arg0: i32, %arg1: i32, %arg2: i32) -> (i32, i32) {
    %c0_i32 = arith.constant 0 : i32
    return %arg0, %arg1 : i32, i32
  }
}

module attributes {stable_mosaic.version = 14 : i64} {
  func.func @kern(%arg0: i32, %arg1: i32, %arg2: i32, %arg3: memref<512x512xbf16, #tpu.memory_space<vmem>>, %arg4: memref<512x512xbf16, #tpu.memory_space<vmem>>, %arg5: memref<8x512xf32, #tpu.memory_space<vmem>>, %arg6: memref<512x512xbf16, #tpu.memory_space<vmem>>, %arg7: memref<8x512xf32, #tpu.memory_space<vmem>>, %arg8: memref<512x512xf32, #tpu.memory_space<vmem>>) attributes {dimension_semantics = [#tpu.dimension_semantics<arbitrary>, #tpu.dimension_semantics<parallel>, #tpu.dimension_semantics<arbitrary>], iteration_bounds = array<i64: 20, 1, 1>, scalar_prefetch = 0 : i64, scratch_operands = 1 : i64, tpu.core_type = #tpu.core_type<tc>, window_params = [{transform_indices = @transform_0, window_bounds = array<i64: 512, 512>}, {transform_indices = @transform_1, window_bounds = array<i64: 512, 512>}, {transform_indices = @transform_2, window_bounds = array<i64: 8, 512>}, {transform_indices = @transform_3, window_bounds = array<i64: 512, 512>}, {transform_indices = @transform_4, window_bounds = array<i64: 8, 512>}]} {
    %eq3A = arith.constant 0 : i32
    %eq3A_0 = arith.cmpi eq, %arg2, %eq3A : i32
    %convert_element_type3A = arith.extui %eq3A_0 : i1 to i32
    %cond3A = arith.constant 0 : i32
    %cond3A_1 = arith.cmpi ne, %convert_element_type3A, %cond3A : i32
    scf.if %cond3A_1 {
      %broadcast_in_dim3A = arith.constant 0.000000e+00 : f32
      %broadcast_in_dim3A_18 = vector.broadcast %broadcast_in_dim3A : f32 to vector<512x512xf32>
      %swap3A_19 = arith.constant 0 : index
      %swap3A_20 = arith.constant 0 : index
      %swap3A_21 = vector.load %arg8[%swap3A_19, %swap3A_20] : memref<512x512xf32, #tpu.memory_space<vmem>>, vector<512x512xf32>
      tpu.vector_store %arg8[%swap3A_19, %swap3A_20], %broadcast_in_dim3A_18 {strides = array<i32>} : memref<512x512xf32, #tpu.memory_space<vmem>>, vector<512x512xf32>,
    } else {
    }
    %get3A = arith.constant 0 : index
    %get3A_2 = arith.constant 0 : index
    %get3A_3 = vector.load %arg8[%get3A, %get3A_2] : memref<512x512xf32, #tpu.memory_space<vmem>>, vector<512x512xf32>
    %get3A_4 = arith.constant 0 : index
    %get3A_5 = arith.constant 0 : index
    %get3A_6 = vector.load %arg3[%get3A_4, %get3A_5] : memref<512x512xbf16, #tpu.memory_space<vmem>>, vector<512x512xbf16>
    %get3A_7 = arith.constant 0 : index
    %get3A_8 = arith.constant 0 : index
    %get3A_9 = vector.load %arg4[%get3A_7, %get3A_8] : memref<512x512xbf16, #tpu.memory_space<vmem>>, vector<512x512xbf16>
    %dot_general3A = arith.constant dense<0.000000e+00> : vector<512x512xf32>
    %dot_general3A_10 = tpu.matmul %get3A_6, %get3A_9, %dot_general3A {dimension_numbers = #tpu.dot_dimension_numbers<[1], [0], [0], [1], [0, 0, 1, 1], [], []>, transpose_lhs_hint = false} : vector<512x512xbf16>, vector<512x512xbf16>, vector<512x512xf32> -> vector<512x512xf32>
    %add3A = arith.addf %get3A_3, %dot_general3A_10 : vector<512x512xf32>
    %swap3A = arith.constant 0 : index
    %swap3A_11 = arith.constant 0 : index
    %swap3A_12 = vector.load %arg8[%swap3A, %swap3A_11] : memref<512x512xf32, #tpu.memory_space<vmem>>, vector<512x512xf32>
    tpu.vector_store %arg8[%swap3A, %swap3A_11], %add3A {strides = array<i32>} : memref<512x512xf32, #tpu.memory_space<vmem>>, vector<512x512xf32>,
    %eq3A_13 = arith.constant 0 : i32
    %eq3A_14 = arith.cmpi eq, %arg2, %eq3A_13 : i32
    %convert_element_type3A_15 = arith.extui %eq3A_14 : i1 to i32
    %cond3A_16 = arith.constant 0 : i32
    %cond3A_17 = arith.cmpi ne, %convert_element_type3A_15, %cond3A_16 : i32
    scf.if %cond3A_17 {
      %get3A_18 = arith.constant 0 : index
      %get3A_19 = arith.constant 0 : index
      %get3A_20 = vector.load %arg8[%get3A_18, %get3A_19] : memref<512x512xf32, #tpu.memory_space<vmem>>, vector<512x512xf32>
      %get3A_21 = arith.constant 0 : index
      %get3A_22 = arith.constant 0 : index
      %get3A_23 = vector.load %arg5[%get3A_21, %get3A_22] : memref<8x512xf32, #tpu.memory_space<vmem>>, vector<1x512xf32>
      %add3A_24 = vector.broadcast %get3A_23 : vector<1x512xf32> to vector<512x512xf32>
      %add3A_25 = arith.addf %get3A_20, %add3A_24 : vector<512x512xf32>
      %convert_element_type3A_26 = arith.truncf %add3A_25 : vector<512x512xf32> to vector<512x512xbf16>
      %swap3A_27 = arith.constant 0 : index
      %swap3A_28 = arith.constant 0 : index
      %swap3A_29 = vector.load %arg6[%swap3A_27, %swap3A_28] : memref<512x512xbf16, #tpu.memory_space<vmem>>, vector<512x512xbf16>
      tpu.vector_store %arg6[%swap3A_27, %swap3A_28], %convert_element_type3A_26 {strides = array<i32>} : memref<512x512xbf16, #tpu.memory_space<vmem>>, vector<512x512xbf16>,
      %eq3A_30 = arith.constant 0 : i32
      %eq3A_31 = arith.cmpi eq, %arg0, %eq3A_30 : i32
      %convert_element_type3A_32 = arith.extui %eq3A_31 : i1 to i32
      %cond3A_33 = arith.constant 0 : i32
      %cond3A_34 = arith.cmpi ne, %convert_element_type3A_32, %cond3A_33 : i32
      scf.if %cond3A_34 {
        %broadcast_in_dim3A_62 = arith.constant 0.000000e+00 : f32
        %broadcast_in_dim3A_63 = vector.broadcast %broadcast_in_dim3A_62 : f32 to vector<8x512xf32>
        %swap3A_64 = arith.constant 0 : index
        %swap3A_65 = arith.constant 0 : index
        %swap3A_66 = vector.load %arg7[%swap3A_64, %swap3A_65] : memref<8x512xf32, #tpu.memory_space<vmem>>, vector<8x512xf32>
        tpu.vector_store %arg7[%swap3A_64, %swap3A_65], %broadcast_in_dim3A_63 {strides = array<i32>} : memref<8x512xf32, #tpu.memory_space<vmem>>, vector<8x512xf32>,
      } else {
      }
      %iota3A = tpu.iota {dimensions = array<i32: 0>} : vector<512x1xi32>
      %mul3A = arith.constant 512 : i32
      %mul3A_35 = arith.muli %arg0, %mul3A : i32
      %add3A_36 = vector.broadcast %mul3A_35 : i32 to vector<512x1xi32>
      %add3A_37 = arith.addi %iota3A, %add3A_36 : vector<512x1xi32>
      %lt3A = arith.constant 10000 : i32
      %lt3A_38 = vector.broadcast %lt3A : i32 to vector<512x1xi32>
      %lt3A_39 = arith.cmpi slt, %add3A_37, %lt3A_38 : vector<512x1xi32>
      %jit3A = arith.constant 0.000000e+00 : f32
      %broadcast_in_dim3A = vector.shape_cast %lt3A_39 : vector<512x1xi1> to vector<512x1xi1>
      %broadcast_in_dim3A_40 = vector.broadcast %broadcast_in_dim3A : vector<512x1xi1> to vector<512x512xi1>
      %broadcast_in_dim3A_41 = vector.broadcast %jit3A : f32 to vector<512x512xf32>
      %select_n3A = arith.select %broadcast_in_dim3A_40, %add3A_25, %broadcast_in_dim3A_41 : vector<512x512xi1>, vector<512x512xf32>
      %get3A_42 = arith.constant 0 : index
      %get3A_43 = arith.constant 0 : index
      %get3A_44 = vector.load %arg7[%get3A_42, %get3A_43] : memref<8x512xf32, #tpu.memory_space<vmem>>, vector<1x512xf32>
      %reduce_sum3A = arith.constant dense<0.000000e+00> : vector<512xf32>
      %reduce_sum3A_45 = vector.multi_reduction <add>, %select_n3A, %reduce_sum3A [0] : vector<512x512xf32> to vector<512xf32>
      %broadcast_in_dim3A_46 = vector.shape_cast %reduce_sum3A_45 : vector<512xf32> to vector<1x512xf32>
      %add3A_47 = arith.addf %get3A_44, %broadcast_in_dim3A_46 : vector<1x512xf32>
      %swap3A_48 = arith.constant 0 : index
      %swap3A_49 = arith.constant 0 : index
      %swap3A_50 = vector.load %arg7[%swap3A_48, %swap3A_49] : memref<8x512xf32, #tpu.memory_space<vmem>>, vector<1x512xf32>
      tpu.vector_store %arg7[%swap3A_48, %swap3A_49], %add3A_47 {strides = array<i32>} : memref<8x512xf32, #tpu.memory_space<vmem>>, vector<1x512xf32>,
      %get3A_51 = arith.constant 1 : index
      %get3A_52 = arith.constant 0 : index
      %get3A_53 = vector.load %arg7[%get3A_51, %get3A_52] : memref<8x512xf32, #tpu.memory_space<vmem>>, vector<1x512xf32>
      %mul3A_54 = arith.mulf %select_n3A, %select_n3A : vector<512x512xf32>
      %reduce_sum3A_55 = arith.constant dense<0.000000e+00> : vector<512xf32>
      %reduce_sum3A_56 = vector.multi_reduction <add>, %mul3A_54, %reduce_sum3A_55 [0] : vector<512x512xf32> to vector<512xf32>
      %broadcast_in_dim3A_57 = vector.shape_cast %reduce_sum3A_56 : vector<512xf32> to vector<1x512xf32>
      %add3A_58 = arith.addf %get3A_53, %broadcast_in_dim3A_57 : vector<1x512xf32>
      %swap3A_59 = arith.constant 1 : index
      %swap3A_60 = arith.constant 0 : index
      %swap3A_61 = vector.load %arg7[%swap3A_59, %swap3A_60] : memref<8x512xf32, #tpu.memory_space<vmem>>, vector<1x512xf32>
      tpu.vector_store %arg7[%swap3A_59, %swap3A_60], %add3A_58 {strides = array<i32>} : memref<8x512xf32, #tpu.memory_space<vmem>>, vector<1x512xf32>,
    } else {
    }
    return
  }
  func.func @transform_0(%arg0: i32, %arg1: i32, %arg2: i32) -> (i32, i32) {
    %c0_i32 = arith.constant 0 : i32
    return %arg0, %arg2 : i32, i32
  }
  func.func @transform_1(%arg0: i32, %arg1: i32, %arg2: i32) -> (i32, i32) {
    %c0_i32 = arith.constant 0 : i32
    return %arg2, %arg1 : i32, i32
  }
  func.func @transform_2(%arg0: i32, %arg1: i32, %arg2: i32) -> (i32, i32) {
    %c0_i32 = arith.constant 0 : i32
    %c0_i32_0 = arith.constant 0 : i32
    return %c0_i32, %arg1 : i32, i32
  }
  func.func @transform_3(%arg0: i32, %arg1: i32, %arg2: i32) -> (i32, i32) {
    %c0_i32 = arith.constant 0 : i32
    return %arg0, %arg1 : i32, i32
  }
  func.func @transform_4(%arg0: i32, %arg1: i32, %arg2: i32) -> (i32, i32) {
    %c0_i32 = arith.constant 0 : i32
    %c0_i32_0 = arith.constant 0 : i32
    return %c0_i32, %arg1 : i32, i32
  }
}

module attributes {stable_mosaic.version = 14 : i64} {
  func.func @kern(%arg0: i32, %arg1: memref<512x512xbf16, #tpu.memory_space<vmem>>, %arg2: memref<8x512xf32, #tpu.memory_space<vmem>>, %arg3: memref<8x512xf32, #tpu.memory_space<vmem>>, %arg4: memref<8x512xf32, #tpu.memory_space<vmem>>, %arg5: memref<512x512xbf16, #tpu.memory_space<vmem>>) attributes {dimension_semantics = [#tpu.dimension_semantics<arbitrary>], iteration_bounds = array<i64: 20>, scalar_prefetch = 0 : i64, scratch_operands = 0 : i64, tpu.core_type = #tpu.core_type<tc>, window_params = [{transform_indices = @transform_0, window_bounds = array<i64: 512, 512>}, {pipeline_mode = #tpu.pipeline_mode<synchronous>, transform_indices = @transform_1, window_bounds = array<i64: 8, 512>}, {pipeline_mode = #tpu.pipeline_mode<synchronous>, transform_indices = @transform_2, window_bounds = array<i64: 8, 512>}, {pipeline_mode = #tpu.pipeline_mode<synchronous>, transform_indices = @transform_3, window_bounds = array<i64: 8, 512>}, {transform_indices = @transform_4, window_bounds = array<i64: 512, 512>}]} {
    %get3A = arith.constant 0 : index
    %get3A_0 = arith.constant 0 : index
    %get3A_1 = vector.load %arg2[%get3A, %get3A_0] : memref<8x512xf32, #tpu.memory_space<vmem>>, vector<1x512xf32>
    %mul3A = arith.constant 9.99999974E-5 : f32
    %mul3A_2 = vector.broadcast %mul3A : f32 to vector<1x512xf32>
    %mul3A_3 = arith.mulf %get3A_1, %mul3A_2 : vector<1x512xf32>
    %get3A_4 = arith.constant 1 : index
    %get3A_5 = arith.constant 0 : index
    %get3A_6 = vector.load %arg2[%get3A_4, %get3A_5] : memref<8x512xf32, #tpu.memory_space<vmem>>, vector<1x512xf32>
    %mul3A_7 = arith.constant 9.99999974E-5 : f32
    %mul3A_8 = vector.broadcast %mul3A_7 : f32 to vector<1x512xf32>
    %mul3A_9 = arith.mulf %get3A_6, %mul3A_8 : vector<1x512xf32>
    %mul3A_10 = arith.mulf %mul3A_3, %mul3A_3 : vector<1x512xf32>
    %sub3A = arith.subf %mul3A_9, %mul3A_10 : vector<1x512xf32>
    %add3A = arith.constant 9.99999974E-6 : f32
    %add3A_11 = vector.broadcast %add3A : f32 to vector<1x512xf32>
    %add3A_12 = arith.addf %sub3A, %add3A_11 : vector<1x512xf32>
    %rsqrt3A = math.rsqrt %add3A_12 : vector<1x512xf32>
    %get3A_13 = arith.constant 0 : index
    %get3A_14 = arith.constant 0 : index
    %get3A_15 = vector.load %arg3[%get3A_13, %get3A_14] : memref<8x512xf32, #tpu.memory_space<vmem>>, vector<1x512xf32>
    %mul3A_16 = arith.mulf %rsqrt3A, %get3A_15 : vector<1x512xf32>
    %get3A_17 = arith.constant 0 : index
    %get3A_18 = arith.constant 0 : index
    %get3A_19 = vector.load %arg1[%get3A_17, %get3A_18] : memref<512x512xbf16, #tpu.memory_space<vmem>>, vector<512x512xbf16>
    %convert_element_type3A = arith.extf %get3A_19 : vector<512x512xbf16> to vector<512x512xf32>
    %sub3A_20 = vector.broadcast %mul3A_3 : vector<1x512xf32> to vector<512x512xf32>
    %sub3A_21 = arith.subf %convert_element_type3A, %sub3A_20 : vector<512x512xf32>
    %mul3A_22 = vector.broadcast %mul3A_16 : vector<1x512xf32> to vector<512x512xf32>
    %mul3A_23 = arith.mulf %sub3A_21, %mul3A_22 : vector<512x512xf32>
    %get3A_24 = arith.constant 0 : index
    %get3A_25 = arith.constant 0 : index
    %get3A_26 = vector.load %arg4[%get3A_24, %get3A_25] : memref<8x512xf32, #tpu.memory_space<vmem>>, vector<1x512xf32>
    %add3A_27 = vector.broadcast %get3A_26 : vector<1x512xf32> to vector<512x512xf32>
    %add3A_28 = arith.addf %mul3A_23, %add3A_27 : vector<512x512xf32>
    %max3A = arith.constant 0.000000e+00 : f32
    %max3A_29 = vector.broadcast %max3A : f32 to vector<512x512xf32>
    %max3A_30 = arith.maximumf %add3A_28, %max3A_29 : vector<512x512xf32>
    %convert_element_type3A_31 = arith.truncf %max3A_30 : vector<512x512xf32> to vector<512x512xbf16>
    %swap3A = arith.constant 0 : index
    %swap3A_32 = arith.constant 0 : index
    %swap3A_33 = vector.load %arg5[%swap3A, %swap3A_32] : memref<512x512xbf16, #tpu.memory_space<vmem>>, vector<512x512xbf16>
    tpu.vector_store %arg5[%swap3A, %swap3A_32], %convert_element_type3A_31 {strides = array<i32>} : memref<512x512xbf16, #tpu.memory_space<vmem>>, vector<512x512xbf16>,
    return
  }
  func.func @transform_0(%arg0: i32) -> (i32, i32) {
    %c0_i32 = arith.constant 0 : i32
    %c0_i32_0 = arith.constant 0 : i32
    return %arg0, %c0_i32 : i32, i32
  }
  func.func @transform_1(%arg0: i32) -> (i32, i32) {
    %c0_i32 = arith.constant 0 : i32
    %c0_i32_0 = arith.constant 0 : i32
    %c0_i32_1 = arith.constant 0 : i32
    return %c0_i32, %c0_i32_0 : i32, i32
  }
  func.func @transform_2(%arg0: i32) -> (i32, i32) {
    %c0_i32 = arith.constant 0 : i32
    %c0_i32_0 = arith.constant 0 : i32
    %c0_i32_1 = arith.constant 0 : i32
    return %c0_i32, %c0_i32_0 : i32, i32
  }
  func.func @transform_3(%arg0: i32) -> (i32, i32) {
    %c0_i32 = arith.constant 0 : i32
    %c0_i32_0 = arith.constant 0 : i32
    %c0_i32_1 = arith.constant 0 : i32
    return %c0_i32, %c0_i32_0 : i32, i32
  }
  func.func @transform_4(%arg0: i32) -> (i32, i32) {
    %c0_i32 = arith.constant 0 : i32
    %c0_i32_0 = arith.constant 0 : i32
    return %arg0, %c0_i32 : i32, i32
  }
}

module attributes {stable_mosaic.version = 14 : i64} {
  func.func @kern(%arg0: i32, %arg1: i32, %arg2: i32, %arg3: memref<512x512xbf16, #tpu.memory_space<vmem>>, %arg4: memref<512x512xbf16, #tpu.memory_space<vmem>>, %arg5: memref<512x512xbf16, #tpu.memory_space<vmem>>, %arg6: memref<512x512xbf16, #tpu.memory_space<vmem>>, %arg7: memref<512x512xf32, #tpu.memory_space<vmem>>) attributes {dimension_semantics = [#tpu.dimension_semantics<parallel>, #tpu.dimension_semantics<parallel>, #tpu.dimension_semantics<arbitrary>], iteration_bounds = array<i64: 20, 1, 20>, scalar_prefetch = 0 : i64, scratch_operands = 1 : i64, tpu.core_type = #tpu.core_type<tc>, window_params = [{transform_indices = @transform_0, window_bounds = array<i64: 512, 512>}, {transform_indices = @transform_1, window_bounds = array<i64: 512, 512>}, {transform_indices = @transform_2, window_bounds = array<i64: 512, 512>}, {transform_indices = @transform_3, window_bounds = array<i64: 512, 512>}]} {
    %eq3A = arith.constant 0 : i32
    %eq3A_0 = arith.cmpi eq, %arg2, %eq3A : i32
    %convert_element_type3A = arith.extui %eq3A_0 : i1 to i32
    %cond3A = arith.constant 0 : i32
    %cond3A_1 = arith.cmpi ne, %convert_element_type3A, %cond3A : i32
    scf.if %cond3A_1 {
      %broadcast_in_dim3A = arith.constant 0.000000e+00 : f32
      %broadcast_in_dim3A_18 = vector.broadcast %broadcast_in_dim3A : f32 to vector<512x512xf32>
      %swap3A_19 = arith.constant 0 : index
      %swap3A_20 = arith.constant 0 : index
      %swap3A_21 = vector.load %arg7[%swap3A_19, %swap3A_20] : memref<512x512xf32, #tpu.memory_space<vmem>>, vector<512x512xf32>
      tpu.vector_store %arg7[%swap3A_19, %swap3A_20], %broadcast_in_dim3A_18 {strides = array<i32>} : memref<512x512xf32, #tpu.memory_space<vmem>>, vector<512x512xf32>,
    } else {
    }
    %get3A = arith.constant 0 : index
    %get3A_2 = arith.constant 0 : index
    %get3A_3 = vector.load %arg7[%get3A, %get3A_2] : memref<512x512xf32, #tpu.memory_space<vmem>>, vector<512x512xf32>
    %get3A_4 = arith.constant 0 : index
    %get3A_5 = arith.constant 0 : index
    %get3A_6 = vector.load %arg3[%get3A_4, %get3A_5] : memref<512x512xbf16, #tpu.memory_space<vmem>>, vector<512x512xbf16>
    %get3A_7 = arith.constant 0 : index
    %get3A_8 = arith.constant 0 : index
    %get3A_9 = vector.load %arg4[%get3A_7, %get3A_8] : memref<512x512xbf16, #tpu.memory_space<vmem>>, vector<512x512xbf16>
    %dot_general3A = arith.constant dense<0.000000e+00> : vector<512x512xf32>
    %dot_general3A_10 = tpu.matmul %get3A_6, %get3A_9, %dot_general3A {dimension_numbers = #tpu.dot_dimension_numbers<[1], [0], [0], [1], [0, 0, 1, 1], [], []>, transpose_lhs_hint = false} : vector<512x512xbf16>, vector<512x512xbf16>, vector<512x512xf32> -> vector<512x512xf32>
    %add3A = arith.addf %get3A_3, %dot_general3A_10 : vector<512x512xf32>
    %swap3A = arith.constant 0 : index
    %swap3A_11 = arith.constant 0 : index
    %swap3A_12 = vector.load %arg7[%swap3A, %swap3A_11] : memref<512x512xf32, #tpu.memory_space<vmem>>, vector<512x512xf32>
    tpu.vector_store %arg7[%swap3A, %swap3A_11], %add3A {strides = array<i32>} : memref<512x512xf32, #tpu.memory_space<vmem>>, vector<512x512xf32>,
    %eq3A_13 = arith.constant 19 : i32
    %eq3A_14 = arith.cmpi eq, %arg2, %eq3A_13 : i32
    %convert_element_type3A_15 = arith.extui %eq3A_14 : i1 to i32
    %cond3A_16 = arith.constant 0 : i32
    %cond3A_17 = arith.cmpi ne, %convert_element_type3A_15, %cond3A_16 : i32
    scf.if %cond3A_17 {
      %get3A_18 = arith.constant 0 : index
      %get3A_19 = arith.constant 0 : index
      %get3A_20 = vector.load %arg7[%get3A_18, %get3A_19] : memref<512x512xf32, #tpu.memory_space<vmem>>, vector<512x512xf32>
      %get3A_21 = arith.constant 0 : index
      %get3A_22 = arith.constant 0 : index
      %get3A_23 = vector.load %arg5[%get3A_21, %get3A_22] : memref<512x512xbf16, #tpu.memory_space<vmem>>, vector<512x512xbf16>
      %convert_element_type3A_24 = arith.extf %get3A_23 : vector<512x512xbf16> to vector<512x512xf32>
      %add3A_25 = arith.addf %get3A_20, %convert_element_type3A_24 : vector<512x512xf32>
      %convert_element_type3A_26 = arith.truncf %add3A_25 : vector<512x512xf32> to vector<512x512xbf16>
      %swap3A_27 = arith.constant 0 : index
      %swap3A_28 = arith.constant 0 : index
      %swap3A_29 = vector.load %arg6[%swap3A_27, %swap3A_28] : memref<512x512xbf16, #tpu.memory_space<vmem>>, vector<512x512xbf16>
      tpu.vector_store %arg6[%swap3A_27, %swap3A_28], %convert_element_type3A_26 {strides = array<i32>} : memref<512x512xbf16, #tpu.memory_space<vmem>>, vector<512x512xbf16>,
    } else {
    }
    return
  }
  func.func @transform_0(%arg0: i32, %arg1: i32, %arg2: i32) -> (i32, i32) {
    %c0_i32 = arith.constant 0 : i32
    return %arg0, %arg2 : i32, i32
  }
  func.func @transform_1(%arg0: i32, %arg1: i32, %arg2: i32) -> (i32, i32) {
    %c0_i32 = arith.constant 0 : i32
    return %arg2, %arg1 : i32, i32
  }
  func.func @transform_2(%arg0: i32, %arg1: i32, %arg2: i32) -> (i32, i32) {
    %c0_i32 = arith.constant 0 : i32
    return %arg0, %arg1 : i32, i32
  }
  func.func @transform_3(%arg0: i32, %arg1: i32, %arg2: i32) -> (i32, i32) {
    %c0_i32 = arith.constant 0 : i32
    return %arg0, %arg1 : i32, i32
  }
}

module attributes {stable_mosaic.version = 14 : i64} {
  func.func @kern(%arg0: i32, %arg1: i32, %arg2: i32, %arg3: memref<512x512xbf16, #tpu.memory_space<vmem>>, %arg4: memref<512x1024xbf16, #tpu.memory_space<vmem>>, %arg5: memref<8x1024xf32, #tpu.memory_space<vmem>>, %arg6: memref<512x1024xbf16, #tpu.memory_space<vmem>>, %arg7: memref<512x1024xf32, #tpu.memory_space<vmem>>) attributes {dimension_semantics = [#tpu.dimension_semantics<parallel>, #tpu.dimension_semantics<parallel>, #tpu.dimension_semantics<arbitrary>], iteration_bounds = array<i64: 20, 1, 1>, scalar_prefetch = 0 : i64, scratch_operands = 1 : i64, tpu.core_type = #tpu.core_type<tc>, window_params = [{transform_indices = @transform_0, window_bounds = array<i64: 512, 512>}, {transform_indices = @transform_1, window_bounds = array<i64: 512, 1024>}, {transform_indices = @transform_2, window_bounds = array<i64: 8, 1024>}, {transform_indices = @transform_3, window_bounds = array<i64: 512, 1024>}]} {
    %eq3A = arith.constant 0 : i32
    %eq3A_0 = arith.cmpi eq, %arg2, %eq3A : i32
    %convert_element_type3A = arith.extui %eq3A_0 : i1 to i32
    %cond3A = arith.constant 0 : i32
    %cond3A_1 = arith.cmpi ne, %convert_element_type3A, %cond3A : i32
    scf.if %cond3A_1 {
      %broadcast_in_dim3A = arith.constant 0.000000e+00 : f32
      %broadcast_in_dim3A_18 = vector.broadcast %broadcast_in_dim3A : f32 to vector<512x1024xf32>
      %swap3A_19 = arith.constant 0 : index
      %swap3A_20 = arith.constant 0 : index
      %swap3A_21 = vector.load %arg7[%swap3A_19, %swap3A_20] : memref<512x1024xf32, #tpu.memory_space<vmem>>, vector<512x1024xf32>
      tpu.vector_store %arg7[%swap3A_19, %swap3A_20], %broadcast_in_dim3A_18 {strides = array<i32>} : memref<512x1024xf32, #tpu.memory_space<vmem>>, vector<512x1024xf32>,
    } else {
    }
    %get3A = arith.constant 0 : index
    %get3A_2 = arith.constant 0 : index
    %get3A_3 = vector.load %arg7[%get3A, %get3A_2] : memref<512x1024xf32, #tpu.memory_space<vmem>>, vector<512x1024xf32>
    %get3A_4 = arith.constant 0 : index
    %get3A_5 = arith.constant 0 : index
    %get3A_6 = vector.load %arg3[%get3A_4, %get3A_5] : memref<512x512xbf16, #tpu.memory_space<vmem>>, vector<512x512xbf16>
    %get3A_7 = arith.constant 0 : index
    %get3A_8 = arith.constant 0 : index
    %get3A_9 = vector.load %arg4[%get3A_7, %get3A_8] : memref<512x1024xbf16, #tpu.memory_space<vmem>>, vector<512x1024xbf16>
    %dot_general3A = arith.constant dense<0.000000e+00> : vector<512x1024xf32>
    %dot_general3A_10 = tpu.matmul %get3A_6, %get3A_9, %dot_general3A {dimension_numbers = #tpu.dot_dimension_numbers<[1], [0], [0], [1], [0, 0, 1, 1], [], []>, transpose_lhs_hint = false} : vector<512x512xbf16>, vector<512x1024xbf16>, vector<512x1024xf32> -> vector<512x1024xf32>
    %add3A = arith.addf %get3A_3, %dot_general3A_10 : vector<512x1024xf32>
    %swap3A = arith.constant 0 : index
    %swap3A_11 = arith.constant 0 : index
    %swap3A_12 = vector.load %arg7[%swap3A, %swap3A_11] : memref<512x1024xf32, #tpu.memory_space<vmem>>, vector<512x1024xf32>
    tpu.vector_store %arg7[%swap3A, %swap3A_11], %add3A {strides = array<i32>} : memref<512x1024xf32, #tpu.memory_space<vmem>>, vector<512x1024xf32>,
    %eq3A_13 = arith.constant 0 : i32
    %eq3A_14 = arith.cmpi eq, %arg2, %eq3A_13 : i32
    %convert_element_type3A_15 = arith.extui %eq3A_14 : i1 to i32
    %cond3A_16 = arith.constant 0 : i32
    %cond3A_17 = arith.cmpi ne, %convert_element_type3A_15, %cond3A_16 : i32
    scf.if %cond3A_17 {
      %get3A_18 = arith.constant 0 : index
      %get3A_19 = arith.constant 0 : index
      %get3A_20 = vector.load %arg7[%get3A_18, %get3A_19] : memref<512x1024xf32, #tpu.memory_space<vmem>>, vector<512x1024xf32>
      %get3A_21 = arith.constant 0 : index
      %get3A_22 = arith.constant 0 : index
      %get3A_23 = vector.load %arg5[%get3A_21, %get3A_22] : memref<8x1024xf32, #tpu.memory_space<vmem>>, vector<1x1024xf32>
      %add3A_24 = vector.broadcast %get3A_23 : vector<1x1024xf32> to vector<512x1024xf32>
      %add3A_25 = arith.addf %get3A_20, %add3A_24 : vector<512x1024xf32>
      %max3A = arith.constant 0.000000e+00 : f32
      %max3A_26 = vector.broadcast %max3A : f32 to vector<512x1024xf32>
      %max3A_27 = arith.maximumf %add3A_25, %max3A_26 : vector<512x1024xf32>
      %convert_element_type3A_28 = arith.truncf %max3A_27 : vector<512x1024xf32> to vector<512x1024xbf16>
      %swap3A_29 = arith.constant 0 : index
      %swap3A_30 = arith.constant 0 : index
      %swap3A_31 = vector.load %arg6[%swap3A_29, %swap3A_30] : memref<512x1024xbf16, #tpu.memory_space<vmem>>, vector<512x1024xbf16>
      tpu.vector_store %arg6[%swap3A_29, %swap3A_30], %convert_element_type3A_28 {strides = array<i32>} : memref<512x1024xbf16, #tpu.memory_space<vmem>>, vector<512x1024xbf16>,
    } else {
    }
    return
  }
  func.func @transform_0(%arg0: i32, %arg1: i32, %arg2: i32) -> (i32, i32) {
    %c0_i32 = arith.constant 0 : i32
    return %arg0, %arg2 : i32, i32
  }
  func.func @transform_1(%arg0: i32, %arg1: i32, %arg2: i32) -> (i32, i32) {
    %c0_i32 = arith.constant 0 : i32
    return %arg2, %arg1 : i32, i32
  }
  func.func @transform_2(%arg0: i32, %arg1: i32, %arg2: i32) -> (i32, i32) {
    %c0_i32 = arith.constant 0 : i32
    %c0_i32_0 = arith.constant 0 : i32
    return %c0_i32, %arg1 : i32, i32
  }
  func.func @transform_3(%arg0: i32, %arg1: i32, %arg2: i32) -> (i32, i32) {
    %c0_i32 = arith.constant 0 : i32
    return %arg0, %arg1 : i32, i32
  }
}

module attributes {stable_mosaic.version = 14 : i64} {
  func.func @kern(%arg0: i32, %arg1: i32, %arg2: i32, %arg3: memref<512x512xbf16, #tpu.memory_space<vmem>>, %arg4: memref<512x1024xbf16, #tpu.memory_space<vmem>>, %arg5: memref<8x1024xf32, #tpu.memory_space<vmem>>, %arg6: memref<512x1024xbf16, #tpu.memory_space<vmem>>, %arg7: memref<8x1024xf32, #tpu.memory_space<vmem>>, %arg8: memref<512x1024xf32, #tpu.memory_space<vmem>>) attributes {dimension_semantics = [#tpu.dimension_semantics<arbitrary>, #tpu.dimension_semantics<parallel>, #tpu.dimension_semantics<arbitrary>], iteration_bounds = array<i64: 20, 1, 2>, scalar_prefetch = 0 : i64, scratch_operands = 1 : i64, tpu.core_type = #tpu.core_type<tc>, window_params = [{transform_indices = @transform_0, window_bounds = array<i64: 512, 512>}, {transform_indices = @transform_1, window_bounds = array<i64: 512, 1024>}, {transform_indices = @transform_2, window_bounds = array<i64: 8, 1024>}, {transform_indices = @transform_3, window_bounds = array<i64: 512, 1024>}, {transform_indices = @transform_4, window_bounds = array<i64: 8, 1024>}]} {
    %eq3A = arith.constant 0 : i32
    %eq3A_0 = arith.cmpi eq, %arg2, %eq3A : i32
    %convert_element_type3A = arith.extui %eq3A_0 : i1 to i32
    %cond3A = arith.constant 0 : i32
    %cond3A_1 = arith.cmpi ne, %convert_element_type3A, %cond3A : i32
    scf.if %cond3A_1 {
      %broadcast_in_dim3A = arith.constant 0.000000e+00 : f32
      %broadcast_in_dim3A_18 = vector.broadcast %broadcast_in_dim3A : f32 to vector<512x1024xf32>
      %swap3A_19 = arith.constant 0 : index
      %swap3A_20 = arith.constant 0 : index
      %swap3A_21 = vector.load %arg8[%swap3A_19, %swap3A_20] : memref<512x1024xf32, #tpu.memory_space<vmem>>, vector<512x1024xf32>
      tpu.vector_store %arg8[%swap3A_19, %swap3A_20], %broadcast_in_dim3A_18 {strides = array<i32>} : memref<512x1024xf32, #tpu.memory_space<vmem>>, vector<512x1024xf32>,
    } else {
    }
    %get3A = arith.constant 0 : index
    %get3A_2 = arith.constant 0 : index
    %get3A_3 = vector.load %arg8[%get3A, %get3A_2] : memref<512x1024xf32, #tpu.memory_space<vmem>>, vector<512x1024xf32>
    %get3A_4 = arith.constant 0 : index
    %get3A_5 = arith.constant 0 : index
    %get3A_6 = vector.load %arg3[%get3A_4, %get3A_5] : memref<512x512xbf16, #tpu.memory_space<vmem>>, vector<512x512xbf16>
    %get3A_7 = arith.constant 0 : index
    %get3A_8 = arith.constant 0 : index
    %get3A_9 = vector.load %arg4[%get3A_7, %get3A_8] : memref<512x1024xbf16, #tpu.memory_space<vmem>>, vector<512x1024xbf16>
    %dot_general3A = arith.constant dense<0.000000e+00> : vector<512x1024xf32>
    %dot_general3A_10 = tpu.matmul %get3A_6, %get3A_9, %dot_general3A {dimension_numbers = #tpu.dot_dimension_numbers<[1], [0], [0], [1], [0, 0, 1, 1], [], []>, transpose_lhs_hint = false} : vector<512x512xbf16>, vector<512x1024xbf16>, vector<512x1024xf32> -> vector<512x1024xf32>
    %add3A = arith.addf %get3A_3, %dot_general3A_10 : vector<512x1024xf32>
    %swap3A = arith.constant 0 : index
    %swap3A_11 = arith.constant 0 : index
    %swap3A_12 = vector.load %arg8[%swap3A, %swap3A_11] : memref<512x1024xf32, #tpu.memory_space<vmem>>, vector<512x1024xf32>
    tpu.vector_store %arg8[%swap3A, %swap3A_11], %add3A {strides = array<i32>} : memref<512x1024xf32, #tpu.memory_space<vmem>>, vector<512x1024xf32>,
    %eq3A_13 = arith.constant 1 : i32
    %eq3A_14 = arith.cmpi eq, %arg2, %eq3A_13 : i32
    %convert_element_type3A_15 = arith.extui %eq3A_14 : i1 to i32
    %cond3A_16 = arith.constant 0 : i32
    %cond3A_17 = arith.cmpi ne, %convert_element_type3A_15, %cond3A_16 : i32
    scf.if %cond3A_17 {
      %get3A_18 = arith.constant 0 : index
      %get3A_19 = arith.constant 0 : index
      %get3A_20 = vector.load %arg8[%get3A_18, %get3A_19] : memref<512x1024xf32, #tpu.memory_space<vmem>>, vector<512x1024xf32>
      %get3A_21 = arith.constant 0 : index
      %get3A_22 = arith.constant 0 : index
      %get3A_23 = vector.load %arg5[%get3A_21, %get3A_22] : memref<8x1024xf32, #tpu.memory_space<vmem>>, vector<1x1024xf32>
      %add3A_24 = vector.broadcast %get3A_23 : vector<1x1024xf32> to vector<512x1024xf32>
      %add3A_25 = arith.addf %get3A_20, %add3A_24 : vector<512x1024xf32>
      %convert_element_type3A_26 = arith.truncf %add3A_25 : vector<512x1024xf32> to vector<512x1024xbf16>
      %swap3A_27 = arith.constant 0 : index
      %swap3A_28 = arith.constant 0 : index
      %swap3A_29 = vector.load %arg6[%swap3A_27, %swap3A_28] : memref<512x1024xbf16, #tpu.memory_space<vmem>>, vector<512x1024xbf16>
      tpu.vector_store %arg6[%swap3A_27, %swap3A_28], %convert_element_type3A_26 {strides = array<i32>} : memref<512x1024xbf16, #tpu.memory_space<vmem>>, vector<512x1024xbf16>,
      %eq3A_30 = arith.constant 0 : i32
      %eq3A_31 = arith.cmpi eq, %arg0, %eq3A_30 : i32
      %convert_element_type3A_32 = arith.extui %eq3A_31 : i1 to i32
      %cond3A_33 = arith.constant 0 : i32
      %cond3A_34 = arith.cmpi ne, %convert_element_type3A_32, %cond3A_33 : i32
      scf.if %cond3A_34 {
        %broadcast_in_dim3A_62 = arith.constant 0.000000e+00 : f32
        %broadcast_in_dim3A_63 = vector.broadcast %broadcast_in_dim3A_62 : f32 to vector<8x1024xf32>
        %swap3A_64 = arith.constant 0 : index
        %swap3A_65 = arith.constant 0 : index
        %swap3A_66 = vector.load %arg7[%swap3A_64, %swap3A_65] : memref<8x1024xf32, #tpu.memory_space<vmem>>, vector<8x1024xf32>
        tpu.vector_store %arg7[%swap3A_64, %swap3A_65], %broadcast_in_dim3A_63 {strides = array<i32>} : memref<8x1024xf32, #tpu.memory_space<vmem>>, vector<8x1024xf32>,
      } else {
      }
      %iota3A = tpu.iota {dimensions = array<i32: 0>} : vector<512x1xi32>
      %mul3A = arith.constant 512 : i32
      %mul3A_35 = arith.muli %arg0, %mul3A : i32
      %add3A_36 = vector.broadcast %mul3A_35 : i32 to vector<512x1xi32>
      %add3A_37 = arith.addi %iota3A, %add3A_36 : vector<512x1xi32>
      %lt3A = arith.constant 10000 : i32
      %lt3A_38 = vector.broadcast %lt3A : i32 to vector<512x1xi32>
      %lt3A_39 = arith.cmpi slt, %add3A_37, %lt3A_38 : vector<512x1xi32>
      %jit3A = arith.constant 0.000000e+00 : f32
      %broadcast_in_dim3A = vector.shape_cast %lt3A_39 : vector<512x1xi1> to vector<512x1xi1>
      %broadcast_in_dim3A_40 = vector.broadcast %broadcast_in_dim3A : vector<512x1xi1> to vector<512x1024xi1>
      %broadcast_in_dim3A_41 = vector.broadcast %jit3A : f32 to vector<512x1024xf32>
      %select_n3A = arith.select %broadcast_in_dim3A_40, %add3A_25, %broadcast_in_dim3A_41 : vector<512x1024xi1>, vector<512x1024xf32>
      %get3A_42 = arith.constant 0 : index
      %get3A_43 = arith.constant 0 : index
      %get3A_44 = vector.load %arg7[%get3A_42, %get3A_43] : memref<8x1024xf32, #tpu.memory_space<vmem>>, vector<1x1024xf32>
      %reduce_sum3A = arith.constant dense<0.000000e+00> : vector<1024xf32>
      %reduce_sum3A_45 = vector.multi_reduction <add>, %select_n3A, %reduce_sum3A [0] : vector<512x1024xf32> to vector<1024xf32>
      %broadcast_in_dim3A_46 = vector.shape_cast %reduce_sum3A_45 : vector<1024xf32> to vector<1x1024xf32>
      %add3A_47 = arith.addf %get3A_44, %broadcast_in_dim3A_46 : vector<1x1024xf32>
      %swap3A_48 = arith.constant 0 : index
      %swap3A_49 = arith.constant 0 : index
      %swap3A_50 = vector.load %arg7[%swap3A_48, %swap3A_49] : memref<8x1024xf32, #tpu.memory_space<vmem>>, vector<1x1024xf32>
      tpu.vector_store %arg7[%swap3A_48, %swap3A_49], %add3A_47 {strides = array<i32>} : memref<8x1024xf32, #tpu.memory_space<vmem>>, vector<1x1024xf32>,
      %get3A_51 = arith.constant 1 : index
      %get3A_52 = arith.constant 0 : index
      %get3A_53 = vector.load %arg7[%get3A_51, %get3A_52] : memref<8x1024xf32, #tpu.memory_space<vmem>>, vector<1x1024xf32>
      %mul3A_54 = arith.mulf %select_n3A, %select_n3A : vector<512x1024xf32>
      %reduce_sum3A_55 = arith.constant dense<0.000000e+00> : vector<1024xf32>
      %reduce_sum3A_56 = vector.multi_reduction <add>, %mul3A_54, %reduce_sum3A_55 [0] : vector<512x1024xf32> to vector<1024xf32>
      %broadcast_in_dim3A_57 = vector.shape_cast %reduce_sum3A_56 : vector<1024xf32> to vector<1x1024xf32>
      %add3A_58 = arith.addf %get3A_53, %broadcast_in_dim3A_57 : vector<1x1024xf32>
      %swap3A_59 = arith.constant 1 : index
      %swap3A_60 = arith.constant 0 : index
      %swap3A_61 = vector.load %arg7[%swap3A_59, %swap3A_60] : memref<8x1024xf32, #tpu.memory_space<vmem>>, vector<1x1024xf32>
      tpu.vector_store %arg7[%swap3A_59, %swap3A_60], %add3A_58 {strides = array<i32>} : memref<8x1024xf32, #tpu.memory_space<vmem>>, vector<1x1024xf32>,
    } else {
    }
    return
  }
  func.func @transform_0(%arg0: i32, %arg1: i32, %arg2: i32) -> (i32, i32) {
    %c0_i32 = arith.constant 0 : i32
    return %arg0, %arg2 : i32, i32
  }
  func.func @transform_1(%arg0: i32, %arg1: i32, %arg2: i32) -> (i32, i32) {
    %c0_i32 = arith.constant 0 : i32
    return %arg2, %arg1 : i32, i32
  }
  func.func @transform_2(%arg0: i32, %arg1: i32, %arg2: i32) -> (i32, i32) {
    %c0_i32 = arith.constant 0 : i32
    %c0_i32_0 = arith.constant 0 : i32
    return %c0_i32, %arg1 : i32, i32
  }
  func.func @transform_3(%arg0: i32, %arg1: i32, %arg2: i32) -> (i32, i32) {
    %c0_i32 = arith.constant 0 : i32
    return %arg0, %arg1 : i32, i32
  }
  func.func @transform_4(%arg0: i32, %arg1: i32, %arg2: i32) -> (i32, i32) {
    %c0_i32 = arith.constant 0 : i32
    %c0_i32_0 = arith.constant 0 : i32
    return %c0_i32, %arg1 : i32, i32
  }
}

module attributes {stable_mosaic.version = 14 : i64} {
  func.func @kern(%arg0: i32, %arg1: memref<512x1024xbf16, #tpu.memory_space<vmem>>, %arg2: memref<8x1024xf32, #tpu.memory_space<vmem>>, %arg3: memref<8x1024xf32, #tpu.memory_space<vmem>>, %arg4: memref<8x1024xf32, #tpu.memory_space<vmem>>, %arg5: memref<512x1024xbf16, #tpu.memory_space<vmem>>) attributes {dimension_semantics = [#tpu.dimension_semantics<arbitrary>], iteration_bounds = array<i64: 20>, scalar_prefetch = 0 : i64, scratch_operands = 0 : i64, tpu.core_type = #tpu.core_type<tc>, window_params = [{transform_indices = @transform_0, window_bounds = array<i64: 512, 1024>}, {pipeline_mode = #tpu.pipeline_mode<synchronous>, transform_indices = @transform_1, window_bounds = array<i64: 8, 1024>}, {pipeline_mode = #tpu.pipeline_mode<synchronous>, transform_indices = @transform_2, window_bounds = array<i64: 8, 1024>}, {pipeline_mode = #tpu.pipeline_mode<synchronous>, transform_indices = @transform_3, window_bounds = array<i64: 8, 1024>}, {transform_indices = @transform_4, window_bounds = array<i64: 512, 1024>}]} {
    %get3A = arith.constant 0 : index
    %get3A_0 = arith.constant 0 : index
    %get3A_1 = vector.load %arg2[%get3A, %get3A_0] : memref<8x1024xf32, #tpu.memory_space<vmem>>, vector<1x1024xf32>
    %mul3A = arith.constant 9.99999974E-5 : f32
    %mul3A_2 = vector.broadcast %mul3A : f32 to vector<1x1024xf32>
    %mul3A_3 = arith.mulf %get3A_1, %mul3A_2 : vector<1x1024xf32>
    %get3A_4 = arith.constant 1 : index
    %get3A_5 = arith.constant 0 : index
    %get3A_6 = vector.load %arg2[%get3A_4, %get3A_5] : memref<8x1024xf32, #tpu.memory_space<vmem>>, vector<1x1024xf32>
    %mul3A_7 = arith.constant 9.99999974E-5 : f32
    %mul3A_8 = vector.broadcast %mul3A_7 : f32 to vector<1x1024xf32>
    %mul3A_9 = arith.mulf %get3A_6, %mul3A_8 : vector<1x1024xf32>
    %mul3A_10 = arith.mulf %mul3A_3, %mul3A_3 : vector<1x1024xf32>
    %sub3A = arith.subf %mul3A_9, %mul3A_10 : vector<1x1024xf32>
    %add3A = arith.constant 9.99999974E-6 : f32
    %add3A_11 = vector.broadcast %add3A : f32 to vector<1x1024xf32>
    %add3A_12 = arith.addf %sub3A, %add3A_11 : vector<1x1024xf32>
    %rsqrt3A = math.rsqrt %add3A_12 : vector<1x1024xf32>
    %get3A_13 = arith.constant 0 : index
    %get3A_14 = arith.constant 0 : index
    %get3A_15 = vector.load %arg3[%get3A_13, %get3A_14] : memref<8x1024xf32, #tpu.memory_space<vmem>>, vector<1x1024xf32>
    %mul3A_16 = arith.mulf %rsqrt3A, %get3A_15 : vector<1x1024xf32>
    %get3A_17 = arith.constant 0 : index
    %get3A_18 = arith.constant 0 : index
    %get3A_19 = vector.load %arg1[%get3A_17, %get3A_18] : memref<512x1024xbf16, #tpu.memory_space<vmem>>, vector<512x1024xbf16>
    %convert_element_type3A = arith.extf %get3A_19 : vector<512x1024xbf16> to vector<512x1024xf32>
    %sub3A_20 = vector.broadcast %mul3A_3 : vector<1x1024xf32> to vector<512x1024xf32>
    %sub3A_21 = arith.subf %convert_element_type3A, %sub3A_20 : vector<512x1024xf32>
    %mul3A_22 = vector.broadcast %mul3A_16 : vector<1x1024xf32> to vector<512x1024xf32>
    %mul3A_23 = arith.mulf %sub3A_21, %mul3A_22 : vector<512x1024xf32>
    %get3A_24 = arith.constant 0 : index
    %get3A_25 = arith.constant 0 : index
    %get3A_26 = vector.load %arg4[%get3A_24, %get3A_25] : memref<8x1024xf32, #tpu.memory_space<vmem>>, vector<1x1024xf32>
    %add3A_27 = vector.broadcast %get3A_26 : vector<1x1024xf32> to vector<512x1024xf32>
    %add3A_28 = arith.addf %mul3A_23, %add3A_27 : vector<512x1024xf32>
    %max3A = arith.constant 0.000000e+00 : f32
    %max3A_29 = vector.broadcast %max3A : f32 to vector<512x1024xf32>
    %max3A_30 = arith.maximumf %add3A_28, %max3A_29 : vector<512x1024xf32>
    %convert_element_type3A_31 = arith.truncf %max3A_30 : vector<512x1024xf32> to vector<512x1024xbf16>
    %swap3A = arith.constant 0 : index
    %swap3A_32 = arith.constant 0 : index
    %swap3A_33 = vector.load %arg5[%swap3A, %swap3A_32] : memref<512x1024xbf16, #tpu.memory_space<vmem>>, vector<512x1024xbf16>
    tpu.vector_store %arg5[%swap3A, %swap3A_32], %convert_element_type3A_31 {strides = array<i32>} : memref<512x1024xbf16, #tpu.memory_space<vmem>>, vector<512x1024xbf16>,
    return
  }
  func.func @transform_0(%arg0: i32) -> (i32, i32) {
    %c0_i32 = arith.constant 0 : i32
    %c0_i32_0 = arith.constant 0 : i32
    return %arg0, %c0_i32 : i32, i32
  }
  func.func @transform_1(%arg0: i32) -> (i32, i32) {
    %c0_i32 = arith.constant 0 : i32
    %c0_i32_0 = arith.constant 0 : i32
    %c0_i32_1 = arith.constant 0 : i32
    return %c0_i32, %c0_i32_0 : i32, i32
  }
  func.func @transform_2(%arg0: i32) -> (i32, i32) {
    %c0_i32 = arith.constant 0 : i32
    %c0_i32_0 = arith.constant 0 : i32
    %c0_i32_1 = arith.constant 0 : i32
    return %c0_i32, %c0_i32_0 : i32, i32
  }
  func.func @transform_3(%arg0: i32) -> (i32, i32) {
    %c0_i32 = arith.constant 0 : i32
    %c0_i32_0 = arith.constant 0 : i32
    %c0_i32_1 = arith.constant 0 : i32
    return %c0_i32, %c0_i32_0 : i32, i32
  }
  func.func @transform_4(%arg0: i32) -> (i32, i32) {
    %c0_i32 = arith.constant 0 : i32
    %c0_i32_0 = arith.constant 0 : i32
    return %arg0, %c0_i32 : i32, i32
  }
}

module attributes {stable_mosaic.version = 14 : i64} {
  func.func @kern(%arg0: i32, %arg1: i32, %arg2: i32, %arg3: memref<512x512xbf16, #tpu.memory_space<vmem>>, %arg4: memref<512x1024xbf16, #tpu.memory_space<vmem>>, %arg5: memref<512x1024xbf16, #tpu.memory_space<vmem>>, %arg6: memref<512x1024xbf16, #tpu.memory_space<vmem>>, %arg7: memref<512x1024xf32, #tpu.memory_space<vmem>>) attributes {dimension_semantics = [#tpu.dimension_semantics<parallel>, #tpu.dimension_semantics<parallel>, #tpu.dimension_semantics<arbitrary>], iteration_bounds = array<i64: 20, 1, 20>, scalar_prefetch = 0 : i64, scratch_operands = 1 : i64, tpu.core_type = #tpu.core_type<tc>, window_params = [{transform_indices = @transform_0, window_bounds = array<i64: 512, 512>}, {transform_indices = @transform_1, window_bounds = array<i64: 512, 1024>}, {transform_indices = @transform_2, window_bounds = array<i64: 512, 1024>}, {transform_indices = @transform_3, window_bounds = array<i64: 512, 1024>}]} {
    %eq3A = arith.constant 0 : i32
    %eq3A_0 = arith.cmpi eq, %arg2, %eq3A : i32
    %convert_element_type3A = arith.extui %eq3A_0 : i1 to i32
    %cond3A = arith.constant 0 : i32
    %cond3A_1 = arith.cmpi ne, %convert_element_type3A, %cond3A : i32
    scf.if %cond3A_1 {
      %broadcast_in_dim3A = arith.constant 0.000000e+00 : f32
      %broadcast_in_dim3A_18 = vector.broadcast %broadcast_in_dim3A : f32 to vector<512x1024xf32>
      %swap3A_19 = arith.constant 0 : index
      %swap3A_20 = arith.constant 0 : index
      %swap3A_21 = vector.load %arg7[%swap3A_19, %swap3A_20] : memref<512x1024xf32, #tpu.memory_space<vmem>>, vector<512x1024xf32>
      tpu.vector_store %arg7[%swap3A_19, %swap3A_20], %broadcast_in_dim3A_18 {strides = array<i32>} : memref<512x1024xf32, #tpu.memory_space<vmem>>, vector<512x1024xf32>,
    } else {
    }
    %get3A = arith.constant 0 : index
    %get3A_2 = arith.constant 0 : index
    %get3A_3 = vector.load %arg7[%get3A, %get3A_2] : memref<512x1024xf32, #tpu.memory_space<vmem>>, vector<512x1024xf32>
    %get3A_4 = arith.constant 0 : index
    %get3A_5 = arith.constant 0 : index
    %get3A_6 = vector.load %arg3[%get3A_4, %get3A_5] : memref<512x512xbf16, #tpu.memory_space<vmem>>, vector<512x512xbf16>
    %get3A_7 = arith.constant 0 : index
    %get3A_8 = arith.constant 0 : index
    %get3A_9 = vector.load %arg4[%get3A_7, %get3A_8] : memref<512x1024xbf16, #tpu.memory_space<vmem>>, vector<512x1024xbf16>
    %dot_general3A = arith.constant dense<0.000000e+00> : vector<512x1024xf32>
    %dot_general3A_10 = tpu.matmul %get3A_6, %get3A_9, %dot_general3A {dimension_numbers = #tpu.dot_dimension_numbers<[1], [0], [0], [1], [0, 0, 1, 1], [], []>, transpose_lhs_hint = false} : vector<512x512xbf16>, vector<512x1024xbf16>, vector<512x1024xf32> -> vector<512x1024xf32>
    %add3A = arith.addf %get3A_3, %dot_general3A_10 : vector<512x1024xf32>
    %swap3A = arith.constant 0 : index
    %swap3A_11 = arith.constant 0 : index
    %swap3A_12 = vector.load %arg7[%swap3A, %swap3A_11] : memref<512x1024xf32, #tpu.memory_space<vmem>>, vector<512x1024xf32>
    tpu.vector_store %arg7[%swap3A, %swap3A_11], %add3A {strides = array<i32>} : memref<512x1024xf32, #tpu.memory_space<vmem>>, vector<512x1024xf32>,
    %eq3A_13 = arith.constant 19 : i32
    %eq3A_14 = arith.cmpi eq, %arg2, %eq3A_13 : i32
    %convert_element_type3A_15 = arith.extui %eq3A_14 : i1 to i32
    %cond3A_16 = arith.constant 0 : i32
    %cond3A_17 = arith.cmpi ne, %convert_element_type3A_15, %cond3A_16 : i32
    scf.if %cond3A_17 {
      %get3A_18 = arith.constant 0 : index
      %get3A_19 = arith.constant 0 : index
      %get3A_20 = vector.load %arg7[%get3A_18, %get3A_19] : memref<512x1024xf32, #tpu.memory_space<vmem>>, vector<512x1024xf32>
      %get3A_21 = arith.constant 0 : index
      %get3A_22 = arith.constant 0 : index
      %get3A_23 = vector.load %arg5[%get3A_21, %get3A_22] : memref<512x1024xbf16, #tpu.memory_space<vmem>>, vector<512x1024xbf16>
      %convert_element_type3A_24 = arith.extf %get3A_23 : vector<512x1024xbf16> to vector<512x1024xf32>
      %add3A_25 = arith.addf %get3A_20, %convert_element_type3A_24 : vector<512x1024xf32>
      %convert_element_type3A_26 = arith.truncf %add3A_25 : vector<512x1024xf32> to vector<512x1024xbf16>
      %swap3A_27 = arith.constant 0 : index
      %swap3A_28 = arith.constant 0 : index
      %swap3A_29 = vector.load %arg6[%swap3A_27, %swap3A_28] : memref<512x1024xbf16, #tpu.memory_space<vmem>>, vector<512x1024xbf16>
      tpu.vector_store %arg6[%swap3A_27, %swap3A_28], %convert_element_type3A_26 {strides = array<i32>} : memref<512x1024xbf16, #tpu.memory_space<vmem>>, vector<512x1024xbf16>,
    } else {
    }
    return
  }
  func.func @transform_0(%arg0: i32, %arg1: i32, %arg2: i32) -> (i32, i32) {
    %c0_i32 = arith.constant 0 : i32
    return %arg0, %arg2 : i32, i32
  }
  func.func @transform_1(%arg0: i32, %arg1: i32, %arg2: i32) -> (i32, i32) {
    %c0_i32 = arith.constant 0 : i32
    return %arg2, %arg1 : i32, i32
  }
  func.func @transform_2(%arg0: i32, %arg1: i32, %arg2: i32) -> (i32, i32) {
    %c0_i32 = arith.constant 0 : i32
    return %arg0, %arg1 : i32, i32
  }
  func.func @transform_3(%arg0: i32, %arg1: i32, %arg2: i32) -> (i32, i32) {
    %c0_i32 = arith.constant 0 : i32
    return %arg0, %arg1 : i32, i32
  }
}

module attributes {stable_mosaic.version = 14 : i64} {
  func.func @kern(%arg0: i32, %arg1: i32, %arg2: i32, %arg3: memref<512x512xbf16, #tpu.memory_space<vmem>>, %arg4: memref<512x1024xbf16, #tpu.memory_space<vmem>>, %arg5: memref<8x1024xf32, #tpu.memory_space<vmem>>, %arg6: memref<512x1024xbf16, #tpu.memory_space<vmem>>, %arg7: memref<512x1024xf32, #tpu.memory_space<vmem>>) attributes {dimension_semantics = [#tpu.dimension_semantics<parallel>, #tpu.dimension_semantics<parallel>, #tpu.dimension_semantics<arbitrary>], iteration_bounds = array<i64: 20, 1, 2>, scalar_prefetch = 0 : i64, scratch_operands = 1 : i64, tpu.core_type = #tpu.core_type<tc>, window_params = [{transform_indices = @transform_0, window_bounds = array<i64: 512, 512>}, {transform_indices = @transform_1, window_bounds = array<i64: 512, 1024>}, {transform_indices = @transform_2, window_bounds = array<i64: 8, 1024>}, {transform_indices = @transform_3, window_bounds = array<i64: 512, 1024>}]} {
    %eq3A = arith.constant 0 : i32
    %eq3A_0 = arith.cmpi eq, %arg2, %eq3A : i32
    %convert_element_type3A = arith.extui %eq3A_0 : i1 to i32
    %cond3A = arith.constant 0 : i32
    %cond3A_1 = arith.cmpi ne, %convert_element_type3A, %cond3A : i32
    scf.if %cond3A_1 {
      %broadcast_in_dim3A = arith.constant 0.000000e+00 : f32
      %broadcast_in_dim3A_18 = vector.broadcast %broadcast_in_dim3A : f32 to vector<512x1024xf32>
      %swap3A_19 = arith.constant 0 : index
      %swap3A_20 = arith.constant 0 : index
      %swap3A_21 = vector.load %arg7[%swap3A_19, %swap3A_20] : memref<512x1024xf32, #tpu.memory_space<vmem>>, vector<512x1024xf32>
      tpu.vector_store %arg7[%swap3A_19, %swap3A_20], %broadcast_in_dim3A_18 {strides = array<i32>} : memref<512x1024xf32, #tpu.memory_space<vmem>>, vector<512x1024xf32>,
    } else {
    }
    %get3A = arith.constant 0 : index
    %get3A_2 = arith.constant 0 : index
    %get3A_3 = vector.load %arg7[%get3A, %get3A_2] : memref<512x1024xf32, #tpu.memory_space<vmem>>, vector<512x1024xf32>
    %get3A_4 = arith.constant 0 : index
    %get3A_5 = arith.constant 0 : index
    %get3A_6 = vector.load %arg3[%get3A_4, %get3A_5] : memref<512x512xbf16, #tpu.memory_space<vmem>>, vector<512x512xbf16>
    %get3A_7 = arith.constant 0 : index
    %get3A_8 = arith.constant 0 : index
    %get3A_9 = vector.load %arg4[%get3A_7, %get3A_8] : memref<512x1024xbf16, #tpu.memory_space<vmem>>, vector<512x1024xbf16>
    %dot_general3A = arith.constant dense<0.000000e+00> : vector<512x1024xf32>
    %dot_general3A_10 = tpu.matmul %get3A_6, %get3A_9, %dot_general3A {dimension_numbers = #tpu.dot_dimension_numbers<[1], [0], [0], [1], [0, 0, 1, 1], [], []>, transpose_lhs_hint = false} : vector<512x512xbf16>, vector<512x1024xbf16>, vector<512x1024xf32> -> vector<512x1024xf32>
    %add3A = arith.addf %get3A_3, %dot_general3A_10 : vector<512x1024xf32>
    %swap3A = arith.constant 0 : index
    %swap3A_11 = arith.constant 0 : index
    %swap3A_12 = vector.load %arg7[%swap3A, %swap3A_11] : memref<512x1024xf32, #tpu.memory_space<vmem>>, vector<512x1024xf32>
    tpu.vector_store %arg7[%swap3A, %swap3A_11], %add3A {strides = array<i32>} : memref<512x1024xf32, #tpu.memory_space<vmem>>, vector<512x1024xf32>,
    %eq3A_13 = arith.constant 1 : i32
    %eq3A_14 = arith.cmpi eq, %arg2, %eq3A_13 : i32
    %convert_element_type3A_15 = arith.extui %eq3A_14 : i1 to i32
    %cond3A_16 = arith.constant 0 : i32
    %cond3A_17 = arith.cmpi ne, %convert_element_type3A_15, %cond3A_16 : i32
    scf.if %cond3A_17 {
      %get3A_18 = arith.constant 0 : index
      %get3A_19 = arith.constant 0 : index
      %get3A_20 = vector.load %arg7[%get3A_18, %get3A_19] : memref<512x1024xf32, #tpu.memory_space<vmem>>, vector<512x1024xf32>
      %get3A_21 = arith.constant 0 : index
      %get3A_22 = arith.constant 0 : index
      %get3A_23 = vector.load %arg5[%get3A_21, %get3A_22] : memref<8x1024xf32, #tpu.memory_space<vmem>>, vector<1x1024xf32>
      %add3A_24 = vector.broadcast %get3A_23 : vector<1x1024xf32> to vector<512x1024xf32>
      %add3A_25 = arith.addf %get3A_20, %add3A_24 : vector<512x1024xf32>
      %max3A = arith.constant 0.000000e+00 : f32
      %max3A_26 = vector.broadcast %max3A : f32 to vector<512x1024xf32>
      %max3A_27 = arith.maximumf %add3A_25, %max3A_26 : vector<512x1024xf32>
      %convert_element_type3A_28 = arith.truncf %max3A_27 : vector<512x1024xf32> to vector<512x1024xbf16>
      %swap3A_29 = arith.constant 0 : index
      %swap3A_30 = arith.constant 0 : index
      %swap3A_31 = vector.load %arg6[%swap3A_29, %swap3A_30] : memref<512x1024xbf16, #tpu.memory_space<vmem>>, vector<512x1024xbf16>
      tpu.vector_store %arg6[%swap3A_29, %swap3A_30], %convert_element_type3A_28 {strides = array<i32>} : memref<512x1024xbf16, #tpu.memory_space<vmem>>, vector<512x1024xbf16>,
    } else {
    }
    return
  }
  func.func @transform_0(%arg0: i32, %arg1: i32, %arg2: i32) -> (i32, i32) {
    %c0_i32 = arith.constant 0 : i32
    return %arg0, %arg2 : i32, i32
  }
  func.func @transform_1(%arg0: i32, %arg1: i32, %arg2: i32) -> (i32, i32) {
    %c0_i32 = arith.constant 0 : i32
    return %arg2, %arg1 : i32, i32
  }
  func.func @transform_2(%arg0: i32, %arg1: i32, %arg2: i32) -> (i32, i32) {
    %c0_i32 = arith.constant 0 : i32
    %c0_i32_0 = arith.constant 0 : i32
    return %c0_i32, %arg1 : i32, i32
  }
  func.func @transform_3(%arg0: i32, %arg1: i32, %arg2: i32) -> (i32, i32) {
    %c0_i32 = arith.constant 0 : i32
    return %arg0, %arg1 : i32, i32
  }
}

module attributes {stable_mosaic.version = 14 : i64} {
  func.func @kern(%arg0: i32, %arg1: i32, %arg2: i32, %arg3: memref<512x512xbf16, #tpu.memory_space<vmem>>, %arg4: memref<512x128xbf16, #tpu.memory_space<vmem>>, %arg5: memref<8x128xf32, #tpu.memory_space<vmem>>, %arg6: memref<512x128xbf16, #tpu.memory_space<vmem>>, %arg7: memref<512x128xf32, #tpu.memory_space<vmem>>) attributes {dimension_semantics = [#tpu.dimension_semantics<parallel>, #tpu.dimension_semantics<parallel>, #tpu.dimension_semantics<arbitrary>], iteration_bounds = array<i64: 20, 1, 2>, scalar_prefetch = 0 : i64, scratch_operands = 1 : i64, tpu.core_type = #tpu.core_type<tc>, window_params = [{transform_indices = @transform_0, window_bounds = array<i64: 512, 512>}, {transform_indices = @transform_1, window_bounds = array<i64: 512, 128>}, {transform_indices = @transform_2, window_bounds = array<i64: 8, 128>}, {transform_indices = @transform_3, window_bounds = array<i64: 512, 128>}]} {
    %eq3A = arith.constant 0 : i32
    %eq3A_0 = arith.cmpi eq, %arg2, %eq3A : i32
    %convert_element_type3A = arith.extui %eq3A_0 : i1 to i32
    %cond3A = arith.constant 0 : i32
    %cond3A_1 = arith.cmpi ne, %convert_element_type3A, %cond3A : i32
    scf.if %cond3A_1 {
      %broadcast_in_dim3A = arith.constant 0.000000e+00 : f32
      %broadcast_in_dim3A_18 = vector.broadcast %broadcast_in_dim3A : f32 to vector<512x128xf32>
      %swap3A_19 = arith.constant 0 : index
      %swap3A_20 = arith.constant 0 : index
      %swap3A_21 = vector.load %arg7[%swap3A_19, %swap3A_20] : memref<512x128xf32, #tpu.memory_space<vmem>>, vector<512x128xf32>
      tpu.vector_store %arg7[%swap3A_19, %swap3A_20], %broadcast_in_dim3A_18 {strides = array<i32>} : memref<512x128xf32, #tpu.memory_space<vmem>>, vector<512x128xf32>,
    } else {
    }
    %get3A = arith.constant 0 : index
    %get3A_2 = arith.constant 0 : index
    %get3A_3 = vector.load %arg7[%get3A, %get3A_2] : memref<512x128xf32, #tpu.memory_space<vmem>>, vector<512x128xf32>
    %get3A_4 = arith.constant 0 : index
    %get3A_5 = arith.constant 0 : index
    %get3A_6 = vector.load %arg3[%get3A_4, %get3A_5] : memref<512x512xbf16, #tpu.memory_space<vmem>>, vector<512x512xbf16>
    %get3A_7 = arith.constant 0 : index
    %get3A_8 = arith.constant 0 : index
    %get3A_9 = vector.load %arg4[%get3A_7, %get3A_8] : memref<512x128xbf16, #tpu.memory_space<vmem>>, vector<512x128xbf16>
    %dot_general3A = arith.constant dense<0.000000e+00> : vector<512x128xf32>
    %dot_general3A_10 = tpu.matmul %get3A_6, %get3A_9, %dot_general3A {dimension_numbers = #tpu.dot_dimension_numbers<[1], [0], [0], [1], [0, 0, 1, 1], [], []>, transpose_lhs_hint = false} : vector<512x512xbf16>, vector<512x128xbf16>, vector<512x128xf32> -> vector<512x128xf32>
    %add3A = arith.addf %get3A_3, %dot_general3A_10 : vector<512x128xf32>
    %swap3A = arith.constant 0 : index
    %swap3A_11 = arith.constant 0 : index
    %swap3A_12 = vector.load %arg7[%swap3A, %swap3A_11] : memref<512x128xf32, #tpu.memory_space<vmem>>, vector<512x128xf32>
    tpu.vector_store %arg7[%swap3A, %swap3A_11], %add3A {strides = array<i32>} : memref<512x128xf32, #tpu.memory_space<vmem>>, vector<512x128xf32>,
    %eq3A_13 = arith.constant 1 : i32
    %eq3A_14 = arith.cmpi eq, %arg2, %eq3A_13 : i32
    %convert_element_type3A_15 = arith.extui %eq3A_14 : i1 to i32
    %cond3A_16 = arith.constant 0 : i32
    %cond3A_17 = arith.cmpi ne, %convert_element_type3A_15, %cond3A_16 : i32
    scf.if %cond3A_17 {
      %get3A_18 = arith.constant 0 : index
      %get3A_19 = arith.constant 0 : index
      %get3A_20 = vector.load %arg7[%get3A_18, %get3A_19] : memref<512x128xf32, #tpu.memory_space<vmem>>, vector<512x128xf32>
      %get3A_21 = arith.constant 0 : index
      %get3A_22 = arith.constant 0 : index
      %get3A_23 = vector.load %arg5[%get3A_21, %get3A_22] : memref<8x128xf32, #tpu.memory_space<vmem>>, vector<1x128xf32>
      %add3A_24 = vector.broadcast %get3A_23 : vector<1x128xf32> to vector<512x128xf32>
      %add3A_25 = arith.addf %get3A_20, %add3A_24 : vector<512x128xf32>
      %convert_element_type3A_26 = arith.truncf %add3A_25 : vector<512x128xf32> to vector<512x128xbf16>
      %swap3A_27 = arith.constant 0 : index
      %swap3A_28 = arith.constant 0 : index
      %swap3A_29 = vector.load %arg6[%swap3A_27, %swap3A_28] : memref<512x128xbf16, #tpu.memory_space<vmem>>, vector<512x128xbf16>
      tpu.vector_store %arg6[%swap3A_27, %swap3A_28], %convert_element_type3A_26 {strides = array<i32>} : memref<512x128xbf16, #tpu.memory_space<vmem>>, vector<512x128xbf16>,
    } else {
    }
    return
  }
  func.func @transform_0(%arg0: i32, %arg1: i32, %arg2: i32) -> (i32, i32) {
    %c0_i32 = arith.constant 0 : i32
    return %arg0, %arg2 : i32, i32
  }
  func.func @transform_1(%arg0: i32, %arg1: i32, %arg2: i32) -> (i32, i32) {
    %c0_i32 = arith.constant 0 : i32
    return %arg2, %arg1 : i32, i32
  }
  func.func @transform_2(%arg0: i32, %arg1: i32, %arg2: i32) -> (i32, i32) {
    %c0_i32 = arith.constant 0 : i32
    %c0_i32_0 = arith.constant 0 : i32
    return %c0_i32, %arg1 : i32, i32
  }
  func.func @transform_3(%arg0: i32, %arg1: i32, %arg2: i32) -> (i32, i32) {
    %c0_i32 = arith.constant 0 : i32
    return %arg0, %arg1 : i32, i32
  }
}

module attributes {stable_mosaic.version = 14 : i64} {
  func.func @kern(%arg0: i32, %arg1: i32, %arg2: i32, %arg3: memref<512x128xbf16, #tpu.memory_space<vmem>>, %arg4: memref<128x128xbf16, #tpu.memory_space<vmem>>, %arg5: memref<8x128xf32, #tpu.memory_space<vmem>>, %arg6: memref<512x128xbf16, #tpu.memory_space<vmem>>, %arg7: memref<512x128xf32, #tpu.memory_space<vmem>>) attributes {dimension_semantics = [#tpu.dimension_semantics<parallel>, #tpu.dimension_semantics<parallel>, #tpu.dimension_semantics<arbitrary>], iteration_bounds = array<i64: 20, 1, 1>, scalar_prefetch = 0 : i64, scratch_operands = 1 : i64, tpu.core_type = #tpu.core_type<tc>, window_params = [{transform_indices = @transform_0, window_bounds = array<i64: 512, 128>}, {transform_indices = @transform_1, window_bounds = array<i64: 128, 128>}, {transform_indices = @transform_2, window_bounds = array<i64: 8, 128>}, {transform_indices = @transform_3, window_bounds = array<i64: 512, 128>}]} {
    %eq3A = arith.constant 0 : i32
    %eq3A_0 = arith.cmpi eq, %arg2, %eq3A : i32
    %convert_element_type3A = arith.extui %eq3A_0 : i1 to i32
    %cond3A = arith.constant 0 : i32
    %cond3A_1 = arith.cmpi ne, %convert_element_type3A, %cond3A : i32
    scf.if %cond3A_1 {
      %broadcast_in_dim3A = arith.constant 0.000000e+00 : f32
      %broadcast_in_dim3A_18 = vector.broadcast %broadcast_in_dim3A : f32 to vector<512x128xf32>
      %swap3A_19 = arith.constant 0 : index
      %swap3A_20 = arith.constant 0 : index
      %swap3A_21 = vector.load %arg7[%swap3A_19, %swap3A_20] : memref<512x128xf32, #tpu.memory_space<vmem>>, vector<512x128xf32>
      tpu.vector_store %arg7[%swap3A_19, %swap3A_20], %broadcast_in_dim3A_18 {strides = array<i32>} : memref<512x128xf32, #tpu.memory_space<vmem>>, vector<512x128xf32>,
    } else {
    }
    %get3A = arith.constant 0 : index
    %get3A_2 = arith.constant 0 : index
    %get3A_3 = vector.load %arg7[%get3A, %get3A_2] : memref<512x128xf32, #tpu.memory_space<vmem>>, vector<512x128xf32>
    %get3A_4 = arith.constant 0 : index
    %get3A_5 = arith.constant 0 : index
    %get3A_6 = vector.load %arg3[%get3A_4, %get3A_5] : memref<512x128xbf16, #tpu.memory_space<vmem>>, vector<512x128xbf16>
    %get3A_7 = arith.constant 0 : index
    %get3A_8 = arith.constant 0 : index
    %get3A_9 = vector.load %arg4[%get3A_7, %get3A_8] : memref<128x128xbf16, #tpu.memory_space<vmem>>, vector<128x128xbf16>
    %dot_general3A = arith.constant dense<0.000000e+00> : vector<512x128xf32>
    %dot_general3A_10 = tpu.matmul %get3A_6, %get3A_9, %dot_general3A {dimension_numbers = #tpu.dot_dimension_numbers<[1], [0], [0], [1], [0, 0, 1, 1], [], []>, transpose_lhs_hint = false} : vector<512x128xbf16>, vector<128x128xbf16>, vector<512x128xf32> -> vector<512x128xf32>
    %add3A = arith.addf %get3A_3, %dot_general3A_10 : vector<512x128xf32>
    %swap3A = arith.constant 0 : index
    %swap3A_11 = arith.constant 0 : index
    %swap3A_12 = vector.load %arg7[%swap3A, %swap3A_11] : memref<512x128xf32, #tpu.memory_space<vmem>>, vector<512x128xf32>
    tpu.vector_store %arg7[%swap3A, %swap3A_11], %add3A {strides = array<i32>} : memref<512x128xf32, #tpu.memory_space<vmem>>, vector<512x128xf32>,
    %eq3A_13 = arith.constant 0 : i32
    %eq3A_14 = arith.cmpi eq, %arg2, %eq3A_13 : i32
    %convert_element_type3A_15 = arith.extui %eq3A_14 : i1 to i32
    %cond3A_16 = arith.constant 0 : i32
    %cond3A_17 = arith.cmpi ne, %convert_element_type3A_15, %cond3A_16 : i32
    scf.if %cond3A_17 {
      %get3A_18 = arith.constant 0 : index
      %get3A_19 = arith.constant 0 : index
      %get3A_20 = vector.load %arg7[%get3A_18, %get3A_19] : memref<512x128xf32, #tpu.memory_space<vmem>>, vector<512x128xf32>
      %get3A_21 = arith.constant 0 : index
      %get3A_22 = arith.constant 0 : index
      %get3A_23 = vector.load %arg5[%get3A_21, %get3A_22] : memref<8x128xf32, #tpu.memory_space<vmem>>, vector<1x128xf32>
      %add3A_24 = vector.broadcast %get3A_23 : vector<1x128xf32> to vector<512x128xf32>
      %add3A_25 = arith.addf %get3A_20, %add3A_24 : vector<512x128xf32>
      %convert_element_type3A_26 = arith.truncf %add3A_25 : vector<512x128xf32> to vector<512x128xbf16>
      %swap3A_27 = arith.constant 0 : index
      %swap3A_28 = arith.constant 0 : index
      %swap3A_29 = vector.load %arg6[%swap3A_27, %swap3A_28] : memref<512x128xbf16, #tpu.memory_space<vmem>>, vector<512x128xbf16>
      tpu.vector_store %arg6[%swap3A_27, %swap3A_28], %convert_element_type3A_26 {strides = array<i32>} : memref<512x128xbf16, #tpu.memory_space<vmem>>, vector<512x128xbf16>,
    } else {
    }
    return
  }
  func.func @transform_0(%arg0: i32, %arg1: i32, %arg2: i32) -> (i32, i32) {
    %c0_i32 = arith.constant 0 : i32
    return %arg0, %arg2 : i32, i32
  }
  func.func @transform_1(%arg0: i32, %arg1: i32, %arg2: i32) -> (i32, i32) {
    %c0_i32 = arith.constant 0 : i32
    return %arg2, %arg1 : i32, i32
  }
  func.func @transform_2(%arg0: i32, %arg1: i32, %arg2: i32) -> (i32, i32) {
    %c0_i32 = arith.constant 0 : i32
    %c0_i32_0 = arith.constant 0 : i32
    return %c0_i32, %arg1 : i32, i32
  }
  func.func @transform_3(%arg0: i32, %arg1: i32, %arg2: i32) -> (i32, i32) {
    %c0_i32 = arith.constant 0 : i32
    return %arg0, %arg1 : i32, i32
  }
}

module attributes {stable_mosaic.version = 14 : i64} {
  func.func @kern(%arg0: i32, %arg1: i32, %arg2: i32, %arg3: memref<512x128xbf16, #tpu.memory_space<vmem>>, %arg4: memref<128x256xbf16, #tpu.memory_space<vmem>>, %arg5: memref<512x256xf32, #tpu.memory_space<vmem>>, %arg6: memref<512x256xf32, #tpu.memory_space<vmem>>) attributes {dimension_semantics = [#tpu.dimension_semantics<parallel>, #tpu.dimension_semantics<parallel>, #tpu.dimension_semantics<arbitrary>], iteration_bounds = array<i64: 20, 1, 1>, scalar_prefetch = 0 : i64, scratch_operands = 1 : i64, tpu.core_type = #tpu.core_type<tc>, window_params = [{transform_indices = @transform_0, window_bounds = array<i64: 512, 128>}, {transform_indices = @transform_1, window_bounds = array<i64: 128, 256>}, {transform_indices = @transform_2, window_bounds = array<i64: 512, 256>}]} {
    %eq3A = arith.constant 0 : i32
    %eq3A_0 = arith.cmpi eq, %arg2, %eq3A : i32
    %convert_element_type3A = arith.extui %eq3A_0 : i1 to i32
    %cond3A = arith.constant 0 : i32
    %cond3A_1 = arith.cmpi ne, %convert_element_type3A, %cond3A : i32
    scf.if %cond3A_1 {
      %broadcast_in_dim3A = arith.constant 0.000000e+00 : f32
      %broadcast_in_dim3A_18 = vector.broadcast %broadcast_in_dim3A : f32 to vector<512x256xf32>
      %swap3A_19 = arith.constant 0 : index
      %swap3A_20 = arith.constant 0 : index
      %swap3A_21 = vector.load %arg6[%swap3A_19, %swap3A_20] : memref<512x256xf32, #tpu.memory_space<vmem>>, vector<512x256xf32>
      tpu.vector_store %arg6[%swap3A_19, %swap3A_20], %broadcast_in_dim3A_18 {strides = array<i32>} : memref<512x256xf32, #tpu.memory_space<vmem>>, vector<512x256xf32>,
    } else {
    }
    %get3A = arith.constant 0 : index
    %get3A_2 = arith.constant 0 : index
    %get3A_3 = vector.load %arg6[%get3A, %get3A_2] : memref<512x256xf32, #tpu.memory_space<vmem>>, vector<512x256xf32>
    %get3A_4 = arith.constant 0 : index
    %get3A_5 = arith.constant 0 : index
    %get3A_6 = vector.load %arg3[%get3A_4, %get3A_5] : memref<512x128xbf16, #tpu.memory_space<vmem>>, vector<512x128xbf16>
    %get3A_7 = arith.constant 0 : index
    %get3A_8 = arith.constant 0 : index
    %get3A_9 = vector.load %arg4[%get3A_7, %get3A_8] : memref<128x256xbf16, #tpu.memory_space<vmem>>, vector<128x256xbf16>
    %dot_general3A = arith.constant dense<0.000000e+00> : vector<512x256xf32>
    %dot_general3A_10 = tpu.matmul %get3A_6, %get3A_9, %dot_general3A {dimension_numbers = #tpu.dot_dimension_numbers<[1], [0], [0], [1], [0, 0, 1, 1], [], []>, transpose_lhs_hint = false} : vector<512x128xbf16>, vector<128x256xbf16>, vector<512x256xf32> -> vector<512x256xf32>
    %add3A = arith.addf %get3A_3, %dot_general3A_10 : vector<512x256xf32>
    %swap3A = arith.constant 0 : index
    %swap3A_11 = arith.constant 0 : index
    %swap3A_12 = vector.load %arg6[%swap3A, %swap3A_11] : memref<512x256xf32, #tpu.memory_space<vmem>>, vector<512x256xf32>
    tpu.vector_store %arg6[%swap3A, %swap3A_11], %add3A {strides = array<i32>} : memref<512x256xf32, #tpu.memory_space<vmem>>, vector<512x256xf32>,
    %eq3A_13 = arith.constant 0 : i32
    %eq3A_14 = arith.cmpi eq, %arg2, %eq3A_13 : i32
    %convert_element_type3A_15 = arith.extui %eq3A_14 : i1 to i32
    %cond3A_16 = arith.constant 0 : i32
    %cond3A_17 = arith.cmpi ne, %convert_element_type3A_15, %cond3A_16 : i32
    scf.if %cond3A_17 {
      %get3A_18 = arith.constant 0 : index
      %get3A_19 = arith.constant 0 : index
      %get3A_20 = vector.load %arg6[%get3A_18, %get3A_19] : memref<512x256xf32, #tpu.memory_space<vmem>>, vector<512x256xf32>
      %swap3A_21 = arith.constant 0 : index
      %swap3A_22 = arith.constant 0 : index
      %swap3A_23 = vector.load %arg5[%swap3A_21, %swap3A_22] : memref<512x256xf32, #tpu.memory_space<vmem>>, vector<512x256xf32>
      tpu.vector_store %arg5[%swap3A_21, %swap3A_22], %get3A_20 {strides = array<i32>} : memref<512x256xf32, #tpu.memory_space<vmem>>, vector<512x256xf32>,
    } else {
    }
    return
  }
  func.func @transform_0(%arg0: i32, %arg1: i32, %arg2: i32) -> (i32, i32) {
    %c0_i32 = arith.constant 0 : i32
    return %arg0, %arg2 : i32, i32
  }
  func.func @transform_1(%arg0: i32, %arg1: i32, %arg2: i32) -> (i32, i32) {
    %c0_i32 = arith.constant 0 : i32
    return %arg2, %arg1 : i32, i32
  }
  func.func @transform_2(%arg0: i32, %arg1: i32, %arg2: i32) -> (i32, i32) {
    %c0_i32 = arith.constant 0 : i32
    return %arg0, %arg1 : i32, i32
  }
}

module attributes {stable_mosaic.version = 14 : i64} {
  func.func @kern(%arg0: i32, %arg1: memref<512x256xf32, #tpu.memory_space<vmem>>, %arg2: memref<512x128xbf16, #tpu.memory_space<vmem>>, %arg3: memref<512x256xbf16, #tpu.memory_space<vmem>>) attributes {dimension_semantics = [#tpu.dimension_semantics<arbitrary>], iteration_bounds = array<i64: 20>, scalar_prefetch = 0 : i64, scratch_operands = 0 : i64, tpu.core_type = #tpu.core_type<tc>, window_params = [{transform_indices = @transform_0, window_bounds = array<i64: 512, 256>}, {transform_indices = @transform_1, window_bounds = array<i64: 512, 128>}, {transform_indices = @transform_2, window_bounds = array<i64: 512, 256>}]} {
    %iota3A = tpu.iota {dimensions = array<i32: 0>} : vector<512x1xi32>
    %mul3A = arith.constant 512 : i32
    %mul3A_0 = arith.muli %arg0, %mul3A : i32
    %add3A = vector.broadcast %mul3A_0 : i32 to vector<512x1xi32>
    %add3A_1 = arith.addi %iota3A, %add3A : vector<512x1xi32>
    %get3A = arith.constant 0 : index
    %get3A_2 = arith.constant 0 : index
    %get3A_3 = vector.load %arg2[%get3A, %get3A_2] : memref<512x128xbf16, #tpu.memory_space<vmem>>, vector<512x128xbf16>
    %slice3A = vector.extract_strided_slice %get3A_3 {offsets = [0, 0], sizes = [512, 1], strides = [1, 1]} : vector<512x128xbf16> to vector<512x1xbf16>
    %convert_element_type3A = arith.extf %slice3A : vector<512x1xbf16> to vector<512x1xf32>
    %lt3A = arith.constant 10000 : i32
    %lt3A_4 = vector.broadcast %lt3A : i32 to vector<512x1xi32>
    %lt3A_5 = arith.cmpi slt, %add3A_1, %lt3A_4 : vector<512x1xi32>
    %add3A_6 = arith.constant 1.000000e+00 : f32
    %add3A_7 = vector.broadcast %add3A_6 : f32 to vector<512x1xf32>
    %add3A_8 = arith.addf %convert_element_type3A, %add3A_7 : vector<512x1xf32>
    %rsqrt3A = math.rsqrt %add3A_8 : vector<512x1xf32>
    %jit3A = arith.constant 0.000000e+00 : f32
    %broadcast_in_dim3A = vector.broadcast %jit3A : f32 to vector<512x1xf32>
    %select_n3A = arith.select %lt3A_5, %rsqrt3A, %broadcast_in_dim3A : vector<512x1xi1>, vector<512x1xf32>
    %get3A_9 = arith.constant 0 : index
    %get3A_10 = arith.constant 0 : index
    %get3A_11 = vector.load %arg1[%get3A_9, %get3A_10] : memref<512x256xf32, #tpu.memory_space<vmem>>, vector<512x256xf32>
    %mul3A_12 = vector.broadcast %select_n3A : vector<512x1xf32> to vector<512x256xf32>
    %mul3A_13 = arith.mulf %get3A_11, %mul3A_12 : vector<512x256xf32>
    %convert_element_type3A_14 = arith.truncf %mul3A_13 : vector<512x256xf32> to vector<512x256xbf16>
    %swap3A = arith.constant 0 : index
    %swap3A_15 = arith.constant 0 : index
    %swap3A_16 = vector.load %arg3[%swap3A, %swap3A_15] : memref<512x256xbf16, #tpu.memory_space<vmem>>, vector<512x256xbf16>
    tpu.vector_store %arg3[%swap3A, %swap3A_15], %convert_element_type3A_14 {strides = array<i32>} : memref<512x256xbf16, #tpu.memory_space<vmem>>, vector<512x256xbf16>,
    return
  }
  func.func @transform_0(%arg0: i32) -> (i32, i32) {
    %c0_i32 = arith.constant 0 : i32
    %c0_i32_0 = arith.constant 0 : i32
    return %arg0, %c0_i32 : i32, i32
  }
  func.func @transform_1(%arg0: i32) -> (i32, i32) {
    %c0_i32 = arith.constant 0 : i32
    %c0_i32_0 = arith.constant 0 : i32
    return %arg0, %c0_i32 : i32, i32
  }
  func.func @transform_2(%arg0: i32) -> (i32, i32) {
    %c0_i32 = arith.constant 0 : i32
    %c0_i32_0 = arith.constant 0 : i32
    return %arg0, %c0_i32 : i32, i32
  }
}

module attributes {stable_mosaic.version = 14 : i64} {
  func.func @kern(%arg0: i32, %arg1: i32, %arg2: i32, %arg3: memref<512x512xbf16, #tpu.memory_space<vmem>>, %arg4: memref<512x256xbf16, #tpu.memory_space<vmem>>, %arg5: memref<512x256xbf16, #tpu.memory_space<vmem>>, %arg6: memref<512x256xf32, #tpu.memory_space<vmem>>, %arg7: memref<512x256xf32, #tpu.memory_space<vmem>>) attributes {dimension_semantics = [#tpu.dimension_semantics<parallel>, #tpu.dimension_semantics<parallel>, #tpu.dimension_semantics<arbitrary>], iteration_bounds = array<i64: 20, 1, 20>, scalar_prefetch = 0 : i64, scratch_operands = 1 : i64, tpu.core_type = #tpu.core_type<tc>, window_params = [{transform_indices = @transform_0, window_bounds = array<i64: 512, 512>}, {transform_indices = @transform_1, window_bounds = array<i64: 512, 256>}, {transform_indices = @transform_2, window_bounds = array<i64: 512, 256>}, {transform_indices = @transform_3, window_bounds = array<i64: 512, 256>}]} {
    %eq3A = arith.constant 0 : i32
    %eq3A_0 = arith.cmpi eq, %arg2, %eq3A : i32
    %convert_element_type3A = arith.extui %eq3A_0 : i1 to i32
    %cond3A = arith.constant 0 : i32
    %cond3A_1 = arith.cmpi ne, %convert_element_type3A, %cond3A : i32
    scf.if %cond3A_1 {
      %broadcast_in_dim3A = arith.constant 0.000000e+00 : f32
      %broadcast_in_dim3A_18 = vector.broadcast %broadcast_in_dim3A : f32 to vector<512x256xf32>
      %swap3A_19 = arith.constant 0 : index
      %swap3A_20 = arith.constant 0 : index
      %swap3A_21 = vector.load %arg7[%swap3A_19, %swap3A_20] : memref<512x256xf32, #tpu.memory_space<vmem>>, vector<512x256xf32>
      tpu.vector_store %arg7[%swap3A_19, %swap3A_20], %broadcast_in_dim3A_18 {strides = array<i32>} : memref<512x256xf32, #tpu.memory_space<vmem>>, vector<512x256xf32>,
    } else {
    }
    %get3A = arith.constant 0 : index
    %get3A_2 = arith.constant 0 : index
    %get3A_3 = vector.load %arg7[%get3A, %get3A_2] : memref<512x256xf32, #tpu.memory_space<vmem>>, vector<512x256xf32>
    %get3A_4 = arith.constant 0 : index
    %get3A_5 = arith.constant 0 : index
    %get3A_6 = vector.load %arg3[%get3A_4, %get3A_5] : memref<512x512xbf16, #tpu.memory_space<vmem>>, vector<512x512xbf16>
    %get3A_7 = arith.constant 0 : index
    %get3A_8 = arith.constant 0 : index
    %get3A_9 = vector.load %arg4[%get3A_7, %get3A_8] : memref<512x256xbf16, #tpu.memory_space<vmem>>, vector<512x256xbf16>
    %dot_general3A = arith.constant dense<0.000000e+00> : vector<512x256xf32>
    %dot_general3A_10 = tpu.matmul %get3A_6, %get3A_9, %dot_general3A {dimension_numbers = #tpu.dot_dimension_numbers<[1], [0], [0], [1], [0, 0, 1, 1], [], []>, transpose_lhs_hint = false} : vector<512x512xbf16>, vector<512x256xbf16>, vector<512x256xf32> -> vector<512x256xf32>
    %add3A = arith.addf %get3A_3, %dot_general3A_10 : vector<512x256xf32>
    %swap3A = arith.constant 0 : index
    %swap3A_11 = arith.constant 0 : index
    %swap3A_12 = vector.load %arg7[%swap3A, %swap3A_11] : memref<512x256xf32, #tpu.memory_space<vmem>>, vector<512x256xf32>
    tpu.vector_store %arg7[%swap3A, %swap3A_11], %add3A {strides = array<i32>} : memref<512x256xf32, #tpu.memory_space<vmem>>, vector<512x256xf32>,
    %eq3A_13 = arith.constant 19 : i32
    %eq3A_14 = arith.cmpi eq, %arg2, %eq3A_13 : i32
    %convert_element_type3A_15 = arith.extui %eq3A_14 : i1 to i32
    %cond3A_16 = arith.constant 0 : i32
    %cond3A_17 = arith.cmpi ne, %convert_element_type3A_15, %cond3A_16 : i32
    scf.if %cond3A_17 {
      %get3A_18 = arith.constant 0 : index
      %get3A_19 = arith.constant 0 : index
      %get3A_20 = vector.load %arg7[%get3A_18, %get3A_19] : memref<512x256xf32, #tpu.memory_space<vmem>>, vector<512x256xf32>
      %get3A_21 = arith.constant 0 : index
      %get3A_22 = arith.constant 0 : index
      %get3A_23 = vector.load %arg5[%get3A_21, %get3A_22] : memref<512x256xbf16, #tpu.memory_space<vmem>>, vector<512x256xbf16>
      %convert_element_type3A_24 = arith.extf %get3A_23 : vector<512x256xbf16> to vector<512x256xf32>
      %add3A_25 = arith.addf %get3A_20, %convert_element_type3A_24 : vector<512x256xf32>
      %swap3A_26 = arith.constant 0 : index
      %swap3A_27 = arith.constant 0 : index
      %swap3A_28 = vector.load %arg6[%swap3A_26, %swap3A_27] : memref<512x256xf32, #tpu.memory_space<vmem>>, vector<512x256xf32>
      tpu.vector_store %arg6[%swap3A_26, %swap3A_27], %add3A_25 {strides = array<i32>} : memref<512x256xf32, #tpu.memory_space<vmem>>, vector<512x256xf32>,
    } else {
    }
    return
  }
  func.func @transform_0(%arg0: i32, %arg1: i32, %arg2: i32) -> (i32, i32) {
    %c0_i32 = arith.constant 0 : i32
    return %arg0, %arg2 : i32, i32
  }
  func.func @transform_1(%arg0: i32, %arg1: i32, %arg2: i32) -> (i32, i32) {
    %c0_i32 = arith.constant 0 : i32
    return %arg2, %arg1 : i32, i32
  }
  func.func @transform_2(%arg0: i32, %arg1: i32, %arg2: i32) -> (i32, i32) {
    %c0_i32 = arith.constant 0 : i32
    return %arg0, %arg1 : i32, i32
  }
  func.func @transform_3(%arg0: i32, %arg1: i32, %arg2: i32) -> (i32, i32) {
    %c0_i32 = arith.constant 0 : i32
    return %arg0, %arg1 : i32, i32
  }
}

module attributes {stable_mosaic.version = 14 : i64} {
  func.func @kern(%arg0: i32, %arg1: memref<512x256xf32, #tpu.memory_space<vmem>>, %arg2: memref<512x128xbf16, #tpu.memory_space<vmem>>, %arg3: memref<8x256xf32, #tpu.memory_space<vmem>>, %arg4: memref<512x256xf32, #tpu.memory_space<vmem>>) attributes {dimension_semantics = [#tpu.dimension_semantics<arbitrary>], iteration_bounds = array<i64: 20>, scalar_prefetch = 0 : i64, scratch_operands = 0 : i64, tpu.core_type = #tpu.core_type<tc>, window_params = [{transform_indices = @transform_0, window_bounds = array<i64: 512, 256>}, {transform_indices = @transform_1, window_bounds = array<i64: 512, 128>}, {pipeline_mode = #tpu.pipeline_mode<synchronous>, transform_indices = @transform_2, window_bounds = array<i64: 8, 256>}, {transform_indices = @transform_3, window_bounds = array<i64: 512, 256>}]} {
    %iota3A = tpu.iota {dimensions = array<i32: 0>} : vector<512x1xi32>
    %mul3A = arith.constant 512 : i32
    %mul3A_0 = arith.muli %arg0, %mul3A : i32
    %add3A = vector.broadcast %mul3A_0 : i32 to vector<512x1xi32>
    %add3A_1 = arith.addi %iota3A, %add3A : vector<512x1xi32>
    %get3A = arith.constant 0 : index
    %get3A_2 = arith.constant 0 : index
    %get3A_3 = vector.load %arg2[%get3A, %get3A_2] : memref<512x128xbf16, #tpu.memory_space<vmem>>, vector<512x128xbf16>
    %slice3A = vector.extract_strided_slice %get3A_3 {offsets = [0, 0], sizes = [512, 1], strides = [1, 1]} : vector<512x128xbf16> to vector<512x1xbf16>
    %convert_element_type3A = arith.extf %slice3A : vector<512x1xbf16> to vector<512x1xf32>
    %lt3A = arith.constant 10000 : i32
    %lt3A_4 = vector.broadcast %lt3A : i32 to vector<512x1xi32>
    %lt3A_5 = arith.cmpi slt, %add3A_1, %lt3A_4 : vector<512x1xi32>
    %add3A_6 = arith.constant 1.000000e+00 : f32
    %add3A_7 = vector.broadcast %add3A_6 : f32 to vector<512x1xf32>
    %add3A_8 = arith.addf %convert_element_type3A, %add3A_7 : vector<512x1xf32>
    %rsqrt3A = math.rsqrt %add3A_8 : vector<512x1xf32>
    %jit3A = arith.constant 0.000000e+00 : f32
    %broadcast_in_dim3A = vector.broadcast %jit3A : f32 to vector<512x1xf32>
    %select_n3A = arith.select %lt3A_5, %rsqrt3A, %broadcast_in_dim3A : vector<512x1xi1>, vector<512x1xf32>
    %get3A_9 = arith.constant 0 : index
    %get3A_10 = arith.constant 0 : index
    %get3A_11 = vector.load %arg1[%get3A_9, %get3A_10] : memref<512x256xf32, #tpu.memory_space<vmem>>, vector<512x256xf32>
    %mul3A_12 = vector.broadcast %select_n3A : vector<512x1xf32> to vector<512x256xf32>
    %mul3A_13 = arith.mulf %get3A_11, %mul3A_12 : vector<512x256xf32>
    %get3A_14 = arith.constant 0 : index
    %get3A_15 = arith.constant 0 : index
    %get3A_16 = vector.load %arg3[%get3A_14, %get3A_15] : memref<8x256xf32, #tpu.memory_space<vmem>>, vector<1x256xf32>
    %add3A_17 = vector.broadcast %get3A_16 : vector<1x256xf32> to vector<512x256xf32>
    %add3A_18 = arith.addf %mul3A_13, %add3A_17 : vector<512x256xf32>
    %swap3A = arith.constant 0 : index
    %swap3A_19 = arith.constant 0 : index
    %swap3A_20 = vector.load %arg4[%swap3A, %swap3A_19] : memref<512x256xf32, #tpu.memory_space<vmem>>, vector<512x256xf32>
    tpu.vector_store %arg4[%swap3A, %swap3A_19], %add3A_18 {strides = array<i32>} : memref<512x256xf32, #tpu.memory_space<vmem>>, vector<512x256xf32>,
    return
  }
  func.func @transform_0(%arg0: i32) -> (i32, i32) {
    %c0_i32 = arith.constant 0 : i32
    %c0_i32_0 = arith.constant 0 : i32
    return %arg0, %c0_i32 : i32, i32
  }
  func.func @transform_1(%arg0: i32) -> (i32, i32) {
    %c0_i32 = arith.constant 0 : i32
    %c0_i32_0 = arith.constant 0 : i32
    return %arg0, %c0_i32 : i32, i32
  }
  func.func @transform_2(%arg0: i32) -> (i32, i32) {
    %c0_i32 = arith.constant 0 : i32
    %c0_i32_0 = arith.constant 0 : i32
    %c0_i32_1 = arith.constant 0 : i32
    return %c0_i32, %c0_i32_0 : i32, i32
  }
  func.func @transform_3(%arg0: i32) -> (i32, i32) {
    %c0_i32 = arith.constant 0 : i32
    %c0_i32_0 = arith.constant 0 : i32
    return %arg0, %c0_i32 : i32, i32
  }
}

module attributes {stable_mosaic.version = 14 : i64} {
  func.func @kern(%arg0: i32, %arg1: i32, %arg2: memref<72xi32, #tpu.memory_space<smem>>, %arg3: memref<10240x256xf32, #tpu.memory_space<vmem>>, %arg4: memref<80x128xf32, #tpu.memory_space<vmem>>, %arg5: memref<128x128xf32, #tpu.memory_space<vmem>>, %arg6: memref<8x128xf32, #tpu.memory_space<vmem>>, %arg7: memref<128x128xf32, #tpu.memory_space<vmem>>, %arg8: memref<8x128xf32, #tpu.memory_space<vmem>>, %arg9: memref<1x80x128xf32, #tpu.memory_space<vmem>>, %arg10: memref<80x128xf32, #tpu.memory_space<vmem>>, %arg11: memref<80x128xf32, #tpu.memory_space<vmem>>, %arg12: memref<80x128xf32, #tpu.memory_space<vmem>>, %arg13: memref<80x128xf32, #tpu.memory_space<vmem>>) attributes {dimension_semantics = [#tpu.dimension_semantics<arbitrary>, #tpu.dimension_semantics<arbitrary>], iteration_bounds = array<i64: 64, 10>, scalar_prefetch = 0 : i64, scratch_operands = 4 : i64, tpu.core_type = #tpu.core_type<tc>, window_params = [{transform_indices = @transform_0, window_bounds = array<i64: 72>}, {pipeline_mode = #tpu.pipeline_mode<synchronous>, transform_indices = @transform_1, window_bounds = array<i64: 10240, 256>}, {pipeline_mode = #tpu.pipeline_mode<synchronous>, transform_indices = @transform_2, window_bounds = array<i64: 80, 128>}, {pipeline_mode = #tpu.pipeline_mode<synchronous>, transform_indices = @transform_3, window_bounds = array<i64: 128, 128>}, {pipeline_mode = #tpu.pipeline_mode<synchronous>, transform_indices = @transform_4, window_bounds = array<i64: 8, 128>}, {pipeline_mode = #tpu.pipeline_mode<synchronous>, transform_indices = @transform_5, window_bounds = array<i64: 128, 128>}, {pipeline_mode = #tpu.pipeline_mode<synchronous>, transform_indices = @transform_6, window_bounds = array<i64: 8, 128>}, {transform_indices = @transform_7, window_bounds = array<i64: 1, 80, 128>}]} {
    %get3A = arith.index_cast %arg0 : i32 to index
    %get3A_0 = memref.load %arg2[%get3A] : memref<72xi32, #tpu.memory_space<smem>>
    %add3A = arith.constant 1 : i32
    %add3A_1 = arith.addi %arg0, %add3A : i32
    %get3A_2 = arith.index_cast %add3A_1 : i32 to index
    %get3A_3 = memref.load %arg2[%get3A_2] : memref<72xi32, #tpu.memory_space<smem>>
    %eq3A = arith.constant 0 : i32
    %eq3A_4 = arith.cmpi eq, %arg1, %eq3A : i32
    %convert_element_type3A = arith.extui %eq3A_4 : i1 to i32
    %cond3A = arith.constant 0 : i32
    %cond3A_5 = arith.cmpi ne, %convert_element_type3A, %cond3A : i32
    scf.if %cond3A_5 {
      %get3A_19 = arith.constant 0 : index
      %get3A_20 = arith.constant 0 : index
      %get3A_21 = vector.load %arg4[%get3A_19, %get3A_20] : memref<80x128xf32, #tpu.memory_space<vmem>>, vector<80x128xf32>
      %get3A_22 = arith.constant 0 : index
      %get3A_23 = arith.constant 0 : index
      %get3A_24 = vector.load %arg5[%get3A_22, %get3A_23] : memref<128x128xf32, #tpu.memory_space<vmem>>, vector<128x128xf32>
      %dot_general3A = arith.constant dense<0.000000e+00> : vector<80x128xf32>
      %dot_general3A_25 = tpu.matmul %get3A_21, %get3A_24, %dot_general3A {dimension_numbers = #tpu.dot_dimension_numbers<[1], [0], [0], [1], [0, 0, 1, 1], [], []>, transpose_lhs_hint = false} : vector<80x128xf32>, vector<128x128xf32>, vector<80x128xf32> -> vector<80x128xf32>
      %get3A_26 = arith.constant 0 : index
      %get3A_27 = arith.constant 0 : index
      %get3A_28 = vector.load %arg6[%get3A_26, %get3A_27] : memref<8x128xf32, #tpu.memory_space<vmem>>, vector<1x128xf32>
      %add3A_29 = vector.broadcast %get3A_28 : vector<1x128xf32> to vector<80x128xf32>
      %add3A_30 = arith.addf %dot_general3A_25, %add3A_29 : vector<80x128xf32>
      %swap3A = arith.constant 0 : index
      %swap3A_31 = arith.constant 0 : index
      %swap3A_32 = vector.load %arg10[%swap3A, %swap3A_31] : memref<80x128xf32, #tpu.memory_space<vmem>>, vector<80x128xf32>
      tpu.vector_store %arg10[%swap3A, %swap3A_31], %add3A_30 {strides = array<i32>} : memref<80x128xf32, #tpu.memory_space<vmem>>, vector<80x128xf32>,
      %broadcast_in_dim3A = arith.constant -1.000000e+30 : f32
      %broadcast_in_dim3A_33 = vector.broadcast %broadcast_in_dim3A : f32 to vector<80x128xf32>
      %swap3A_34 = arith.constant 0 : index
      %swap3A_35 = arith.constant 0 : index
      %swap3A_36 = vector.load %arg11[%swap3A_34, %swap3A_35] : memref<80x128xf32, #tpu.memory_space<vmem>>, vector<80x128xf32>
      tpu.vector_store %arg11[%swap3A_34, %swap3A_35], %broadcast_in_dim3A_33 {strides = array<i32>} : memref<80x128xf32, #tpu.memory_space<vmem>>, vector<80x128xf32>,
      %broadcast_in_dim3A_37 = arith.constant 0.000000e+00 : f32
      %broadcast_in_dim3A_38 = vector.broadcast %broadcast_in_dim3A_37 : f32 to vector<80x128xf32>
      %swap3A_39 = arith.constant 0 : index
      %swap3A_40 = arith.constant 0 : index
      %swap3A_41 = vector.load %arg12[%swap3A_39, %swap3A_40] : memref<80x128xf32, #tpu.memory_space<vmem>>, vector<80x128xf32>
      tpu.vector_store %arg12[%swap3A_39, %swap3A_40], %broadcast_in_dim3A_38 {strides = array<i32>} : memref<80x128xf32, #tpu.memory_space<vmem>>, vector<80x128xf32>,
      %broadcast_in_dim3A_42 = arith.constant 0.000000e+00 : f32
      %broadcast_in_dim3A_43 = vector.broadcast %broadcast_in_dim3A_42 : f32 to vector<80x128xf32>
      %swap3A_44 = arith.constant 0 : index
      %swap3A_45 = arith.constant 0 : index
      %swap3A_46 = vector.load %arg13[%swap3A_44, %swap3A_45] : memref<80x128xf32, #tpu.memory_space<vmem>>, vector<80x128xf32>
      tpu.vector_store %arg13[%swap3A_44, %swap3A_45], %broadcast_in_dim3A_43 {strides = array<i32>} : memref<80x128xf32, #tpu.memory_space<vmem>>, vector<80x128xf32>,
    } else {
    }
    %mul3A = arith.constant 1024 : i32
    %mul3A_6 = arith.muli %arg1, %mul3A : i32
    %lt3A = arith.cmpi slt, %mul3A_6, %get3A_3 : i32
    %add3A_7 = arith.constant 1 : i32
    %add3A_8 = arith.addi %arg1, %add3A_7 : i32
    %mul3A_9 = arith.constant 1024 : i32
    %mul3A_10 = arith.muli %add3A_8, %mul3A_9 : i32
    %gt3A = arith.cmpi sgt, %mul3A_10, %get3A_0 : i32
    %and3A = arith.andi %lt3A, %gt3A : i1
    %convert_element_type3A_11 = arith.extui %and3A : i1 to i32
    %cond3A_12 = arith.constant 0 : i32
    %cond3A_13 = arith.cmpi ne, %convert_element_type3A_11, %cond3A_12 : i32
    scf.if %cond3A_13 {
      %mul3A_19 = arith.constant 1024 : i32
      %mul3A_20 = arith.muli %arg1, %mul3A_19 : i32
      %get3A_21 = arith.index_cast %mul3A_20 : i32 to index
      %get3A_22 = arith.constant 0 : index
      %get3A_23 = vector.load %arg3[%get3A_21, %get3A_22] : memref<10240x256xf32, #tpu.memory_space<vmem>>, vector<1024x256xf32>
      %iota3A = tpu.iota {dimensions = array<i32: 1>} : vector<1x1024xi32>
      %mul3A_24 = arith.constant 1024 : i32
      %mul3A_25 = arith.muli %arg1, %mul3A_24 : i32
      %add3A_26 = vector.broadcast %mul3A_25 : i32 to vector<1x1024xi32>
      %add3A_27 = arith.addi %iota3A, %add3A_26 : vector<1x1024xi32>
      %ge3A = vector.broadcast %get3A_0 : i32 to vector<1x1024xi32>
      %ge3A_28 = arith.cmpi sge, %add3A_27, %ge3A : vector<1x1024xi32>
      %lt3A_29 = vector.broadcast %get3A_3 : i32 to vector<1x1024xi32>
      %lt3A_30 = arith.cmpi slt, %add3A_27, %lt3A_29 : vector<1x1024xi32>
      %and3A_31 = arith.andi %ge3A_28, %lt3A_30 : vector<1x1024xi1>
      %get3A_32 = arith.constant 0 : index
      %get3A_33 = arith.constant 0 : index
      %get3A_34 = vector.load %arg10[%get3A_32, %get3A_33] : memref<80x128xf32, #tpu.memory_space<vmem>>, vector<80x128xf32>
      %slice3A = vector.extract_strided_slice %get3A_34 {offsets = [0, 0], sizes = [80, 32], strides = [1, 1]} : vector<80x128xf32> to vector<80x32xf32>
      %convert_element_type3A_35 = arith.truncf %slice3A : vector<80x32xf32> to vector<80x32xbf16>
      %slice3A_36 = vector.extract_strided_slice %get3A_23 {offsets = [0, 0], sizes = [1024, 32], strides = [1, 1]} : vector<1024x256xf32> to vector<1024x32xf32>
      %convert_element_type3A_37 = arith.truncf %slice3A_36 : vector<1024x32xf32> to vector<1024x32xbf16>
      %slice3A_38 = vector.extract_strided_slice %get3A_23 {offsets = [0, 128], sizes = [1024, 32], strides = [1, 1]} : vector<1024x256xf32> to vector<1024x32xf32>
      %convert_element_type3A_39 = arith.truncf %slice3A_38 : vector<1024x32xf32> to vector<1024x32xbf16>
      %dot_general3A = arith.constant dense<0.000000e+00> : vector<80x1024xf32>
      %dot_general3A_40 = tpu.matmul %convert_element_type3A_35, %convert_element_type3A_37, %dot_general3A {dimension_numbers = #tpu.dot_dimension_numbers<[1], [1], [0], [0], [0, 0, 1, 0], [], []>, transpose_lhs_hint = false} : vector<80x32xbf16>, vector<1024x32xbf16>, vector<80x1024xf32> -> vector<80x1024xf32>
      %mul3A_41 = arith.constant 0.0883883461 : f32
      %mul3A_42 = vector.broadcast %mul3A_41 : f32 to vector<80x1024xf32>
      %mul3A_43 = arith.mulf %dot_general3A_40, %mul3A_42 : vector<80x1024xf32>
      %jit3A = arith.constant -1.000000e+30 : f32
      %broadcast_in_dim3A = vector.shape_cast %and3A_31 : vector<1x1024xi1> to vector<1x1024xi1>
      %broadcast_in_dim3A_44 = vector.broadcast %broadcast_in_dim3A : vector<1x1024xi1> to vector<80x1024xi1>
      %broadcast_in_dim3A_45 = vector.broadcast %jit3A : f32 to vector<80x1024xf32>
      %select_n3A = arith.select %broadcast_in_dim3A_44, %mul3A_43, %broadcast_in_dim3A_45 : vector<80x1024xi1>, vector<80x1024xf32>
      %get3A_46 = arith.constant 0 : index
      %get3A_47 = arith.constant 0 : index
      %get3A_48 = vector.load %arg11[%get3A_46, %get3A_47] : memref<80x128xf32, #tpu.memory_space<vmem>>, vector<80x32xf32>
      %slice3A_49 = vector.extract_strided_slice %get3A_48 {offsets = [0, 0], sizes = [80, 1], strides = [1, 1]} : vector<80x32xf32> to vector<80x1xf32>
      %reduce_max3A = arith.constant dense<0xFF800000> : vector<80xf32>
      %reduce_max3A_50 = vector.multi_reduction <maximumf>, %select_n3A, %reduce_max3A [1] : vector<80x1024xf32> to vector<80xf32>
      %broadcast_in_dim3A_51 = vector.shape_cast %reduce_max3A_50 : vector<80xf32> to vector<80x1xf32>
      %max3A = arith.maximumf %slice3A_49, %broadcast_in_dim3A_51 : vector<80x1xf32>
      %sub3A = vector.broadcast %max3A : vector<80x1xf32> to vector<80x1024xf32>
      %sub3A_52 = arith.subf %select_n3A, %sub3A : vector<80x1024xf32>
      %exp3A = math.exp %sub3A_52 : vector<80x1024xf32>
      %jit3A_53 = arith.constant 0.000000e+00 : f32
      %broadcast_in_dim3A_54 = vector.shape_cast %and3A_31 : vector<1x1024xi1> to vector<1x1024xi1>
      %broadcast_in_dim3A_55 = vector.broadcast %broadcast_in_dim3A_54 : vector<1x1024xi1> to vector<80x1024xi1>
      %broadcast_in_dim3A_56 = vector.broadcast %jit3A_53 : f32 to vector<80x1024xf32>
      %select_n3A_57 = arith.select %broadcast_in_dim3A_55, %exp3A, %broadcast_in_dim3A_56 : vector<80x1024xi1>, vector<80x1024xf32>
      %sub3A_58 = arith.subf %slice3A_49, %max3A : vector<80x1xf32>
      %exp3A_59 = math.exp %sub3A_58 : vector<80x1xf32>
      %get3A_60 = arith.constant 0 : index
      %get3A_61 = arith.constant 0 : index
      %get3A_62 = vector.load %arg12[%get3A_60, %get3A_61] : memref<80x128xf32, #tpu.memory_space<vmem>>, vector<80x32xf32>
      %slice3A_63 = vector.extract_strided_slice %get3A_62 {offsets = [0, 0], sizes = [80, 1], strides = [1, 1]} : vector<80x32xf32> to vector<80x1xf32>
      %mul3A_64 = arith.mulf %slice3A_63, %exp3A_59 : vector<80x1xf32>
      %reduce_sum3A = arith.constant dense<0.000000e+00> : vector<80xf32>
      %reduce_sum3A_65 = vector.multi_reduction <add>, %select_n3A_57, %reduce_sum3A [1] : vector<80x1024xf32> to vector<80xf32>
      %broadcast_in_dim3A_66 = vector.shape_cast %reduce_sum3A_65 : vector<80xf32> to vector<80x1xf32>
      %add3A_67 = arith.addf %mul3A_64, %broadcast_in_dim3A_66 : vector<80x1xf32>
      %get3A_68 = arith.constant 0 : index
      %get3A_69 = arith.constant 0 : index
      %get3A_70 = vector.load %arg13[%get3A_68, %get3A_69] : memref<80x128xf32, #tpu.memory_space<vmem>>, vector<80x32xf32>
      %mul3A_71 = vector.broadcast %exp3A_59 : vector<80x1xf32> to vector<80x32xf32>
      %mul3A_72 = arith.mulf %get3A_70, %mul3A_71 : vector<80x32xf32>
      %convert_element_type3A_73 = arith.truncf %select_n3A_57 : vector<80x1024xf32> to vector<80x1024xbf16>
      %dot_general3A_74 = arith.constant dense<0.000000e+00> : vector<80x32xf32>
      %dot_general3A_75 = tpu.matmul %convert_element_type3A_73, %convert_element_type3A_39, %dot_general3A_74 {dimension_numbers = #tpu.dot_dimension_numbers<[1], [0], [0], [1], [0, 0, 1, 1], [], []>, transpose_lhs_hint = false} : vector<80x1024xbf16>, vector<1024x32xbf16>, vector<80x32xf32> -> vector<80x32xf32>
      %add3A_76 = arith.addf %mul3A_72, %dot_general3A_75 : vector<80x32xf32>
      %broadcast_in_dim3A_77 = vector.shape_cast %max3A : vector<80x1xf32> to vector<80x1xf32>
      %broadcast_in_dim3A_78 = vector.broadcast %broadcast_in_dim3A_77 : vector<80x1xf32> to vector<80x32xf32>
      %swap3A = arith.constant 0 : index
      %swap3A_79 = arith.constant 0 : index
      %swap3A_80 = vector.load %arg11[%swap3A, %swap3A_79] : memref<80x128xf32, #tpu.memory_space<vmem>>, vector<80x32xf32>
      tpu.vector_store %arg11[%swap3A, %swap3A_79], %broadcast_in_dim3A_78 {strides = array<i32>} : memref<80x128xf32, #tpu.memory_space<vmem>>, vector<80x32xf32>,
      %broadcast_in_dim3A_81 = vector.shape_cast %add3A_67 : vector<80x1xf32> to vector<80x1xf32>
      %broadcast_in_dim3A_82 = vector.broadcast %broadcast_in_dim3A_81 : vector<80x1xf32> to vector<80x32xf32>
      %swap3A_83 = arith.constant 0 : index
      %swap3A_84 = arith.constant 0 : index
      %swap3A_85 = vector.load %arg12[%swap3A_83, %swap3A_84] : memref<80x128xf32, #tpu.memory_space<vmem>>, vector<80x32xf32>
      tpu.vector_store %arg12[%swap3A_83, %swap3A_84], %broadcast_in_dim3A_82 {strides = array<i32>} : memref<80x128xf32, #tpu.memory_space<vmem>>, vector<80x32xf32>,
      %swap3A_86 = arith.constant 0 : index
      %swap3A_87 = arith.constant 0 : index
      %swap3A_88 = vector.load %arg13[%swap3A_86, %swap3A_87] : memref<80x128xf32, #tpu.memory_space<vmem>>, vector<80x32xf32>
      tpu.vector_store %arg13[%swap3A_86, %swap3A_87], %add3A_76 {strides = array<i32>} : memref<80x128xf32, #tpu.memory_space<vmem>>, vector<80x32xf32>,
      %slice3A_89 = vector.extract_strided_slice %get3A_34 {offsets = [0, 32], sizes = [80, 32], strides = [1, 1]} : vector<80x128xf32> to vector<80x32xf32>
      %convert_element_type3A_90 = arith.truncf %slice3A_89 : vector<80x32xf32> to vector<80x32xbf16>
      %slice3A_91 = vector.extract_strided_slice %get3A_23 {offsets = [0, 32], sizes = [1024, 32], strides = [1, 1]} : vector<1024x256xf32> to vector<1024x32xf32>
      %convert_element_type3A_92 = arith.truncf %slice3A_91 : vector<1024x32xf32> to vector<1024x32xbf16>
      %slice3A_93 = vector.extract_strided_slice %get3A_23 {offsets = [0, 160], sizes = [1024, 32], strides = [1, 1]} : vector<1024x256xf32> to vector<1024x32xf32>
      %convert_element_type3A_94 = arith.truncf %slice3A_93 : vector<1024x32xf32> to vector<1024x32xbf16>
      %dot_general3A_95 = arith.constant dense<0.000000e+00> : vector<80x1024xf32>
      %dot_general3A_96 = tpu.matmul %convert_element_type3A_90, %convert_element_type3A_92, %dot_general3A_95 {dimension_numbers = #tpu.dot_dimension_numbers<[1], [1], [0], [0], [0, 0, 1, 0], [], []>, transpose_lhs_hint = false} : vector<80x32xbf16>, vector<1024x32xbf16>, vector<80x1024xf32> -> vector<80x1024xf32>
      %mul3A_97 = arith.constant 0.0883883461 : f32
      %mul3A_98 = vector.broadcast %mul3A_97 : f32 to vector<80x1024xf32>
      %mul3A_99 = arith.mulf %dot_general3A_96, %mul3A_98 : vector<80x1024xf32>
      %jit3A_100 = arith.constant -1.000000e+30 : f32
      %broadcast_in_dim3A_101 = vector.shape_cast %and3A_31 : vector<1x1024xi1> to vector<1x1024xi1>
      %broadcast_in_dim3A_102 = vector.broadcast %broadcast_in_dim3A_101 : vector<1x1024xi1> to vector<80x1024xi1>
      %broadcast_in_dim3A_103 = vector.broadcast %jit3A_100 : f32 to vector<80x1024xf32>
      %select_n3A_104 = arith.select %broadcast_in_dim3A_102, %mul3A_99, %broadcast_in_dim3A_103 : vector<80x1024xi1>, vector<80x1024xf32>
      %get3A_105 = arith.constant 0 : index
      %get3A_106 = arith.constant 32 : index
      %get3A_107 = vector.load %arg11[%get3A_105, %get3A_106] : memref<80x128xf32, #tpu.memory_space<vmem>>, vector<80x32xf32>
      %slice3A_108 = vector.extract_strided_slice %get3A_107 {offsets = [0, 0], sizes = [80, 1], strides = [1, 1]} : vector<80x32xf32> to vector<80x1xf32>
      %reduce_max3A_109 = arith.constant dense<0xFF800000> : vector<80xf32>
      %reduce_max3A_110 = vector.multi_reduction <maximumf>, %select_n3A_104, %reduce_max3A_109 [1] : vector<80x1024xf32> to vector<80xf32>
      %broadcast_in_dim3A_111 = vector.shape_cast %reduce_max3A_110 : vector<80xf32> to vector<80x1xf32>
      %max3A_112 = arith.maximumf %slice3A_108, %broadcast_in_dim3A_111 : vector<80x1xf32>
      %sub3A_113 = vector.broadcast %max3A_112 : vector<80x1xf32> to vector<80x1024xf32>
      %sub3A_114 = arith.subf %select_n3A_104, %sub3A_113 : vector<80x1024xf32>
      %exp3A_115 = math.exp %sub3A_114 : vector<80x1024xf32>
      %jit3A_116 = arith.constant 0.000000e+00 : f32
      %broadcast_in_dim3A_117 = vector.shape_cast %and3A_31 : vector<1x1024xi1> to vector<1x1024xi1>
      %broadcast_in_dim3A_118 = vector.broadcast %broadcast_in_dim3A_117 : vector<1x1024xi1> to vector<80x1024xi1>
      %broadcast_in_dim3A_119 = vector.broadcast %jit3A_116 : f32 to vector<80x1024xf32>
      %select_n3A_120 = arith.select %broadcast_in_dim3A_118, %exp3A_115, %broadcast_in_dim3A_119 : vector<80x1024xi1>, vector<80x1024xf32>
      %sub3A_121 = arith.subf %slice3A_108, %max3A_112 : vector<80x1xf32>
      %exp3A_122 = math.exp %sub3A_121 : vector<80x1xf32>
      %get3A_123 = arith.constant 0 : index
      %get3A_124 = arith.constant 32 : index
      %get3A_125 = vector.load %arg12[%get3A_123, %get3A_124] : memref<80x128xf32, #tpu.memory_space<vmem>>, vector<80x32xf32>
      %slice3A_126 = vector.extract_strided_slice %get3A_125 {offsets = [0, 0], sizes = [80, 1], strides = [1, 1]} : vector<80x32xf32> to vector<80x1xf32>
      %mul3A_127 = arith.mulf %slice3A_126, %exp3A_122 : vector<80x1xf32>
      %reduce_sum3A_128 = arith.constant dense<0.000000e+00> : vector<80xf32>
      %reduce_sum3A_129 = vector.multi_reduction <add>, %select_n3A_120, %reduce_sum3A_128 [1] : vector<80x1024xf32> to vector<80xf32>
      %broadcast_in_dim3A_130 = vector.shape_cast %reduce_sum3A_129 : vector<80xf32> to vector<80x1xf32>
      %add3A_131 = arith.addf %mul3A_127, %broadcast_in_dim3A_130 : vector<80x1xf32>
      %get3A_132 = arith.constant 0 : index
      %get3A_133 = arith.constant 32 : index
      %get3A_134 = vector.load %arg13[%get3A_132, %get3A_133] : memref<80x128xf32, #tpu.memory_space<vmem>>, vector<80x32xf32>
      %mul3A_135 = vector.broadcast %exp3A_122 : vector<80x1xf32> to vector<80x32xf32>
      %mul3A_136 = arith.mulf %get3A_134, %mul3A_135 : vector<80x32xf32>
      %convert_element_type3A_137 = arith.truncf %select_n3A_120 : vector<80x1024xf32> to vector<80x1024xbf16>
      %dot_general3A_138 = arith.constant dense<0.000000e+00> : vector<80x32xf32>
      %dot_general3A_139 = tpu.matmul %convert_element_type3A_137, %convert_element_type3A_94, %dot_general3A_138 {dimension_numbers = #tpu.dot_dimension_numbers<[1], [0], [0], [1], [0, 0, 1, 1], [], []>, transpose_lhs_hint = false} : vector<80x1024xbf16>, vector<1024x32xbf16>, vector<80x32xf32> -> vector<80x32xf32>
      %add3A_140 = arith.addf %mul3A_136, %dot_general3A_139 : vector<80x32xf32>
      %broadcast_in_dim3A_141 = vector.shape_cast %max3A_112 : vector<80x1xf32> to vector<80x1xf32>
      %broadcast_in_dim3A_142 = vector.broadcast %broadcast_in_dim3A_141 : vector<80x1xf32> to vector<80x32xf32>
      %swap3A_143 = arith.constant 0 : index
      %swap3A_144 = arith.constant 32 : index
      %swap3A_145 = vector.load %arg11[%swap3A_143, %swap3A_144] : memref<80x128xf32, #tpu.memory_space<vmem>>, vector<80x32xf32>
      tpu.vector_store %arg11[%swap3A_143, %swap3A_144], %broadcast_in_dim3A_142 {strides = array<i32>} : memref<80x128xf32, #tpu.memory_space<vmem>>, vector<80x32xf32>,
      %broadcast_in_dim3A_146 = vector.shape_cast %add3A_131 : vector<80x1xf32> to vector<80x1xf32>
      %broadcast_in_dim3A_147 = vector.broadcast %broadcast_in_dim3A_146 : vector<80x1xf32> to vector<80x32xf32>
      %swap3A_148 = arith.constant 0 : index
      %swap3A_149 = arith.constant 32 : index
      %swap3A_150 = vector.load %arg12[%swap3A_148, %swap3A_149] : memref<80x128xf32, #tpu.memory_space<vmem>>, vector<80x32xf32>
      tpu.vector_store %arg12[%swap3A_148, %swap3A_149], %broadcast_in_dim3A_147 {strides = array<i32>} : memref<80x128xf32, #tpu.memory_space<vmem>>, vector<80x32xf32>,
      %swap3A_151 = arith.constant 0 : index
      %swap3A_152 = arith.constant 32 : index
      %swap3A_153 = vector.load %arg13[%swap3A_151, %swap3A_152] : memref<80x128xf32, #tpu.memory_space<vmem>>, vector<80x32xf32>
      tpu.vector_store %arg13[%swap3A_151, %swap3A_152], %add3A_140 {strides = array<i32>} : memref<80x128xf32, #tpu.memory_space<vmem>>, vector<80x32xf32>,
      %slice3A_154 = vector.extract_strided_slice %get3A_34 {offsets = [0, 64], sizes = [80, 32], strides = [1, 1]} : vector<80x128xf32> to vector<80x32xf32>
      %convert_element_type3A_155 = arith.truncf %slice3A_154 : vector<80x32xf32> to vector<80x32xbf16>
      %slice3A_156 = vector.extract_strided_slice %get3A_23 {offsets = [0, 64], sizes = [1024, 32], strides = [1, 1]} : vector<1024x256xf32> to vector<1024x32xf32>
      %convert_element_type3A_157 = arith.truncf %slice3A_156 : vector<1024x32xf32> to vector<1024x32xbf16>
      %slice3A_158 = vector.extract_strided_slice %get3A_23 {offsets = [0, 192], sizes = [1024, 32], strides = [1, 1]} : vector<1024x256xf32> to vector<1024x32xf32>
      %convert_element_type3A_159 = arith.truncf %slice3A_158 : vector<1024x32xf32> to vector<1024x32xbf16>
      %dot_general3A_160 = arith.constant dense<0.000000e+00> : vector<80x1024xf32>
      %dot_general3A_161 = tpu.matmul %convert_element_type3A_155, %convert_element_type3A_157, %dot_general3A_160 {dimension_numbers = #tpu.dot_dimension_numbers<[1], [1], [0], [0], [0, 0, 1, 0], [], []>, transpose_lhs_hint = false} : vector<80x32xbf16>, vector<1024x32xbf16>, vector<80x1024xf32> -> vector<80x1024xf32>
      %mul3A_162 = arith.constant 0.0883883461 : f32
      %mul3A_163 = vector.broadcast %mul3A_162 : f32 to vector<80x1024xf32>
      %mul3A_164 = arith.mulf %dot_general3A_161, %mul3A_163 : vector<80x1024xf32>
      %jit3A_165 = arith.constant -1.000000e+30 : f32
      %broadcast_in_dim3A_166 = vector.shape_cast %and3A_31 : vector<1x1024xi1> to vector<1x1024xi1>
      %broadcast_in_dim3A_167 = vector.broadcast %broadcast_in_dim3A_166 : vector<1x1024xi1> to vector<80x1024xi1>
      %broadcast_in_dim3A_168 = vector.broadcast %jit3A_165 : f32 to vector<80x1024xf32>
      %select_n3A_169 = arith.select %broadcast_in_dim3A_167, %mul3A_164, %broadcast_in_dim3A_168 : vector<80x1024xi1>, vector<80x1024xf32>
      %get3A_170 = arith.constant 0 : index
      %get3A_171 = arith.constant 64 : index
      %get3A_172 = vector.load %arg11[%get3A_170, %get3A_171] : memref<80x128xf32, #tpu.memory_space<vmem>>, vector<80x32xf32>
      %slice3A_173 = vector.extract_strided_slice %get3A_172 {offsets = [0, 0], sizes = [80, 1], strides = [1, 1]} : vector<80x32xf32> to vector<80x1xf32>
      %reduce_max3A_174 = arith.constant dense<0xFF800000> : vector<80xf32>
      %reduce_max3A_175 = vector.multi_reduction <maximumf>, %select_n3A_169, %reduce_max3A_174 [1] : vector<80x1024xf32> to vector<80xf32>
      %broadcast_in_dim3A_176 = vector.shape_cast %reduce_max3A_175 : vector<80xf32> to vector<80x1xf32>
      %max3A_177 = arith.maximumf %slice3A_173, %broadcast_in_dim3A_176 : vector<80x1xf32>
      %sub3A_178 = vector.broadcast %max3A_177 : vector<80x1xf32> to vector<80x1024xf32>
      %sub3A_179 = arith.subf %select_n3A_169, %sub3A_178 : vector<80x1024xf32>
      %exp3A_180 = math.exp %sub3A_179 : vector<80x1024xf32>
      %jit3A_181 = arith.constant 0.000000e+00 : f32
      %broadcast_in_dim3A_182 = vector.shape_cast %and3A_31 : vector<1x1024xi1> to vector<1x1024xi1>
      %broadcast_in_dim3A_183 = vector.broadcast %broadcast_in_dim3A_182 : vector<1x1024xi1> to vector<80x1024xi1>
      %broadcast_in_dim3A_184 = vector.broadcast %jit3A_181 : f32 to vector<80x1024xf32>
      %select_n3A_185 = arith.select %broadcast_in_dim3A_183, %exp3A_180, %broadcast_in_dim3A_184 : vector<80x1024xi1>, vector<80x1024xf32>
      %sub3A_186 = arith.subf %slice3A_173, %max3A_177 : vector<80x1xf32>
      %exp3A_187 = math.exp %sub3A_186 : vector<80x1xf32>
      %get3A_188 = arith.constant 0 : index
      %get3A_189 = arith.constant 64 : index
      %get3A_190 = vector.load %arg12[%get3A_188, %get3A_189] : memref<80x128xf32, #tpu.memory_space<vmem>>, vector<80x32xf32>
      %slice3A_191 = vector.extract_strided_slice %get3A_190 {offsets = [0, 0], sizes = [80, 1], strides = [1, 1]} : vector<80x32xf32> to vector<80x1xf32>
      %mul3A_192 = arith.mulf %slice3A_191, %exp3A_187 : vector<80x1xf32>
      %reduce_sum3A_193 = arith.constant dense<0.000000e+00> : vector<80xf32>
      %reduce_sum3A_194 = vector.multi_reduction <add>, %select_n3A_185, %reduce_sum3A_193 [1] : vector<80x1024xf32> to vector<80xf32>
      %broadcast_in_dim3A_195 = vector.shape_cast %reduce_sum3A_194 : vector<80xf32> to vector<80x1xf32>
      %add3A_196 = arith.addf %mul3A_192, %broadcast_in_dim3A_195 : vector<80x1xf32>
      %get3A_197 = arith.constant 0 : index
      %get3A_198 = arith.constant 64 : index
      %get3A_199 = vector.load %arg13[%get3A_197, %get3A_198] : memref<80x128xf32, #tpu.memory_space<vmem>>, vector<80x32xf32>
      %mul3A_200 = vector.broadcast %exp3A_187 : vector<80x1xf32> to vector<80x32xf32>
      %mul3A_201 = arith.mulf %get3A_199, %mul3A_200 : vector<80x32xf32>
      %convert_element_type3A_202 = arith.truncf %select_n3A_185 : vector<80x1024xf32> to vector<80x1024xbf16>
      %dot_general3A_203 = arith.constant dense<0.000000e+00> : vector<80x32xf32>
      %dot_general3A_204 = tpu.matmul %convert_element_type3A_202, %convert_element_type3A_159, %dot_general3A_203 {dimension_numbers = #tpu.dot_dimension_numbers<[1], [0], [0], [1], [0, 0, 1, 1], [], []>, transpose_lhs_hint = false} : vector<80x1024xbf16>, vector<1024x32xbf16>, vector<80x32xf32> -> vector<80x32xf32>
      %add3A_205 = arith.addf %mul3A_201, %dot_general3A_204 : vector<80x32xf32>
      %broadcast_in_dim3A_206 = vector.shape_cast %max3A_177 : vector<80x1xf32> to vector<80x1xf32>
      %broadcast_in_dim3A_207 = vector.broadcast %broadcast_in_dim3A_206 : vector<80x1xf32> to vector<80x32xf32>
      %swap3A_208 = arith.constant 0 : index
      %swap3A_209 = arith.constant 64 : index
      %swap3A_210 = vector.load %arg11[%swap3A_208, %swap3A_209] : memref<80x128xf32, #tpu.memory_space<vmem>>, vector<80x32xf32>
      tpu.vector_store %arg11[%swap3A_208, %swap3A_209], %broadcast_in_dim3A_207 {strides = array<i32>} : memref<80x128xf32, #tpu.memory_space<vmem>>, vector<80x32xf32>,
      %broadcast_in_dim3A_211 = vector.shape_cast %add3A_196 : vector<80x1xf32> to vector<80x1xf32>
      %broadcast_in_dim3A_212 = vector.broadcast %broadcast_in_dim3A_211 : vector<80x1xf32> to vector<80x32xf32>
      %swap3A_213 = arith.constant 0 : index
      %swap3A_214 = arith.constant 64 : index
      %swap3A_215 = vector.load %arg12[%swap3A_213, %swap3A_214] : memref<80x128xf32, #tpu.memory_space<vmem>>, vector<80x32xf32>
      tpu.vector_store %arg12[%swap3A_213, %swap3A_214], %broadcast_in_dim3A_212 {strides = array<i32>} : memref<80x128xf32, #tpu.memory_space<vmem>>, vector<80x32xf32>,
      %swap3A_216 = arith.constant 0 : index
      %swap3A_217 = arith.constant 64 : index
      %swap3A_218 = vector.load %arg13[%swap3A_216, %swap3A_217] : memref<80x128xf32, #tpu.memory_space<vmem>>, vector<80x32xf32>
      tpu.vector_store %arg13[%swap3A_216, %swap3A_217], %add3A_205 {strides = array<i32>} : memref<80x128xf32, #tpu.memory_space<vmem>>, vector<80x32xf32>,
      %slice3A_219 = vector.extract_strided_slice %get3A_34 {offsets = [0, 96], sizes = [80, 32], strides = [1, 1]} : vector<80x128xf32> to vector<80x32xf32>
      %convert_element_type3A_220 = arith.truncf %slice3A_219 : vector<80x32xf32> to vector<80x32xbf16>
      %slice3A_221 = vector.extract_strided_slice %get3A_23 {offsets = [0, 96], sizes = [1024, 32], strides = [1, 1]} : vector<1024x256xf32> to vector<1024x32xf32>
      %convert_element_type3A_222 = arith.truncf %slice3A_221 : vector<1024x32xf32> to vector<1024x32xbf16>
      %slice3A_223 = vector.extract_strided_slice %get3A_23 {offsets = [0, 224], sizes = [1024, 32], strides = [1, 1]} : vector<1024x256xf32> to vector<1024x32xf32>
      %convert_element_type3A_224 = arith.truncf %slice3A_223 : vector<1024x32xf32> to vector<1024x32xbf16>
      %dot_general3A_225 = arith.constant dense<0.000000e+00> : vector<80x1024xf32>
      %dot_general3A_226 = tpu.matmul %convert_element_type3A_220, %convert_element_type3A_222, %dot_general3A_225 {dimension_numbers = #tpu.dot_dimension_numbers<[1], [1], [0], [0], [0, 0, 1, 0], [], []>, transpose_lhs_hint = false} : vector<80x32xbf16>, vector<1024x32xbf16>, vector<80x1024xf32> -> vector<80x1024xf32>
      %mul3A_227 = arith.constant 0.0883883461 : f32
      %mul3A_228 = vector.broadcast %mul3A_227 : f32 to vector<80x1024xf32>
      %mul3A_229 = arith.mulf %dot_general3A_226, %mul3A_228 : vector<80x1024xf32>
      %jit3A_230 = arith.constant -1.000000e+30 : f32
      %broadcast_in_dim3A_231 = vector.shape_cast %and3A_31 : vector<1x1024xi1> to vector<1x1024xi1>
      %broadcast_in_dim3A_232 = vector.broadcast %broadcast_in_dim3A_231 : vector<1x1024xi1> to vector<80x1024xi1>
      %broadcast_in_dim3A_233 = vector.broadcast %jit3A_230 : f32 to vector<80x1024xf32>
      %select_n3A_234 = arith.select %broadcast_in_dim3A_232, %mul3A_229, %broadcast_in_dim3A_233 : vector<80x1024xi1>, vector<80x1024xf32>
      %get3A_235 = arith.constant 0 : index
      %get3A_236 = arith.constant 96 : index
      %get3A_237 = vector.load %arg11[%get3A_235, %get3A_236] : memref<80x128xf32, #tpu.memory_space<vmem>>, vector<80x32xf32>
      %slice3A_238 = vector.extract_strided_slice %get3A_237 {offsets = [0, 0], sizes = [80, 1], strides = [1, 1]} : vector<80x32xf32> to vector<80x1xf32>
      %reduce_max3A_239 = arith.constant dense<0xFF800000> : vector<80xf32>
      %reduce_max3A_240 = vector.multi_reduction <maximumf>, %select_n3A_234, %reduce_max3A_239 [1] : vector<80x1024xf32> to vector<80xf32>
      %broadcast_in_dim3A_241 = vector.shape_cast %reduce_max3A_240 : vector<80xf32> to vector<80x1xf32>
      %max3A_242 = arith.maximumf %slice3A_238, %broadcast_in_dim3A_241 : vector<80x1xf32>
      %sub3A_243 = vector.broadcast %max3A_242 : vector<80x1xf32> to vector<80x1024xf32>
      %sub3A_244 = arith.subf %select_n3A_234, %sub3A_243 : vector<80x1024xf32>
      %exp3A_245 = math.exp %sub3A_244 : vector<80x1024xf32>
      %jit3A_246 = arith.constant 0.000000e+00 : f32
      %broadcast_in_dim3A_247 = vector.shape_cast %and3A_31 : vector<1x1024xi1> to vector<1x1024xi1>
      %broadcast_in_dim3A_248 = vector.broadcast %broadcast_in_dim3A_247 : vector<1x1024xi1> to vector<80x1024xi1>
      %broadcast_in_dim3A_249 = vector.broadcast %jit3A_246 : f32 to vector<80x1024xf32>
      %select_n3A_250 = arith.select %broadcast_in_dim3A_248, %exp3A_245, %broadcast_in_dim3A_249 : vector<80x1024xi1>, vector<80x1024xf32>
      %sub3A_251 = arith.subf %slice3A_238, %max3A_242 : vector<80x1xf32>
      %exp3A_252 = math.exp %sub3A_251 : vector<80x1xf32>
      %get3A_253 = arith.constant 0 : index
      %get3A_254 = arith.constant 96 : index
      %get3A_255 = vector.load %arg12[%get3A_253, %get3A_254] : memref<80x128xf32, #tpu.memory_space<vmem>>, vector<80x32xf32>
      %slice3A_256 = vector.extract_strided_slice %get3A_255 {offsets = [0, 0], sizes = [80, 1], strides = [1, 1]} : vector<80x32xf32> to vector<80x1xf32>
      %mul3A_257 = arith.mulf %slice3A_256, %exp3A_252 : vector<80x1xf32>
      %reduce_sum3A_258 = arith.constant dense<0.000000e+00> : vector<80xf32>
      %reduce_sum3A_259 = vector.multi_reduction <add>, %select_n3A_250, %reduce_sum3A_258 [1] : vector<80x1024xf32> to vector<80xf32>
      %broadcast_in_dim3A_260 = vector.shape_cast %reduce_sum3A_259 : vector<80xf32> to vector<80x1xf32>
      %add3A_261 = arith.addf %mul3A_257, %broadcast_in_dim3A_260 : vector<80x1xf32>
      %get3A_262 = arith.constant 0 : index
      %get3A_263 = arith.constant 96 : index
      %get3A_264 = vector.load %arg13[%get3A_262, %get3A_263] : memref<80x128xf32, #tpu.memory_space<vmem>>, vector<80x32xf32>
      %mul3A_265 = vector.broadcast %exp3A_252 : vector<80x1xf32> to vector<80x32xf32>
      %mul3A_266 = arith.mulf %get3A_264, %mul3A_265 : vector<80x32xf32>
      %convert_element_type3A_267 = arith.truncf %select_n3A_250 : vector<80x1024xf32> to vector<80x1024xbf16>
      %dot_general3A_268 = arith.constant dense<0.000000e+00> : vector<80x32xf32>
      %dot_general3A_269 = tpu.matmul %convert_element_type3A_267, %convert_element_type3A_224, %dot_general3A_268 {dimension_numbers = #tpu.dot_dimension_numbers<[1], [0], [0], [1], [0, 0, 1, 1], [], []>, transpose_lhs_hint = false} : vector<80x1024xbf16>, vector<1024x32xbf16>, vector<80x32xf32> -> vector<80x32xf32>
      %add3A_270 = arith.addf %mul3A_266, %dot_general3A_269 : vector<80x32xf32>
      %broadcast_in_dim3A_271 = vector.shape_cast %max3A_242 : vector<80x1xf32> to vector<80x1xf32>
      %broadcast_in_dim3A_272 = vector.broadcast %broadcast_in_dim3A_271 : vector<80x1xf32> to vector<80x32xf32>
      %swap3A_273 = arith.constant 0 : index
      %swap3A_274 = arith.constant 96 : index
      %swap3A_275 = vector.load %arg11[%swap3A_273, %swap3A_274] : memref<80x128xf32, #tpu.memory_space<vmem>>, vector<80x32xf32>
      tpu.vector_store %arg11[%swap3A_273, %swap3A_274], %broadcast_in_dim3A_272 {strides = array<i32>} : memref<80x128xf32, #tpu.memory_space<vmem>>, vector<80x32xf32>,
      %broadcast_in_dim3A_276 = vector.shape_cast %add3A_261 : vector<80x1xf32> to vector<80x1xf32>
      %broadcast_in_dim3A_277 = vector.broadcast %broadcast_in_dim3A_276 : vector<80x1xf32> to vector<80x32xf32>
      %swap3A_278 = arith.constant 0 : index
      %swap3A_279 = arith.constant 96 : index
      %swap3A_280 = vector.load %arg12[%swap3A_278, %swap3A_279] : memref<80x128xf32, #tpu.memory_space<vmem>>, vector<80x32xf32>
      tpu.vector_store %arg12[%swap3A_278, %swap3A_279], %broadcast_in_dim3A_277 {strides = array<i32>} : memref<80x128xf32, #tpu.memory_space<vmem>>, vector<80x32xf32>,
      %swap3A_281 = arith.constant 0 : index
      %swap3A_282 = arith.constant 96 : index
      %swap3A_283 = vector.load %arg13[%swap3A_281, %swap3A_282] : memref<80x128xf32, #tpu.memory_space<vmem>>, vector<80x32xf32>
      tpu.vector_store %arg13[%swap3A_281, %swap3A_282], %add3A_270 {strides = array<i32>} : memref<80x128xf32, #tpu.memory_space<vmem>>, vector<80x32xf32>,
    } else {
    }
    %eq3A_14 = arith.constant 9 : i32
    %eq3A_15 = arith.cmpi eq, %arg1, %eq3A_14 : i32
    %convert_element_type3A_16 = arith.extui %eq3A_15 : i1 to i32
    %cond3A_17 = arith.constant 0 : i32
    %cond3A_18 = arith.cmpi ne, %convert_element_type3A_16, %cond3A_17 : i32
    scf.if %cond3A_18 {
      %get3A_19 = arith.constant 0 : index
      %get3A_20 = arith.constant 0 : index
      %get3A_21 = vector.load %arg12[%get3A_19, %get3A_20] : memref<80x128xf32, #tpu.memory_space<vmem>>, vector<80x128xf32>
      %get3A_22 = arith.constant 0 : index
      %get3A_23 = arith.constant 0 : index
      %get3A_24 = vector.load %arg13[%get3A_22, %get3A_23] : memref<80x128xf32, #tpu.memory_space<vmem>>, vector<80x128xf32>
      %gt3A_25 = arith.constant 0.000000e+00 : f32
      %gt3A_26 = vector.broadcast %gt3A_25 : f32 to vector<80x128xf32>
      %gt3A_27 = arith.cmpf ogt, %get3A_21, %gt3A_26 : vector<80x128xf32>
      %div3A = arith.constant 1.000000e+00 : f32
      %div3A_28 = vector.broadcast %div3A : f32 to vector<80x128xf32>
      %div3A_29 = arith.divf %div3A_28, %get3A_21 : vector<80x128xf32>
      %jit3A = arith.constant 0.000000e+00 : f32
      %broadcast_in_dim3A = vector.broadcast %jit3A : f32 to vector<80x128xf32>
      %select_n3A = arith.select %gt3A_27, %div3A_29, %broadcast_in_dim3A : vector<80x128xi1>, vector<80x128xf32>
      %mul3A_30 = arith.mulf %get3A_24, %select_n3A : vector<80x128xf32>
      %get3A_31 = arith.constant 0 : index
      %get3A_32 = arith.constant 0 : index
      %get3A_33 = vector.load %arg10[%get3A_31, %get3A_32] : memref<80x128xf32, #tpu.memory_space<vmem>>, vector<80x128xf32>
      %add3A_34 = arith.addf %get3A_33, %mul3A_30 : vector<80x128xf32>
      %get3A_35 = arith.constant 0 : index
      %get3A_36 = arith.constant 0 : index
      %get3A_37 = vector.load %arg7[%get3A_35, %get3A_36] : memref<128x128xf32, #tpu.memory_space<vmem>>, vector<128x128xf32>
      %dot_general3A = arith.constant dense<0.000000e+00> : vector<80x128xf32>
      %dot_general3A_38 = tpu.matmul %add3A_34, %get3A_37, %dot_general3A {dimension_numbers = #tpu.dot_dimension_numbers<[1], [0], [0], [1], [0, 0, 1, 1], [], []>, transpose_lhs_hint = false} : vector<80x128xf32>, vector<128x128xf32>, vector<80x128xf32> -> vector<80x128xf32>
      %get3A_39 = arith.constant 0 : index
      %get3A_40 = arith.constant 0 : index
      %get3A_41 = vector.load %arg8[%get3A_39, %get3A_40] : memref<8x128xf32, #tpu.memory_space<vmem>>, vector<1x128xf32>
      %add3A_42 = vector.broadcast %get3A_41 : vector<1x128xf32> to vector<80x128xf32>
      %add3A_43 = arith.addf %dot_general3A_38, %add3A_42 : vector<80x128xf32>
      %max3A = arith.constant 0.000000e+00 : f32
      %max3A_44 = vector.broadcast %max3A : f32 to vector<80x128xf32>
      %max3A_45 = arith.maximumf %add3A_43, %max3A_44 : vector<80x128xf32>
      %add3A_46 = arith.addf %add3A_34, %max3A_45 : vector<80x128xf32>
      %swap3A = arith.constant 0 : index
      %swap3A_47 = arith.constant 0 : index
      %swap3A_48 = arith.constant 0 : index
      %swap3A_49 = vector.load %arg9[%swap3A, %swap3A_47, %swap3A_48] : memref<1x80x128xf32, #tpu.memory_space<vmem>>, vector<1x80x128xf32>
      %swap3A_50 = vector.shape_cast %swap3A_49 : vector<1x80x128xf32> to vector<80x128xf32>
      %swap3A_51 = vector.shape_cast %add3A_46 : vector<80x128xf32> to vector<1x80x128xf32>
      tpu.vector_store %arg9[%swap3A, %swap3A_47, %swap3A_48], %swap3A_51 {strides = array<i32>} : memref<1x80x128xf32, #tpu.memory_space<vmem>>, vector<1x80x128xf32>,
    } else {
    }
    return
  }
  func.func @transform_0(%arg0: i32, %arg1: i32) -> i32 {
    %c0_i32 = arith.constant 0 : i32
    %c0_i32_0 = arith.constant 0 : i32
    return %c0_i32 : i32
  }
  func.func @transform_1(%arg0: i32, %arg1: i32) -> (i32, i32) {
    %c0_i32 = arith.constant 0 : i32
    %c0_i32_0 = arith.constant 0 : i32
    %c0_i32_1 = arith.constant 0 : i32
    return %c0_i32, %c0_i32_0 : i32, i32
  }
  func.func @transform_2(%arg0: i32, %arg1: i32) -> (i32, i32) {
    %c0_i32 = arith.constant 0 : i32
    %c0_i32_0 = arith.constant 0 : i32
    %c0_i32_1 = arith.constant 0 : i32
    return %c0_i32, %c0_i32_0 : i32, i32
  }
  func.func @transform_3(%arg0: i32, %arg1: i32) -> (i32, i32) {
    %c0_i32 = arith.constant 0 : i32
    %c0_i32_0 = arith.constant 0 : i32
    %c0_i32_1 = arith.constant 0 : i32
    return %c0_i32, %c0_i32_0 : i32, i32
  }
  func.func @transform_4(%arg0: i32, %arg1: i32) -> (i32, i32) {
    %c0_i32 = arith.constant 0 : i32
    %c0_i32_0 = arith.constant 0 : i32
    %c0_i32_1 = arith.constant 0 : i32
    return %c0_i32, %c0_i32_0 : i32, i32
  }
  func.func @transform_5(%arg0: i32, %arg1: i32) -> (i32, i32) {
    %c0_i32 = arith.constant 0 : i32
    %c0_i32_0 = arith.constant 0 : i32
    %c0_i32_1 = arith.constant 0 : i32
    return %c0_i32, %c0_i32_0 : i32, i32
  }
  func.func @transform_6(%arg0: i32, %arg1: i32) -> (i32, i32) {
    %c0_i32 = arith.constant 0 : i32
    %c0_i32_0 = arith.constant 0 : i32
    %c0_i32_1 = arith.constant 0 : i32
    return %c0_i32, %c0_i32_0 : i32, i32
  }
  func.func @transform_7(%arg0: i32, %arg1: i32) -> (i32, i32, i32) {
    %c0_i32 = arith.constant 0 : i32
    %c0_i32_0 = arith.constant 0 : i32
    %c0_i32_1 = arith.constant 0 : i32
    return %arg0, %c0_i32, %c0_i32_0 : i32, i32, i32
  }
}

module attributes {stable_mosaic.version = 14 : i64} {
  func.func @kern(%arg0: i32, %arg1: memref<1x80x128xf32, #tpu.memory_space<vmem>>, %arg2: memref<128x128xf32, #tpu.memory_space<vmem>>, %arg3: memref<8x128xf32, #tpu.memory_space<vmem>>, %arg4: memref<128x128xf32, #tpu.memory_space<vmem>>, %arg5: memref<8x128xf32, #tpu.memory_space<vmem>>, %arg6: memref<128x128xf32, #tpu.memory_space<vmem>>, %arg7: memref<8x128xf32, #tpu.memory_space<vmem>>, %arg8: memref<128x128xf32, #tpu.memory_space<vmem>>, %arg9: memref<8x128xf32, #tpu.memory_space<vmem>>, %arg10: memref<8x128xf32, #tpu.memory_space<vmem>>, %arg11: memref<128x128xf32, #tpu.memory_space<vmem>>, %arg12: memref<8x128xf32, #tpu.memory_space<vmem>>, %arg13: memref<128x128xf32, #tpu.memory_space<vmem>>, %arg14: memref<8x128xf32, #tpu.memory_space<vmem>>, %arg15: memref<128x128xf32, #tpu.memory_space<vmem>>, %arg16: memref<8x128xf32, #tpu.memory_space<vmem>>, %arg17: memref<128x128xf32, #tpu.memory_space<vmem>>, %arg18: memref<8x128xf32, #tpu.memory_space<vmem>>, %arg19: memref<128x128xf32, #tpu.memory_space<vmem>>, %arg20: memref<8x128xf32, #tpu.memory_space<vmem>>, %arg21: memref<128x128xf32, #tpu.memory_space<vmem>>, %arg22: memref<8x128xf32, #tpu.memory_space<vmem>>, %arg23: memref<1x8x128xf32, #tpu.memory_space<vmem>>) attributes {dimension_semantics = [#tpu.dimension_semantics<arbitrary>], iteration_bounds = array<i64: 64>, scalar_prefetch = 0 : i64, scratch_operands = 0 : i64, tpu.core_type = #tpu.core_type<tc>, window_params = [{transform_indices = @transform_0, window_bounds = array<i64: 1, 80, 128>}, {pipeline_mode = #tpu.pipeline_mode<synchronous>, transform_indices = @transform_1, window_bounds = array<i64: 128, 128>}, {pipeline_mode = #tpu.pipeline_mode<synchronous>, transform_indices = @transform_2, window_bounds = array<i64: 8, 128>}, {pipeline_mode = #tpu.pipeline_mode<synchronous>, transform_indices = @transform_3, window_bounds = array<i64: 128, 128>}, {pipeline_mode = #tpu.pipeline_mode<synchronous>, transform_indices = @transform_4, window_bounds = array<i64: 8, 128>}, {pipeline_mode = #tpu.pipeline_mode<synchronous>, transform_indices = @transform_5, window_bounds = array<i64: 128, 128>}, {pipeline_mode = #tpu.pipeline_mode<synchronous>, transform_indices = @transform_6, window_bounds = array<i64: 8, 128>}, {pipeline_mode = #tpu.pipeline_mode<synchronous>, transform_indices = @transform_7, window_bounds = array<i64: 128, 128>}, {pipeline_mode = #tpu.pipeline_mode<synchronous>, transform_indices = @transform_8, window_bounds = array<i64: 8, 128>}, {pipeline_mode = #tpu.pipeline_mode<synchronous>, transform_indices = @transform_9, window_bounds = array<i64: 8, 128>}, {pipeline_mode = #tpu.pipeline_mode<synchronous>, transform_indices = @transform_10, window_bounds = array<i64: 128, 128>}, {pipeline_mode = #tpu.pipeline_mode<synchronous>, transform_indices = @transform_11, window_bounds = array<i64: 8, 128>}, {pipeline_mode = #tpu.pipeline_mode<synchronous>, transform_indices = @transform_12, window_bounds = array<i64: 128, 128>}, {pipeline_mode = #tpu.pipeline_mode<synchronous>, transform_indices = @transform_13, window_bounds = array<i64: 8, 128>}, {pipeline_mode = #tpu.pipeline_mode<synchronous>, transform_indices = @transform_14, window_bounds = array<i64: 128, 128>}, {pipeline_mode = #tpu.pipeline_mode<synchronous>, transform_indices = @transform_15, window_bounds = array<i64: 8, 128>}, {pipeline_mode = #tpu.pipeline_mode<synchronous>, transform_indices = @transform_16, window_bounds = array<i64: 128, 128>}, {pipeline_mode = #tpu.pipeline_mode<synchronous>, transform_indices = @transform_17, window_bounds = array<i64: 8, 128>}, {pipeline_mode = #tpu.pipeline_mode<synchronous>, transform_indices = @transform_18, window_bounds = array<i64: 128, 128>}, {pipeline_mode = #tpu.pipeline_mode<synchronous>, transform_indices = @transform_19, window_bounds = array<i64: 8, 128>}, {pipeline_mode = #tpu.pipeline_mode<synchronous>, transform_indices = @transform_20, window_bounds = array<i64: 128, 128>}, {pipeline_mode = #tpu.pipeline_mode<synchronous>, transform_indices = @transform_21, window_bounds = array<i64: 8, 128>}, {transform_indices = @transform_22, window_bounds = array<i64: 1, 8, 128>}]} {
    %get3A = arith.constant 0 : index
    %get3A_0 = arith.constant 0 : index
    %get3A_1 = arith.constant 0 : index
    %get3A_2 = vector.load %arg1[%get3A, %get3A_0, %get3A_1] : memref<1x80x128xf32, #tpu.memory_space<vmem>>, vector<1x80x128xf32>
    %get3A_3 = vector.shape_cast %get3A_2 : vector<1x80x128xf32> to vector<80x128xf32>
    %get3A_4 = arith.constant 0 : index
    %get3A_5 = arith.constant 0 : index
    %get3A_6 = vector.load %arg2[%get3A_4, %get3A_5] : memref<128x128xf32, #tpu.memory_space<vmem>>, vector<128x128xf32>
    %dot_general3A = arith.constant dense<0.000000e+00> : vector<80x128xf32>
    %dot_general3A_7 = tpu.matmul %get3A_3, %get3A_6, %dot_general3A {dimension_numbers = #tpu.dot_dimension_numbers<[1], [0], [0], [1], [0, 0, 1, 1], [], []>, transpose_lhs_hint = false} : vector<80x128xf32>, vector<128x128xf32>, vector<80x128xf32> -> vector<80x128xf32>
    %get3A_8 = arith.constant 0 : index
    %get3A_9 = arith.constant 0 : index
    %get3A_10 = vector.load %arg3[%get3A_8, %get3A_9] : memref<8x128xf32, #tpu.memory_space<vmem>>, vector<1x128xf32>
    %add3A = vector.broadcast %get3A_10 : vector<1x128xf32> to vector<80x128xf32>
    %add3A_11 = arith.addf %dot_general3A_7, %add3A : vector<80x128xf32>
    %get3A_12 = arith.constant 0 : index
    %get3A_13 = arith.constant 0 : index
    %get3A_14 = vector.load %arg4[%get3A_12, %get3A_13] : memref<128x128xf32, #tpu.memory_space<vmem>>, vector<128x128xf32>
    %dot_general3A_15 = arith.constant dense<0.000000e+00> : vector<80x128xf32>
    %dot_general3A_16 = tpu.matmul %get3A_3, %get3A_14, %dot_general3A_15 {dimension_numbers = #tpu.dot_dimension_numbers<[1], [0], [0], [1], [0, 0, 1, 1], [], []>, transpose_lhs_hint = false} : vector<80x128xf32>, vector<128x128xf32>, vector<80x128xf32> -> vector<80x128xf32>
    %get3A_17 = arith.constant 0 : index
    %get3A_18 = arith.constant 0 : index
    %get3A_19 = vector.load %arg5[%get3A_17, %get3A_18] : memref<8x128xf32, #tpu.memory_space<vmem>>, vector<1x128xf32>
    %add3A_20 = vector.broadcast %get3A_19 : vector<1x128xf32> to vector<80x128xf32>
    %add3A_21 = arith.addf %dot_general3A_16, %add3A_20 : vector<80x128xf32>
    %get3A_22 = arith.constant 0 : index
    %get3A_23 = arith.constant 0 : index
    %get3A_24 = vector.load %arg6[%get3A_22, %get3A_23] : memref<128x128xf32, #tpu.memory_space<vmem>>, vector<128x128xf32>
    %dot_general3A_25 = arith.constant dense<0.000000e+00> : vector<80x128xf32>
    %dot_general3A_26 = tpu.matmul %get3A_3, %get3A_24, %dot_general3A_25 {dimension_numbers = #tpu.dot_dimension_numbers<[1], [0], [0], [1], [0, 0, 1, 1], [], []>, transpose_lhs_hint = false} : vector<80x128xf32>, vector<128x128xf32>, vector<80x128xf32> -> vector<80x128xf32>
    %get3A_27 = arith.constant 0 : index
    %get3A_28 = arith.constant 0 : index
    %get3A_29 = vector.load %arg7[%get3A_27, %get3A_28] : memref<8x128xf32, #tpu.memory_space<vmem>>, vector<1x128xf32>
    %add3A_30 = vector.broadcast %get3A_29 : vector<1x128xf32> to vector<80x128xf32>
    %add3A_31 = arith.addf %dot_general3A_26, %add3A_30 : vector<80x128xf32>
    %get3A_32 = arith.constant 0 : index
    %get3A_33 = arith.constant 0 : index
    %get3A_34 = vector.load %arg8[%get3A_32, %get3A_33] : memref<128x128xf32, #tpu.memory_space<vmem>>, vector<128x128xf32>
    %get3A_35 = arith.constant 0 : index
    %get3A_36 = arith.constant 0 : index
    %get3A_37 = vector.load %arg9[%get3A_35, %get3A_36] : memref<8x128xf32, #tpu.memory_space<vmem>>, vector<8x128xf32>
    %iota3A = tpu.iota {dimensions = array<i32: 1>} : vector<1x80xi32>
    %lt3A = arith.constant 75 : i32
    %lt3A_38 = vector.broadcast %lt3A : i32 to vector<1x80xi32>
    %lt3A_39 = arith.cmpi slt, %iota3A, %lt3A_38 : vector<1x80xi32>
    %slice3A = vector.extract_strided_slice %add3A_11 {offsets = [0, 0], sizes = [80, 32], strides = [1, 1]} : vector<80x128xf32> to vector<80x32xf32>
    %slice3A_40 = vector.extract_strided_slice %add3A_21 {offsets = [0, 0], sizes = [80, 32], strides = [1, 1]} : vector<80x128xf32> to vector<80x32xf32>
    %slice3A_41 = vector.extract_strided_slice %add3A_31 {offsets = [0, 0], sizes = [80, 32], strides = [1, 1]} : vector<80x128xf32> to vector<80x32xf32>
    %convert_element_type3A = arith.truncf %slice3A : vector<80x32xf32> to vector<80x32xbf16>
    %convert_element_type3A_42 = arith.truncf %slice3A_40 : vector<80x32xf32> to vector<80x32xbf16>
    %dot_general3A_43 = arith.constant dense<0.000000e+00> : vector<80x80xf32>
    %dot_general3A_44 = tpu.matmul %convert_element_type3A, %convert_element_type3A_42, %dot_general3A_43 {dimension_numbers = #tpu.dot_dimension_numbers<[1], [1], [0], [0], [0, 0, 1, 0], [], []>, transpose_lhs_hint = false} : vector<80x32xbf16>, vector<80x32xbf16>, vector<80x80xf32> -> vector<80x80xf32>
    %mul3A = arith.constant 0.0883883461 : f32
    %mul3A_45 = vector.broadcast %mul3A : f32 to vector<80x80xf32>
    %mul3A_46 = arith.mulf %dot_general3A_44, %mul3A_45 : vector<80x80xf32>
    %jit3A = arith.constant -1.000000e+30 : f32
    %broadcast_in_dim3A = vector.shape_cast %lt3A_39 : vector<1x80xi1> to vector<1x80xi1>
    %broadcast_in_dim3A_47 = vector.broadcast %broadcast_in_dim3A : vector<1x80xi1> to vector<80x80xi1>
    %broadcast_in_dim3A_48 = vector.broadcast %jit3A : f32 to vector<80x80xf32>
    %select_n3A = arith.select %broadcast_in_dim3A_47, %mul3A_46, %broadcast_in_dim3A_48 : vector<80x80xi1>, vector<80x80xf32>
    %reduce_max3A = arith.constant dense<0xFF800000> : vector<80xf32>
    %reduce_max3A_49 = vector.multi_reduction <maximumf>, %select_n3A, %reduce_max3A [1] : vector<80x80xf32> to vector<80xf32>
    %broadcast_in_dim3A_50 = vector.shape_cast %reduce_max3A_49 : vector<80xf32> to vector<80x1xf32>
    %sub3A = vector.broadcast %broadcast_in_dim3A_50 : vector<80x1xf32> to vector<80x80xf32>
    %sub3A_51 = arith.subf %select_n3A, %sub3A : vector<80x80xf32>
    %exp3A = math.exp %sub3A_51 : vector<80x80xf32>
    %reduce_sum3A = arith.constant dense<0.000000e+00> : vector<80xf32>
    %reduce_sum3A_52 = vector.multi_reduction <add>, %exp3A, %reduce_sum3A [1] : vector<80x80xf32> to vector<80xf32>
    %broadcast_in_dim3A_53 = vector.shape_cast %reduce_sum3A_52 : vector<80xf32> to vector<80x1xf32>
    %div3A = arith.constant 1.000000e+00 : f32
    %div3A_54 = vector.broadcast %div3A : f32 to vector<80x1xf32>
    %div3A_55 = arith.divf %div3A_54, %broadcast_in_dim3A_53 : vector<80x1xf32>
    %mul3A_56 = vector.broadcast %div3A_55 : vector<80x1xf32> to vector<80x80xf32>
    %mul3A_57 = arith.mulf %exp3A, %mul3A_56 : vector<80x80xf32>
    %convert_element_type3A_58 = arith.truncf %mul3A_57 : vector<80x80xf32> to vector<80x80xbf16>
    %convert_element_type3A_59 = arith.truncf %slice3A_41 : vector<80x32xf32> to vector<80x32xbf16>
    %dot_general3A_60 = arith.constant dense<0.000000e+00> : vector<80x32xf32>
    %dot_general3A_61 = tpu.matmul %convert_element_type3A_58, %convert_element_type3A_59, %dot_general3A_60 {dimension_numbers = #tpu.dot_dimension_numbers<[1], [0], [0], [1], [0, 0, 1, 1], [], []>, transpose_lhs_hint = false} : vector<80x80xbf16>, vector<80x32xbf16>, vector<80x32xf32> -> vector<80x32xf32>
    %add3A_62 = arith.addf %slice3A, %dot_general3A_61 : vector<80x32xf32>
    %slice3A_63 = vector.extract_strided_slice %add3A_11 {offsets = [0, 32], sizes = [80, 32], strides = [1, 1]} : vector<80x128xf32> to vector<80x32xf32>
    %slice3A_64 = vector.extract_strided_slice %add3A_21 {offsets = [0, 32], sizes = [80, 32], strides = [1, 1]} : vector<80x128xf32> to vector<80x32xf32>
    %slice3A_65 = vector.extract_strided_slice %add3A_31 {offsets = [0, 32], sizes = [80, 32], strides = [1, 1]} : vector<80x128xf32> to vector<80x32xf32>
    %convert_element_type3A_66 = arith.truncf %slice3A_63 : vector<80x32xf32> to vector<80x32xbf16>
    %convert_element_type3A_67 = arith.truncf %slice3A_64 : vector<80x32xf32> to vector<80x32xbf16>
    %dot_general3A_68 = arith.constant dense<0.000000e+00> : vector<80x80xf32>
    %dot_general3A_69 = tpu.matmul %convert_element_type3A_66, %convert_element_type3A_67, %dot_general3A_68 {dimension_numbers = #tpu.dot_dimension_numbers<[1], [1], [0], [0], [0, 0, 1, 0], [], []>, transpose_lhs_hint = false} : vector<80x32xbf16>, vector<80x32xbf16>, vector<80x80xf32> -> vector<80x80xf32>
    %mul3A_70 = arith.constant 0.0883883461 : f32
    %mul3A_71 = vector.broadcast %mul3A_70 : f32 to vector<80x80xf32>
    %mul3A_72 = arith.mulf %dot_general3A_69, %mul3A_71 : vector<80x80xf32>
    %jit3A_73 = arith.constant -1.000000e+30 : f32
    %broadcast_in_dim3A_74 = vector.shape_cast %lt3A_39 : vector<1x80xi1> to vector<1x80xi1>
    %broadcast_in_dim3A_75 = vector.broadcast %broadcast_in_dim3A_74 : vector<1x80xi1> to vector<80x80xi1>
    %broadcast_in_dim3A_76 = vector.broadcast %jit3A_73 : f32 to vector<80x80xf32>
    %select_n3A_77 = arith.select %broadcast_in_dim3A_75, %mul3A_72, %broadcast_in_dim3A_76 : vector<80x80xi1>, vector<80x80xf32>
    %reduce_max3A_78 = arith.constant dense<0xFF800000> : vector<80xf32>
    %reduce_max3A_79 = vector.multi_reduction <maximumf>, %select_n3A_77, %reduce_max3A_78 [1] : vector<80x80xf32> to vector<80xf32>
    %broadcast_in_dim3A_80 = vector.shape_cast %reduce_max3A_79 : vector<80xf32> to vector<80x1xf32>
    %sub3A_81 = vector.broadcast %broadcast_in_dim3A_80 : vector<80x1xf32> to vector<80x80xf32>
    %sub3A_82 = arith.subf %select_n3A_77, %sub3A_81 : vector<80x80xf32>
    %exp3A_83 = math.exp %sub3A_82 : vector<80x80xf32>
    %reduce_sum3A_84 = arith.constant dense<0.000000e+00> : vector<80xf32>
    %reduce_sum3A_85 = vector.multi_reduction <add>, %exp3A_83, %reduce_sum3A_84 [1] : vector<80x80xf32> to vector<80xf32>
    %broadcast_in_dim3A_86 = vector.shape_cast %reduce_sum3A_85 : vector<80xf32> to vector<80x1xf32>
    %div3A_87 = arith.constant 1.000000e+00 : f32
    %div3A_88 = vector.broadcast %div3A_87 : f32 to vector<80x1xf32>
    %div3A_89 = arith.divf %div3A_88, %broadcast_in_dim3A_86 : vector<80x1xf32>
    %mul3A_90 = vector.broadcast %div3A_89 : vector<80x1xf32> to vector<80x80xf32>
    %mul3A_91 = arith.mulf %exp3A_83, %mul3A_90 : vector<80x80xf32>
    %convert_element_type3A_92 = arith.truncf %mul3A_91 : vector<80x80xf32> to vector<80x80xbf16>
    %convert_element_type3A_93 = arith.truncf %slice3A_65 : vector<80x32xf32> to vector<80x32xbf16>
    %dot_general3A_94 = arith.constant dense<0.000000e+00> : vector<80x32xf32>
    %dot_general3A_95 = tpu.matmul %convert_element_type3A_92, %convert_element_type3A_93, %dot_general3A_94 {dimension_numbers = #tpu.dot_dimension_numbers<[1], [0], [0], [1], [0, 0, 1, 1], [], []>, transpose_lhs_hint = false} : vector<80x80xbf16>, vector<80x32xbf16>, vector<80x32xf32> -> vector<80x32xf32>
    %add3A_96 = arith.addf %slice3A_63, %dot_general3A_95 : vector<80x32xf32>
    %slice3A_97 = vector.extract_strided_slice %add3A_11 {offsets = [0, 64], sizes = [80, 32], strides = [1, 1]} : vector<80x128xf32> to vector<80x32xf32>
    %slice3A_98 = vector.extract_strided_slice %add3A_21 {offsets = [0, 64], sizes = [80, 32], strides = [1, 1]} : vector<80x128xf32> to vector<80x32xf32>
    %slice3A_99 = vector.extract_strided_slice %add3A_31 {offsets = [0, 64], sizes = [80, 32], strides = [1, 1]} : vector<80x128xf32> to vector<80x32xf32>
    %convert_element_type3A_100 = arith.truncf %slice3A_97 : vector<80x32xf32> to vector<80x32xbf16>
    %convert_element_type3A_101 = arith.truncf %slice3A_98 : vector<80x32xf32> to vector<80x32xbf16>
    %dot_general3A_102 = arith.constant dense<0.000000e+00> : vector<80x80xf32>
    %dot_general3A_103 = tpu.matmul %convert_element_type3A_100, %convert_element_type3A_101, %dot_general3A_102 {dimension_numbers = #tpu.dot_dimension_numbers<[1], [1], [0], [0], [0, 0, 1, 0], [], []>, transpose_lhs_hint = false} : vector<80x32xbf16>, vector<80x32xbf16>, vector<80x80xf32> -> vector<80x80xf32>
    %mul3A_104 = arith.constant 0.0883883461 : f32
    %mul3A_105 = vector.broadcast %mul3A_104 : f32 to vector<80x80xf32>
    %mul3A_106 = arith.mulf %dot_general3A_103, %mul3A_105 : vector<80x80xf32>
    %jit3A_107 = arith.constant -1.000000e+30 : f32
    %broadcast_in_dim3A_108 = vector.shape_cast %lt3A_39 : vector<1x80xi1> to vector<1x80xi1>
    %broadcast_in_dim3A_109 = vector.broadcast %broadcast_in_dim3A_108 : vector<1x80xi1> to vector<80x80xi1>
    %broadcast_in_dim3A_110 = vector.broadcast %jit3A_107 : f32 to vector<80x80xf32>
    %select_n3A_111 = arith.select %broadcast_in_dim3A_109, %mul3A_106, %broadcast_in_dim3A_110 : vector<80x80xi1>, vector<80x80xf32>
    %reduce_max3A_112 = arith.constant dense<0xFF800000> : vector<80xf32>
    %reduce_max3A_113 = vector.multi_reduction <maximumf>, %select_n3A_111, %reduce_max3A_112 [1] : vector<80x80xf32> to vector<80xf32>
    %broadcast_in_dim3A_114 = vector.shape_cast %reduce_max3A_113 : vector<80xf32> to vector<80x1xf32>
    %sub3A_115 = vector.broadcast %broadcast_in_dim3A_114 : vector<80x1xf32> to vector<80x80xf32>
    %sub3A_116 = arith.subf %select_n3A_111, %sub3A_115 : vector<80x80xf32>
    %exp3A_117 = math.exp %sub3A_116 : vector<80x80xf32>
    %reduce_sum3A_118 = arith.constant dense<0.000000e+00> : vector<80xf32>
    %reduce_sum3A_119 = vector.multi_reduction <add>, %exp3A_117, %reduce_sum3A_118 [1] : vector<80x80xf32> to vector<80xf32>
    %broadcast_in_dim3A_120 = vector.shape_cast %reduce_sum3A_119 : vector<80xf32> to vector<80x1xf32>
    %div3A_121 = arith.constant 1.000000e+00 : f32
    %div3A_122 = vector.broadcast %div3A_121 : f32 to vector<80x1xf32>
    %div3A_123 = arith.divf %div3A_122, %broadcast_in_dim3A_120 : vector<80x1xf32>
    %mul3A_124 = vector.broadcast %div3A_123 : vector<80x1xf32> to vector<80x80xf32>
    %mul3A_125 = arith.mulf %exp3A_117, %mul3A_124 : vector<80x80xf32>
    %convert_element_type3A_126 = arith.truncf %mul3A_125 : vector<80x80xf32> to vector<80x80xbf16>
    %convert_element_type3A_127 = arith.truncf %slice3A_99 : vector<80x32xf32> to vector<80x32xbf16>
    %dot_general3A_128 = arith.constant dense<0.000000e+00> : vector<80x32xf32>
    %dot_general3A_129 = tpu.matmul %convert_element_type3A_126, %convert_element_type3A_127, %dot_general3A_128 {dimension_numbers = #tpu.dot_dimension_numbers<[1], [0], [0], [1], [0, 0, 1, 1], [], []>, transpose_lhs_hint = false} : vector<80x80xbf16>, vector<80x32xbf16>, vector<80x32xf32> -> vector<80x32xf32>
    %add3A_130 = arith.addf %slice3A_97, %dot_general3A_129 : vector<80x32xf32>
    %slice3A_131 = vector.extract_strided_slice %add3A_11 {offsets = [0, 96], sizes = [80, 32], strides = [1, 1]} : vector<80x128xf32> to vector<80x32xf32>
    %slice3A_132 = vector.extract_strided_slice %add3A_21 {offsets = [0, 96], sizes = [80, 32], strides = [1, 1]} : vector<80x128xf32> to vector<80x32xf32>
    %slice3A_133 = vector.extract_strided_slice %add3A_31 {offsets = [0, 96], sizes = [80, 32], strides = [1, 1]} : vector<80x128xf32> to vector<80x32xf32>
    %convert_element_type3A_134 = arith.truncf %slice3A_131 : vector<80x32xf32> to vector<80x32xbf16>
    %convert_element_type3A_135 = arith.truncf %slice3A_132 : vector<80x32xf32> to vector<80x32xbf16>
    %dot_general3A_136 = arith.constant dense<0.000000e+00> : vector<80x80xf32>
    %dot_general3A_137 = tpu.matmul %convert_element_type3A_134, %convert_element_type3A_135, %dot_general3A_136 {dimension_numbers = #tpu.dot_dimension_numbers<[1], [1], [0], [0], [0, 0, 1, 0], [], []>, transpose_lhs_hint = false} : vector<80x32xbf16>, vector<80x32xbf16>, vector<80x80xf32> -> vector<80x80xf32>
    %mul3A_138 = arith.constant 0.0883883461 : f32
    %mul3A_139 = vector.broadcast %mul3A_138 : f32 to vector<80x80xf32>
    %mul3A_140 = arith.mulf %dot_general3A_137, %mul3A_139 : vector<80x80xf32>
    %jit3A_141 = arith.constant -1.000000e+30 : f32
    %broadcast_in_dim3A_142 = vector.shape_cast %lt3A_39 : vector<1x80xi1> to vector<1x80xi1>
    %broadcast_in_dim3A_143 = vector.broadcast %broadcast_in_dim3A_142 : vector<1x80xi1> to vector<80x80xi1>
    %broadcast_in_dim3A_144 = vector.broadcast %jit3A_141 : f32 to vector<80x80xf32>
    %select_n3A_145 = arith.select %broadcast_in_dim3A_143, %mul3A_140, %broadcast_in_dim3A_144 : vector<80x80xi1>, vector<80x80xf32>
    %reduce_max3A_146 = arith.constant dense<0xFF800000> : vector<80xf32>
    %reduce_max3A_147 = vector.multi_reduction <maximumf>, %select_n3A_145, %reduce_max3A_146 [1] : vector<80x80xf32> to vector<80xf32>
    %broadcast_in_dim3A_148 = vector.shape_cast %reduce_max3A_147 : vector<80xf32> to vector<80x1xf32>
    %sub3A_149 = vector.broadcast %broadcast_in_dim3A_148 : vector<80x1xf32> to vector<80x80xf32>
    %sub3A_150 = arith.subf %select_n3A_145, %sub3A_149 : vector<80x80xf32>
    %exp3A_151 = math.exp %sub3A_150 : vector<80x80xf32>
    %reduce_sum3A_152 = arith.constant dense<0.000000e+00> : vector<80xf32>
    %reduce_sum3A_153 = vector.multi_reduction <add>, %exp3A_151, %reduce_sum3A_152 [1] : vector<80x80xf32> to vector<80xf32>
    %broadcast_in_dim3A_154 = vector.shape_cast %reduce_sum3A_153 : vector<80xf32> to vector<80x1xf32>
    %div3A_155 = arith.constant 1.000000e+00 : f32
    %div3A_156 = vector.broadcast %div3A_155 : f32 to vector<80x1xf32>
    %div3A_157 = arith.divf %div3A_156, %broadcast_in_dim3A_154 : vector<80x1xf32>
    %mul3A_158 = vector.broadcast %div3A_157 : vector<80x1xf32> to vector<80x80xf32>
    %mul3A_159 = arith.mulf %exp3A_151, %mul3A_158 : vector<80x80xf32>
    %convert_element_type3A_160 = arith.truncf %mul3A_159 : vector<80x80xf32> to vector<80x80xbf16>
    %convert_element_type3A_161 = arith.truncf %slice3A_133 : vector<80x32xf32> to vector<80x32xbf16>
    %dot_general3A_162 = arith.constant dense<0.000000e+00> : vector<80x32xf32>
    %dot_general3A_163 = tpu.matmul %convert_element_type3A_160, %convert_element_type3A_161, %dot_general3A_162 {dimension_numbers = #tpu.dot_dimension_numbers<[1], [0], [0], [1], [0, 0, 1, 1], [], []>, transpose_lhs_hint = false} : vector<80x80xbf16>, vector<80x32xbf16>, vector<80x32xf32> -> vector<80x32xf32>
    %add3A_164 = arith.addf %slice3A_131, %dot_general3A_163 : vector<80x32xf32>
    %concatenate3A = tpu.concatenate %add3A_62, %add3A_96, %add3A_130, %add3A_164 in 1 : vector<80x32xf32>, vector<80x32xf32>, vector<80x32xf32>, vector<80x32xf32> -> vector<80x128xf32>
    %dot_general3A_165 = arith.constant dense<0.000000e+00> : vector<80x128xf32>
    %dot_general3A_166 = tpu.matmul %concatenate3A, %get3A_34, %dot_general3A_165 {dimension_numbers = #tpu.dot_dimension_numbers<[1], [0], [0], [1], [0, 0, 1, 1], [], []>, transpose_lhs_hint = false} : vector<80x128xf32>, vector<128x128xf32>, vector<80x128xf32> -> vector<80x128xf32>
    %slice3A_167 = vector.extract_strided_slice %get3A_37 {offsets = [0, 0], sizes = [1, 128], strides = [1, 1]} : vector<8x128xf32> to vector<1x128xf32>
    %add3A_168 = vector.broadcast %slice3A_167 : vector<1x128xf32> to vector<80x128xf32>
    %add3A_169 = arith.addf %dot_general3A_166, %add3A_168 : vector<80x128xf32>
    %max3A = arith.constant 0.000000e+00 : f32
    %max3A_170 = vector.broadcast %max3A : f32 to vector<80x128xf32>
    %max3A_171 = arith.maximumf %add3A_169, %max3A_170 : vector<80x128xf32>
    %add3A_172 = arith.addf %concatenate3A, %max3A_171 : vector<80x128xf32>
    %get3A_173 = arith.constant 0 : index
    %get3A_174 = arith.constant 0 : index
    %get3A_175 = vector.load %arg10[%get3A_173, %get3A_174] : memref<8x128xf32, #tpu.memory_space<vmem>>, vector<8x128xf32>
    %get3A_176 = arith.constant 0 : index
    %get3A_177 = arith.constant 0 : index
    %get3A_178 = vector.load %arg11[%get3A_176, %get3A_177] : memref<128x128xf32, #tpu.memory_space<vmem>>, vector<128x128xf32>
    %dot_general3A_179 = arith.constant dense<0.000000e+00> : vector<8x128xf32>
    %dot_general3A_180 = tpu.matmul %get3A_175, %get3A_178, %dot_general3A_179 {dimension_numbers = #tpu.dot_dimension_numbers<[1], [0], [0], [1], [0, 0, 1, 1], [], []>, transpose_lhs_hint = false} : vector<8x128xf32>, vector<128x128xf32>, vector<8x128xf32> -> vector<8x128xf32>
    %get3A_181 = arith.constant 0 : index
    %get3A_182 = arith.constant 0 : index
    %get3A_183 = vector.load %arg12[%get3A_181, %get3A_182] : memref<8x128xf32, #tpu.memory_space<vmem>>, vector<1x128xf32>
    %add3A_184 = vector.broadcast %get3A_183 : vector<1x128xf32> to vector<8x128xf32>
    %add3A_185 = arith.addf %dot_general3A_180, %add3A_184 : vector<8x128xf32>
    %get3A_186 = arith.constant 0 : index
    %get3A_187 = arith.constant 0 : index
    %get3A_188 = vector.load %arg13[%get3A_186, %get3A_187] : memref<128x128xf32, #tpu.memory_space<vmem>>, vector<128x128xf32>
    %dot_general3A_189 = arith.constant dense<0.000000e+00> : vector<80x128xf32>
    %dot_general3A_190 = tpu.matmul %add3A_172, %get3A_188, %dot_general3A_189 {dimension_numbers = #tpu.dot_dimension_numbers<[1], [0], [0], [1], [0, 0, 1, 1], [], []>, transpose_lhs_hint = false} : vector<80x128xf32>, vector<128x128xf32>, vector<80x128xf32> -> vector<80x128xf32>
    %get3A_191 = arith.constant 0 : index
    %get3A_192 = arith.constant 0 : index
    %get3A_193 = vector.load %arg14[%get3A_191, %get3A_192] : memref<8x128xf32, #tpu.memory_space<vmem>>, vector<1x128xf32>
    %add3A_194 = vector.broadcast %get3A_193 : vector<1x128xf32> to vector<80x128xf32>
    %add3A_195 = arith.addf %dot_general3A_190, %add3A_194 : vector<80x128xf32>
    %get3A_196 = arith.constant 0 : index
    %get3A_197 = arith.constant 0 : index
    %get3A_198 = vector.load %arg15[%get3A_196, %get3A_197] : memref<128x128xf32, #tpu.memory_space<vmem>>, vector<128x128xf32>
    %dot_general3A_199 = arith.constant dense<0.000000e+00> : vector<80x128xf32>
    %dot_general3A_200 = tpu.matmul %add3A_172, %get3A_198, %dot_general3A_199 {dimension_numbers = #tpu.dot_dimension_numbers<[1], [0], [0], [1], [0, 0, 1, 1], [], []>, transpose_lhs_hint = false} : vector<80x128xf32>, vector<128x128xf32>, vector<80x128xf32> -> vector<80x128xf32>
    %get3A_201 = arith.constant 0 : index
    %get3A_202 = arith.constant 0 : index
    %get3A_203 = vector.load %arg16[%get3A_201, %get3A_202] : memref<8x128xf32, #tpu.memory_space<vmem>>, vector<1x128xf32>
    %add3A_204 = vector.broadcast %get3A_203 : vector<1x128xf32> to vector<80x128xf32>
    %add3A_205 = arith.addf %dot_general3A_200, %add3A_204 : vector<80x128xf32>
    %get3A_206 = arith.constant 0 : index
    %get3A_207 = arith.constant 0 : index
    %get3A_208 = vector.load %arg17[%get3A_206, %get3A_207] : memref<128x128xf32, #tpu.memory_space<vmem>>, vector<128x128xf32>
    %get3A_209 = arith.constant 0 : index
    %get3A_210 = arith.constant 0 : index
    %get3A_211 = vector.load %arg18[%get3A_209, %get3A_210] : memref<8x128xf32, #tpu.memory_space<vmem>>, vector<8x128xf32>
    %iota3A_212 = tpu.iota {dimensions = array<i32: 1>} : vector<1x80xi32>
    %lt3A_213 = arith.constant 75 : i32
    %lt3A_214 = vector.broadcast %lt3A_213 : i32 to vector<1x80xi32>
    %lt3A_215 = arith.cmpi slt, %iota3A_212, %lt3A_214 : vector<1x80xi32>
    %slice3A_216 = vector.extract_strided_slice %add3A_185 {offsets = [0, 0], sizes = [8, 32], strides = [1, 1]} : vector<8x128xf32> to vector<8x32xf32>
    %slice3A_217 = vector.extract_strided_slice %add3A_195 {offsets = [0, 0], sizes = [80, 32], strides = [1, 1]} : vector<80x128xf32> to vector<80x32xf32>
    %slice3A_218 = vector.extract_strided_slice %add3A_205 {offsets = [0, 0], sizes = [80, 32], strides = [1, 1]} : vector<80x128xf32> to vector<80x32xf32>
    %convert_element_type3A_219 = arith.truncf %slice3A_216 : vector<8x32xf32> to vector<8x32xbf16>
    %convert_element_type3A_220 = arith.truncf %slice3A_217 : vector<80x32xf32> to vector<80x32xbf16>
    %dot_general3A_221 = arith.constant dense<0.000000e+00> : vector<8x80xf32>
    %dot_general3A_222 = tpu.matmul %convert_element_type3A_219, %convert_element_type3A_220, %dot_general3A_221 {dimension_numbers = #tpu.dot_dimension_numbers<[1], [1], [0], [0], [0, 0, 1, 0], [], []>, transpose_lhs_hint = false} : vector<8x32xbf16>, vector<80x32xbf16>, vector<8x80xf32> -> vector<8x80xf32>
    %mul3A_223 = arith.constant 0.0883883461 : f32
    %mul3A_224 = vector.broadcast %mul3A_223 : f32 to vector<8x80xf32>
    %mul3A_225 = arith.mulf %dot_general3A_222, %mul3A_224 : vector<8x80xf32>
    %jit3A_226 = arith.constant -1.000000e+30 : f32
    %broadcast_in_dim3A_227 = vector.shape_cast %lt3A_215 : vector<1x80xi1> to vector<1x80xi1>
    %broadcast_in_dim3A_228 = vector.broadcast %broadcast_in_dim3A_227 : vector<1x80xi1> to vector<8x80xi1>
    %broadcast_in_dim3A_229 = vector.broadcast %jit3A_226 : f32 to vector<8x80xf32>
    %select_n3A_230 = arith.select %broadcast_in_dim3A_228, %mul3A_225, %broadcast_in_dim3A_229 : vector<8x80xi1>, vector<8x80xf32>
    %reduce_max3A_231 = arith.constant dense<0xFF800000> : vector<8xf32>
    %reduce_max3A_232 = vector.multi_reduction <maximumf>, %select_n3A_230, %reduce_max3A_231 [1] : vector<8x80xf32> to vector<8xf32>
    %broadcast_in_dim3A_233 = vector.shape_cast %reduce_max3A_232 : vector<8xf32> to vector<8x1xf32>
    %sub3A_234 = vector.broadcast %broadcast_in_dim3A_233 : vector<8x1xf32> to vector<8x80xf32>
    %sub3A_235 = arith.subf %select_n3A_230, %sub3A_234 : vector<8x80xf32>
    %exp3A_236 = math.exp %sub3A_235 : vector<8x80xf32>
    %reduce_sum3A_237 = arith.constant dense<0.000000e+00> : vector<8xf32>
    %reduce_sum3A_238 = vector.multi_reduction <add>, %exp3A_236, %reduce_sum3A_237 [1] : vector<8x80xf32> to vector<8xf32>
    %broadcast_in_dim3A_239 = vector.shape_cast %reduce_sum3A_238 : vector<8xf32> to vector<8x1xf32>
    %div3A_240 = arith.constant 1.000000e+00 : f32
    %div3A_241 = vector.broadcast %div3A_240 : f32 to vector<8x1xf32>
    %div3A_242 = arith.divf %div3A_241, %broadcast_in_dim3A_239 : vector<8x1xf32>
    %mul3A_243 = vector.broadcast %div3A_242 : vector<8x1xf32> to vector<8x80xf32>
    %mul3A_244 = arith.mulf %exp3A_236, %mul3A_243 : vector<8x80xf32>
    %convert_element_type3A_245 = arith.truncf %mul3A_244 : vector<8x80xf32> to vector<8x80xbf16>
    %convert_element_type3A_246 = arith.truncf %slice3A_218 : vector<80x32xf32> to vector<80x32xbf16>
    %dot_general3A_247 = arith.constant dense<0.000000e+00> : vector<8x32xf32>
    %dot_general3A_248 = tpu.matmul %convert_element_type3A_245, %convert_element_type3A_246, %dot_general3A_247 {dimension_numbers = #tpu.dot_dimension_numbers<[1], [0], [0], [1], [0, 0, 1, 1], [], []>, transpose_lhs_hint = false} : vector<8x80xbf16>, vector<80x32xbf16>, vector<8x32xf32> -> vector<8x32xf32>
    %add3A_249 = arith.addf %slice3A_216, %dot_general3A_248 : vector<8x32xf32>
    %slice3A_250 = vector.extract_strided_slice %add3A_185 {offsets = [0, 32], sizes = [8, 32], strides = [1, 1]} : vector<8x128xf32> to vector<8x32xf32>
    %slice3A_251 = vector.extract_strided_slice %add3A_195 {offsets = [0, 32], sizes = [80, 32], strides = [1, 1]} : vector<80x128xf32> to vector<80x32xf32>
    %slice3A_252 = vector.extract_strided_slice %add3A_205 {offsets = [0, 32], sizes = [80, 32], strides = [1, 1]} : vector<80x128xf32> to vector<80x32xf32>
    %convert_element_type3A_253 = arith.truncf %slice3A_250 : vector<8x32xf32> to vector<8x32xbf16>
    %convert_element_type3A_254 = arith.truncf %slice3A_251 : vector<80x32xf32> to vector<80x32xbf16>
    %dot_general3A_255 = arith.constant dense<0.000000e+00> : vector<8x80xf32>
    %dot_general3A_256 = tpu.matmul %convert_element_type3A_253, %convert_element_type3A_254, %dot_general3A_255 {dimension_numbers = #tpu.dot_dimension_numbers<[1], [1], [0], [0], [0, 0, 1, 0], [], []>, transpose_lhs_hint = false} : vector<8x32xbf16>, vector<80x32xbf16>, vector<8x80xf32> -> vector<8x80xf32>
    %mul3A_257 = arith.constant 0.0883883461 : f32
    %mul3A_258 = vector.broadcast %mul3A_257 : f32 to vector<8x80xf32>
    %mul3A_259 = arith.mulf %dot_general3A_256, %mul3A_258 : vector<8x80xf32>
    %jit3A_260 = arith.constant -1.000000e+30 : f32
    %broadcast_in_dim3A_261 = vector.shape_cast %lt3A_215 : vector<1x80xi1> to vector<1x80xi1>
    %broadcast_in_dim3A_262 = vector.broadcast %broadcast_in_dim3A_261 : vector<1x80xi1> to vector<8x80xi1>
    %broadcast_in_dim3A_263 = vector.broadcast %jit3A_260 : f32 to vector<8x80xf32>
    %select_n3A_264 = arith.select %broadcast_in_dim3A_262, %mul3A_259, %broadcast_in_dim3A_263 : vector<8x80xi1>, vector<8x80xf32>
    %reduce_max3A_265 = arith.constant dense<0xFF800000> : vector<8xf32>
    %reduce_max3A_266 = vector.multi_reduction <maximumf>, %select_n3A_264, %reduce_max3A_265 [1] : vector<8x80xf32> to vector<8xf32>
    %broadcast_in_dim3A_267 = vector.shape_cast %reduce_max3A_266 : vector<8xf32> to vector<8x1xf32>
    %sub3A_268 = vector.broadcast %broadcast_in_dim3A_267 : vector<8x1xf32> to vector<8x80xf32>
    %sub3A_269 = arith.subf %select_n3A_264, %sub3A_268 : vector<8x80xf32>
    %exp3A_270 = math.exp %sub3A_269 : vector<8x80xf32>
    %reduce_sum3A_271 = arith.constant dense<0.000000e+00> : vector<8xf32>
    %reduce_sum3A_272 = vector.multi_reduction <add>, %exp3A_270, %reduce_sum3A_271 [1] : vector<8x80xf32> to vector<8xf32>
    %broadcast_in_dim3A_273 = vector.shape_cast %reduce_sum3A_272 : vector<8xf32> to vector<8x1xf32>
    %div3A_274 = arith.constant 1.000000e+00 : f32
    %div3A_275 = vector.broadcast %div3A_274 : f32 to vector<8x1xf32>
    %div3A_276 = arith.divf %div3A_275, %broadcast_in_dim3A_273 : vector<8x1xf32>
    %mul3A_277 = vector.broadcast %div3A_276 : vector<8x1xf32> to vector<8x80xf32>
    %mul3A_278 = arith.mulf %exp3A_270, %mul3A_277 : vector<8x80xf32>
    %convert_element_type3A_279 = arith.truncf %mul3A_278 : vector<8x80xf32> to vector<8x80xbf16>
    %convert_element_type3A_280 = arith.truncf %slice3A_252 : vector<80x32xf32> to vector<80x32xbf16>
    %dot_general3A_281 = arith.constant dense<0.000000e+00> : vector<8x32xf32>
    %dot_general3A_282 = tpu.matmul %convert_element_type3A_279, %convert_element_type3A_280, %dot_general3A_281 {dimension_numbers = #tpu.dot_dimension_numbers<[1], [0], [0], [1], [0, 0, 1, 1], [], []>, transpose_lhs_hint = false} : vector<8x80xbf16>, vector<80x32xbf16>, vector<8x32xf32> -> vector<8x32xf32>
    %add3A_283 = arith.addf %slice3A_250, %dot_general3A_282 : vector<8x32xf32>
    %slice3A_284 = vector.extract_strided_slice %add3A_185 {offsets = [0, 64], sizes = [8, 32], strides = [1, 1]} : vector<8x128xf32> to vector<8x32xf32>
    %slice3A_285 = vector.extract_strided_slice %add3A_195 {offsets = [0, 64], sizes = [80, 32], strides = [1, 1]} : vector<80x128xf32> to vector<80x32xf32>
    %slice3A_286 = vector.extract_strided_slice %add3A_205 {offsets = [0, 64], sizes = [80, 32], strides = [1, 1]} : vector<80x128xf32> to vector<80x32xf32>
    %convert_element_type3A_287 = arith.truncf %slice3A_284 : vector<8x32xf32> to vector<8x32xbf16>
    %convert_element_type3A_288 = arith.truncf %slice3A_285 : vector<80x32xf32> to vector<80x32xbf16>
    %dot_general3A_289 = arith.constant dense<0.000000e+00> : vector<8x80xf32>
    %dot_general3A_290 = tpu.matmul %convert_element_type3A_287, %convert_element_type3A_288, %dot_general3A_289 {dimension_numbers = #tpu.dot_dimension_numbers<[1], [1], [0], [0], [0, 0, 1, 0], [], []>, transpose_lhs_hint = false} : vector<8x32xbf16>, vector<80x32xbf16>, vector<8x80xf32> -> vector<8x80xf32>
    %mul3A_291 = arith.constant 0.0883883461 : f32
    %mul3A_292 = vector.broadcast %mul3A_291 : f32 to vector<8x80xf32>
    %mul3A_293 = arith.mulf %dot_general3A_290, %mul3A_292 : vector<8x80xf32>
    %jit3A_294 = arith.constant -1.000000e+30 : f32
    %broadcast_in_dim3A_295 = vector.shape_cast %lt3A_215 : vector<1x80xi1> to vector<1x80xi1>
    %broadcast_in_dim3A_296 = vector.broadcast %broadcast_in_dim3A_295 : vector<1x80xi1> to vector<8x80xi1>
    %broadcast_in_dim3A_297 = vector.broadcast %jit3A_294 : f32 to vector<8x80xf32>
    %select_n3A_298 = arith.select %broadcast_in_dim3A_296, %mul3A_293, %broadcast_in_dim3A_297 : vector<8x80xi1>, vector<8x80xf32>
    %reduce_max3A_299 = arith.constant dense<0xFF800000> : vector<8xf32>
    %reduce_max3A_300 = vector.multi_reduction <maximumf>, %select_n3A_298, %reduce_max3A_299 [1] : vector<8x80xf32> to vector<8xf32>
    %broadcast_in_dim3A_301 = vector.shape_cast %reduce_max3A_300 : vector<8xf32> to vector<8x1xf32>
    %sub3A_302 = vector.broadcast %broadcast_in_dim3A_301 : vector<8x1xf32> to vector<8x80xf32>
    %sub3A_303 = arith.subf %select_n3A_298, %sub3A_302 : vector<8x80xf32>
    %exp3A_304 = math.exp %sub3A_303 : vector<8x80xf32>
    %reduce_sum3A_305 = arith.constant dense<0.000000e+00> : vector<8xf32>
    %reduce_sum3A_306 = vector.multi_reduction <add>, %exp3A_304, %reduce_sum3A_305 [1] : vector<8x80xf32> to vector<8xf32>
    %broadcast_in_dim3A_307 = vector.shape_cast %reduce_sum3A_306 : vector<8xf32> to vector<8x1xf32>
    %div3A_308 = arith.constant 1.000000e+00 : f32
    %div3A_309 = vector.broadcast %div3A_308 : f32 to vector<8x1xf32>
    %div3A_310 = arith.divf %div3A_309, %broadcast_in_dim3A_307 : vector<8x1xf32>
    %mul3A_311 = vector.broadcast %div3A_310 : vector<8x1xf32> to vector<8x80xf32>
    %mul3A_312 = arith.mulf %exp3A_304, %mul3A_311 : vector<8x80xf32>
    %convert_element_type3A_313 = arith.truncf %mul3A_312 : vector<8x80xf32> to vector<8x80xbf16>
    %convert_element_type3A_314 = arith.truncf %slice3A_286 : vector<80x32xf32> to vector<80x32xbf16>
    %dot_general3A_315 = arith.constant dense<0.000000e+00> : vector<8x32xf32>
    %dot_general3A_316 = tpu.matmul %convert_element_type3A_313, %convert_element_type3A_314, %dot_general3A_315 {dimension_numbers = #tpu.dot_dimension_numbers<[1], [0], [0], [1], [0, 0, 1, 1], [], []>, transpose_lhs_hint = false} : vector<8x80xbf16>, vector<80x32xbf16>, vector<8x32xf32> -> vector<8x32xf32>
    %add3A_317 = arith.addf %slice3A_284, %dot_general3A_316 : vector<8x32xf32>
    %slice3A_318 = vector.extract_strided_slice %add3A_185 {offsets = [0, 96], sizes = [8, 32], strides = [1, 1]} : vector<8x128xf32> to vector<8x32xf32>
    %slice3A_319 = vector.extract_strided_slice %add3A_195 {offsets = [0, 96], sizes = [80, 32], strides = [1, 1]} : vector<80x128xf32> to vector<80x32xf32>
    %slice3A_320 = vector.extract_strided_slice %add3A_205 {offsets = [0, 96], sizes = [80, 32], strides = [1, 1]} : vector<80x128xf32> to vector<80x32xf32>
    %convert_element_type3A_321 = arith.truncf %slice3A_318 : vector<8x32xf32> to vector<8x32xbf16>
    %convert_element_type3A_322 = arith.truncf %slice3A_319 : vector<80x32xf32> to vector<80x32xbf16>
    %dot_general3A_323 = arith.constant dense<0.000000e+00> : vector<8x80xf32>
    %dot_general3A_324 = tpu.matmul %convert_element_type3A_321, %convert_element_type3A_322, %dot_general3A_323 {dimension_numbers = #tpu.dot_dimension_numbers<[1], [1], [0], [0], [0, 0, 1, 0], [], []>, transpose_lhs_hint = false} : vector<8x32xbf16>, vector<80x32xbf16>, vector<8x80xf32> -> vector<8x80xf32>
    %mul3A_325 = arith.constant 0.0883883461 : f32
    %mul3A_326 = vector.broadcast %mul3A_325 : f32 to vector<8x80xf32>
    %mul3A_327 = arith.mulf %dot_general3A_324, %mul3A_326 : vector<8x80xf32>
    %jit3A_328 = arith.constant -1.000000e+30 : f32
    %broadcast_in_dim3A_329 = vector.shape_cast %lt3A_215 : vector<1x80xi1> to vector<1x80xi1>
    %broadcast_in_dim3A_330 = vector.broadcast %broadcast_in_dim3A_329 : vector<1x80xi1> to vector<8x80xi1>
    %broadcast_in_dim3A_331 = vector.broadcast %jit3A_328 : f32 to vector<8x80xf32>
    %select_n3A_332 = arith.select %broadcast_in_dim3A_330, %mul3A_327, %broadcast_in_dim3A_331 : vector<8x80xi1>, vector<8x80xf32>
    %reduce_max3A_333 = arith.constant dense<0xFF800000> : vector<8xf32>
    %reduce_max3A_334 = vector.multi_reduction <maximumf>, %select_n3A_332, %reduce_max3A_333 [1] : vector<8x80xf32> to vector<8xf32>
    %broadcast_in_dim3A_335 = vector.shape_cast %reduce_max3A_334 : vector<8xf32> to vector<8x1xf32>
    %sub3A_336 = vector.broadcast %broadcast_in_dim3A_335 : vector<8x1xf32> to vector<8x80xf32>
    %sub3A_337 = arith.subf %select_n3A_332, %sub3A_336 : vector<8x80xf32>
    %exp3A_338 = math.exp %sub3A_337 : vector<8x80xf32>
    %reduce_sum3A_339 = arith.constant dense<0.000000e+00> : vector<8xf32>
    %reduce_sum3A_340 = vector.multi_reduction <add>, %exp3A_338, %reduce_sum3A_339 [1] : vector<8x80xf32> to vector<8xf32>
    %broadcast_in_dim3A_341 = vector.shape_cast %reduce_sum3A_340 : vector<8xf32> to vector<8x1xf32>
    %div3A_342 = arith.constant 1.000000e+00 : f32
    %div3A_343 = vector.broadcast %div3A_342 : f32 to vector<8x1xf32>
    %div3A_344 = arith.divf %div3A_343, %broadcast_in_dim3A_341 : vector<8x1xf32>
    %mul3A_345 = vector.broadcast %div3A_344 : vector<8x1xf32> to vector<8x80xf32>
    %mul3A_346 = arith.mulf %exp3A_338, %mul3A_345 : vector<8x80xf32>
    %convert_element_type3A_347 = arith.truncf %mul3A_346 : vector<8x80xf32> to vector<8x80xbf16>
    %convert_element_type3A_348 = arith.truncf %slice3A_320 : vector<80x32xf32> to vector<80x32xbf16>
    %dot_general3A_349 = arith.constant dense<0.000000e+00> : vector<8x32xf32>
    %dot_general3A_350 = tpu.matmul %convert_element_type3A_347, %convert_element_type3A_348, %dot_general3A_349 {dimension_numbers = #tpu.dot_dimension_numbers<[1], [0], [0], [1], [0, 0, 1, 1], [], []>, transpose_lhs_hint = false} : vector<8x80xbf16>, vector<80x32xbf16>, vector<8x32xf32> -> vector<8x32xf32>
    %add3A_351 = arith.addf %slice3A_318, %dot_general3A_350 : vector<8x32xf32>
    %concatenate3A_352 = tpu.concatenate %add3A_249, %add3A_283, %add3A_317, %add3A_351 in 1 : vector<8x32xf32>, vector<8x32xf32>, vector<8x32xf32>, vector<8x32xf32> -> vector<8x128xf32>
    %dot_general3A_353 = arith.constant dense<0.000000e+00> : vector<8x128xf32>
    %dot_general3A_354 = tpu.matmul %concatenate3A_352, %get3A_208, %dot_general3A_353 {dimension_numbers = #tpu.dot_dimension_numbers<[1], [0], [0], [1], [0, 0, 1, 1], [], []>, transpose_lhs_hint = false} : vector<8x128xf32>, vector<128x128xf32>, vector<8x128xf32> -> vector<8x128xf32>
    %slice3A_355 = vector.extract_strided_slice %get3A_211 {offsets = [0, 0], sizes = [1, 128], strides = [1, 1]} : vector<8x128xf32> to vector<1x128xf32>
    %add3A_356 = vector.broadcast %slice3A_355 : vector<1x128xf32> to vector<8x128xf32>
    %add3A_357 = arith.addf %dot_general3A_354, %add3A_356 : vector<8x128xf32>
    %max3A_358 = arith.constant 0.000000e+00 : f32
    %max3A_359 = vector.broadcast %max3A_358 : f32 to vector<8x128xf32>
    %max3A_360 = arith.maximumf %add3A_357, %max3A_359 : vector<8x128xf32>
    %add3A_361 = arith.addf %concatenate3A_352, %max3A_360 : vector<8x128xf32>
    %get3A_362 = arith.constant 0 : index
    %get3A_363 = arith.constant 0 : index
    %get3A_364 = vector.load %arg19[%get3A_362, %get3A_363] : memref<128x128xf32, #tpu.memory_space<vmem>>, vector<128x128xf32>
    %dot_general3A_365 = arith.constant dense<0.000000e+00> : vector<8x128xf32>
    %dot_general3A_366 = tpu.matmul %add3A_361, %get3A_364, %dot_general3A_365 {dimension_numbers = #tpu.dot_dimension_numbers<[1], [0], [0], [1], [0, 0, 1, 1], [], []>, transpose_lhs_hint = false} : vector<8x128xf32>, vector<128x128xf32>, vector<8x128xf32> -> vector<8x128xf32>
    %get3A_367 = arith.constant 0 : index
    %get3A_368 = arith.constant 0 : index
    %get3A_369 = vector.load %arg20[%get3A_367, %get3A_368] : memref<8x128xf32, #tpu.memory_space<vmem>>, vector<1x128xf32>
    %add3A_370 = vector.broadcast %get3A_369 : vector<1x128xf32> to vector<8x128xf32>
    %add3A_371 = arith.addf %dot_general3A_366, %add3A_370 : vector<8x128xf32>
    %get3A_372 = arith.constant 0 : index
    %get3A_373 = arith.constant 0 : index
    %get3A_374 = vector.load %arg21[%get3A_372, %get3A_373] : memref<128x128xf32, #tpu.memory_space<vmem>>, vector<128x128xf32>
    %dot_general3A_375 = arith.constant dense<0.000000e+00> : vector<8x128xf32>
    %dot_general3A_376 = tpu.matmul %add3A_371, %get3A_374, %dot_general3A_375 {dimension_numbers = #tpu.dot_dimension_numbers<[1], [0], [0], [1], [0, 0, 1, 1], [], []>, transpose_lhs_hint = false} : vector<8x128xf32>, vector<128x128xf32>, vector<8x128xf32> -> vector<8x128xf32>
    %get3A_377 = arith.constant 0 : index
    %get3A_378 = arith.constant 0 : index
    %get3A_379 = vector.load %arg22[%get3A_377, %get3A_378] : memref<8x128xf32, #tpu.memory_space<vmem>>, vector<1x128xf32>
    %add3A_380 = vector.broadcast %get3A_379 : vector<1x128xf32> to vector<8x128xf32>
    %add3A_381 = arith.addf %dot_general3A_376, %add3A_380 : vector<8x128xf32>
    %swap3A = arith.constant 0 : index
    %swap3A_382 = arith.constant 0 : index
    %swap3A_383 = arith.constant 0 : index
    %swap3A_384 = vector.load %arg23[%swap3A, %swap3A_382, %swap3A_383] : memref<1x8x128xf32, #tpu.memory_space<vmem>>, vector<1x8x128xf32>
    %swap3A_385 = vector.shape_cast %swap3A_384 : vector<1x8x128xf32> to vector<8x128xf32>
    %swap3A_386 = vector.shape_cast %add3A_381 : vector<8x128xf32> to vector<1x8x128xf32>
    tpu.vector_store %arg23[%swap3A, %swap3A_382, %swap3A_383], %swap3A_386 {strides = array<i32>} : memref<1x8x128xf32, #tpu.memory_space<vmem>>, vector<1x8x128xf32>,
    return
  }
  func.func @transform_0(%arg0: i32) -> (i32, i32, i32) {
    %c0_i32 = arith.constant 0 : i32
    %c0_i32_0 = arith.constant 0 : i32
    %c0_i32_1 = arith.constant 0 : i32
    return %arg0, %c0_i32, %c0_i32_0 : i32, i32, i32
  }
  func.func @transform_1(%arg0: i32) -> (i32, i32) {
    %c0_i32 = arith.constant 0 : i32
    %c0_i32_0 = arith.constant 0 : i32
    %c0_i32_1 = arith.constant 0 : i32
    return %c0_i32, %c0_i32_0 : i32, i32
  }
  func.func @transform_2(%arg0: i32) -> (i32, i32) {
    %c0_i32 = arith.constant 0 : i32
    %c0_i32_0 = arith.constant 0 : i32
    %c0_i32_1 = arith.constant 0 : i32
    return %c0_i32, %c0_i32_0 : i32, i32
  }
  func.func @transform_3(%arg0: i32) -> (i32, i32) {
    %c0_i32 = arith.constant 0 : i32
    %c0_i32_0 = arith.constant 0 : i32
    %c0_i32_1 = arith.constant 0 : i32
    return %c0_i32, %c0_i32_0 : i32, i32
  }
  func.func @transform_4(%arg0: i32) -> (i32, i32) {
    %c0_i32 = arith.constant 0 : i32
    %c0_i32_0 = arith.constant 0 : i32
    %c0_i32_1 = arith.constant 0 : i32
    return %c0_i32, %c0_i32_0 : i32, i32
  }
  func.func @transform_5(%arg0: i32) -> (i32, i32) {
    %c0_i32 = arith.constant 0 : i32
    %c0_i32_0 = arith.constant 0 : i32
    %c0_i32_1 = arith.constant 0 : i32
    return %c0_i32, %c0_i32_0 : i32, i32
  }
  func.func @transform_6(%arg0: i32) -> (i32, i32) {
    %c0_i32 = arith.constant 0 : i32
    %c0_i32_0 = arith.constant 0 : i32
    %c0_i32_1 = arith.constant 0 : i32
    return %c0_i32, %c0_i32_0 : i32, i32
  }
  func.func @transform_7(%arg0: i32) -> (i32, i32) {
    %c0_i32 = arith.constant 0 : i32
    %c0_i32_0 = arith.constant 0 : i32
    %c0_i32_1 = arith.constant 0 : i32
    return %c0_i32, %c0_i32_0 : i32, i32
  }
  func.func @transform_8(%arg0: i32) -> (i32, i32) {
    %c0_i32 = arith.constant 0 : i32
    %c0_i32_0 = arith.constant 0 : i32
    %c0_i32_1 = arith.constant 0 : i32
    return %c0_i32, %c0_i32_0 : i32, i32
  }
  func.func @transform_9(%arg0: i32) -> (i32, i32) {
    %c0_i32 = arith.constant 0 : i32
    %c0_i32_0 = arith.constant 0 : i32
    %c0_i32_1 = arith.constant 0 : i32
    return %c0_i32, %c0_i32_0 : i32, i32
  }
  func.func @transform_10(%arg0: i32) -> (i32, i32) {
    %c0_i32 = arith.constant 0 : i32
    %c0_i32_0 = arith.constant 0 : i32
    %c0_i32_1 = arith.constant 0 : i32
    return %c0_i32, %c0_i32_0 : i32, i32
  }
  func.func @transform_11(%arg0: i32) -> (i32, i32) {
    %c0_i32 = arith.constant 0 : i32
    %c0_i32_0 = arith.constant 0 : i32
    %c0_i32_1 = arith.constant 0 : i32
    return %c0_i32, %c0_i32_0 : i32, i32
  }
  func.func @transform_12(%arg0: i32) -> (i32, i32) {
    %c0_i32 = arith.constant 0 : i32
    %c0_i32_0 = arith.constant 0 : i32
    %c0_i32_1 = arith.constant 0 : i32
    return %c0_i32, %c0_i32_0 : i32, i32
  }
  func.func @transform_13(%arg0: i32) -> (i32, i32) {
    %c0_i32 = arith.constant 0 : i32
    %c0_i32_0 = arith.constant 0 : i32
    %c0_i32_1 = arith.constant 0 : i32
    return %c0_i32, %c0_i32_0 : i32, i32
  }
  func.func @transform_14(%arg0: i32) -> (i32, i32) {
    %c0_i32 = arith.constant 0 : i32
    %c0_i32_0 = arith.constant 0 : i32
    %c0_i32_1 = arith.constant 0 : i32
    return %c0_i32, %c0_i32_0 : i32, i32
  }
  func.func @transform_15(%arg0: i32) -> (i32, i32) {
    %c0_i32 = arith.constant 0 : i32
    %c0_i32_0 = arith.constant 0 : i32
    %c0_i32_1 = arith.constant 0 : i32
    return %c0_i32, %c0_i32_0 : i32, i32
  }
  func.func @transform_16(%arg0: i32) -> (i32, i32) {
    %c0_i32 = arith.constant 0 : i32
    %c0_i32_0 = arith.constant 0 : i32
    %c0_i32_1 = arith.constant 0 : i32
    return %c0_i32, %c0_i32_0 : i32, i32
  }
  func.func @transform_17(%arg0: i32) -> (i32, i32) {
    %c0_i32 = arith.constant 0 : i32
    %c0_i32_0 = arith.constant 0 : i32
    %c0_i32_1 = arith.constant 0 : i32
    return %c0_i32, %c0_i32_0 : i32, i32
  }
  func.func @transform_18(%arg0: i32) -> (i32, i32) {
    %c0_i32 = arith.constant 0 : i32
    %c0_i32_0 = arith.constant 0 : i32
    %c0_i32_1 = arith.constant 0 : i32
    return %c0_i32, %c0_i32_0 : i32, i32
  }
  func.func @transform_19(%arg0: i32) -> (i32, i32) {
    %c0_i32 = arith.constant 0 : i32
    %c0_i32_0 = arith.constant 0 : i32
    %c0_i32_1 = arith.constant 0 : i32
    return %c0_i32, %c0_i32_0 : i32, i32
  }
  func.func @transform_20(%arg0: i32) -> (i32, i32) {
    %c0_i32 = arith.constant 0 : i32
    %c0_i32_0 = arith.constant 0 : i32
    %c0_i32_1 = arith.constant 0 : i32
    return %c0_i32, %c0_i32_0 : i32, i32
  }
  func.func @transform_21(%arg0: i32) -> (i32, i32) {
    %c0_i32 = arith.constant 0 : i32
    %c0_i32_0 = arith.constant 0 : i32
    %c0_i32_1 = arith.constant 0 : i32
    return %c0_i32, %c0_i32_0 : i32, i32
  }
  func.func @transform_22(%arg0: i32) -> (i32, i32, i32) {
    %c0_i32 = arith.constant 0 : i32
    %c0_i32_0 = arith.constant 0 : i32
    %c0_i32_1 = arith.constant 0 : i32
    return %arg0, %c0_i32, %c0_i32_0 : i32, i32, i32
  }
}

</mosaic_0001>

<sc_bundles>
// kernel: scatter_offload_async_start
scs
__scs_entry_jumppad:
0x0: {  	(pc) =	sbr.rel $0x88, $3  }
0x1: {  	(tag) =	ssettag $0x0;
	lr =	simm.s32 $0x1  }
0x2: {  	[smem:$0x3F64] =	sst lr;
	_ =	strace $0xD0000000  }
0x3: {  	_ = 	snop  }
0x4: {  	_ = 	snop  }
0x5: {  	_ = 	snop  }
0x6: {  	_ = 	snop  }
0x7: {  	_ = 	snop  }
__scs_overlays_trampoline_lowered:
0x8: {  	[smem:$0x3F73] =	sst s0  }
0x9: {  	[smem:$0x3F74] =	sst s1  }
0xa: {  	[smem:$0x3F75] =	sst s2  }
0xb: {  	[smem:$0x3F76] =	sst s3  }
0xc: {  	[smem:$0x3F77] =	sst s4  }
0xd: {  	[smem:$0x3F78] =	sst s5  }
0xe: {  	[smem:$0x3F79] =	sst s6  }
0xf: {  	[smem:$0x3F7A] =	sst s7  }
0x10: {  	[smem:$0x3F7B] =	sst s8  }
0x11: {  	[smem:$0x3F7C] =	sst s9;
	s0 =	simm.s32 @!p0 $0x0  }
0x12: {  	s1 =	sld [smem:$0x3F62];
	s0 =	simm.s32 @p0 $0x1  }
0x13: {  	[smem:$0x3F7D] =	sst s0;
	s0 =	simm.s32 @!p1 $0x0  }
0x14: {  	s2 =	sld [smem:$0x3F61];
	s0 =	simm.s32 @p1 $0x1  }
0x15: {  	[smem:$0x3F7E] =	sst s0;
	s0 =	simm.s32 @!p2 $0x0  }
0x16: {  	s3 =	sld [smem:$0x3FDB];
	s0 =	simm.s32 @p2 $0x1  }
0x17: {  	s4 =	simm.s32 $0x1BF5;
	[smem:$0x3F80] =	sst s0  }
0x18: {  	s0 =	sld [smem:$0x3F63];
	_ =	swait.ge [sflag:s4], $0x0  }
0x19: {  	s7 =	sld [smem:$0x3F64]  }
0x1a: {  	s8 =	sadd.s32 $0xFFFFE003, lr  }
0x1b: {  	s9 =	sadd.s32 $0xFFFFFEF7, lr;
	s5 =	simm.s32 $0xFFFFFFFF;
	p2 =	slt.u32 s8, $0xFFFFF086  }
0x1c: {  	p1 =	slt.u32 s9, $0xF7A;
	s5 =	simm.s32 @!p2 $0x0  }
0x1d: {  	s5 =	simm.s32 @p1 $0x1;
	p0 =	seq.s32 s7, s2  }
0x1e: {  	s7 =	smul.u32 @!p0 $0xF7A, s2;
	p2 =	seq.s32 @!p0 s5, $0x0  }
0x1f: {  	s9 =	smul.u32 $0xF7A, s1;
	s8 =	simm.s32 @!p0 $0x1BF5;
	p2 =	por !p2, p0  }
0x20: {  	[sflag:s8] =	ssyncset.s32 @!p0 $0xFFFFF086;
	s6 =	sadd.s32 @!p0 s3, s7;
	s7 =	simm.s32 @!p0 $0x108  }
0x21: {  	s3 =	sadd.s32 s3, s9;
	s6 =	sadd.s32 @!p0 $0x88, s6;
	s7 =	simm.s32 @p2 $0x1082  }
0x22: {  	[simem:s7], [sflag:s8] =	dma.local @!p0 [hbm:s6], $0xF7A  }
0x23: {  	s9 =	sor.u32 $0xD0000000, s2;
	s6 =	simm.s32 $0x108;
	_ =	swait.ge @!p0 [sflag:s8], $0x0  }
0x24: {  	s3 =	sadd.s32 $0x88, s3;
	s6 =	simm.s32 @!p1 $0x1082;
	[sflag:s4] =	ssyncset.s32 $0xFFFFF086  }
0x25: {  	[simem:s6], [sflag:s4] =	dma.local [hbm:s3], $0xF7A  }
0x26: {  	[smem:$0x3F64] =	sst s1;
	(tag) =	ssettag s2;
	_ =	strace s9  }
0x27: {  	s1 =	sld [smem:$0x3F74]  }
0x28: {  	s2 =	sld [smem:$0x3F75]  }
0x29: {  	s4 =	sld [smem:$0x3F77]  }
0x2a: {  	p0 =	seq.s32 s5, $0x0;
	s5 =	sld [smem:$0x3F78]  }
0x2b: {  	s6 =	sld [smem:$0x3F79]  }
0x2c: {  	s7 =	sld [smem:$0x3F7A]  }
0x2d: {  	s3 =	simm.s32 $0x108;
	s8 =	sld [smem:$0x3F7B]  }
0x2e: {  	s3 =	simm.s32 @!p0 $0x1082;
	s9 =	sld [smem:$0x3F7C]  }
0x2f: {  	lr =	sadd.s32 s0, s3;
	s0 =	sld [smem:$0x3F73]  }
0x30: {  	s3 =	sld [smem:$0x3F76]  }
0x31: {  	[smem:$0x3F7F] =	sst s10  }
0x32: {  	s10 =	sld [smem:$0x3F7D];
	_ =	sdelay $0x3  }
0x33: {  	p0 =	seq.s32 s10, $0x1;
	s10 =	sld [smem:$0x3F7F];
	_ =	sdelay $0x3  }
0x34: {  	[smem:$0x3F7F] =	sst s10  }
0x35: {  	s10 =	sld [smem:$0x3F7E];
	_ =	sdelay $0x3  }
0x36: {  	p1 =	seq.s32 s10, $0x1;
	s10 =	sld [smem:$0x3F7F];
	_ =	sdelay $0x3  }
0x37: {  	[smem:$0x3F7F] =	sst s10  }
0x38: {  	s10 =	sld [smem:$0x3F80]  }
0x39: {  	_ = 	snop;
	(pc) =	sbr.ind lr, $3  }
0x3a: {  	_ = 	snop  }
0x3b: {  	_ = 	snop  }
0x3c: {  	p2 =	seq.s32 s10, $0x1;
	s10 =	sld [smem:$0x3F7F]  }
0x3d: {  	_ =	shalt  }
0x3e: {  	_ =	shalt  }
0x3f: {  	_ =	shalt  }
0x40: {  	_ =	shalt  }
0x41: {  	_ =	shalt  }
0x42: {  	_ =	shalt  }
0x43: {  	_ =	shalt  }
0x44: {  	_ =	shalt  }
0x45: {  	_ =	shalt  }
0x46: {  	_ =	shalt  }
0x47: {  	_ =	shalt  }
0x48: {  	_ =	shalt  }
0x49: {  	_ =	shalt  }
0x4a: {  	_ =	shalt  }
0x4b: {  	_ =	shalt  }
0x4c: {  	_ =	shalt  }
0x4d: {  	_ =	shalt  }
0x4e: {  	_ =	shalt  }
0x4f: {  	_ =	shalt  }
0x50: {  	_ =	shalt  }
0x51: {  	_ =	shalt  }
0x52: {  	_ =	shalt  }
0x53: {  	_ =	shalt  }
0x54: {  	_ =	shalt  }
0x55: {  	_ =	shalt  }
0x56: {  	_ =	shalt  }
0x57: {  	_ =	shalt  }
0x58: {  	_ =	shalt  }
0x59: {  	_ =	shalt  }
0x5a: {  	_ =	shalt  }
0x5b: {  	_ =	shalt  }
0x5c: {  	_ =	shalt  }
0x5d: {  	_ =	shalt  }
0x5e: {  	_ =	shalt  }
0x5f: {  	_ =	shalt  }
0x60: {  	_ =	shalt  }
0x61: {  	_ =	shalt  }
0x62: {  	_ =	shalt  }
0x63: {  	_ =	shalt  }
0x64: {  	_ =	shalt  }
0x65: {  	_ =	shalt  }
0x66: {  	_ =	shalt  }
0x67: {  	_ =	shalt  }
0x68: {  	_ =	shalt  }
0x69: {  	_ =	shalt  }
0x6a: {  	_ =	shalt  }
0x6b: {  	_ =	shalt  }
0x6c: {  	_ =	shalt  }
0x6d: {  	_ =	shalt  }
0x6e: {  	_ =	shalt  }
0x6f: {  	_ =	shalt  }
0x70: {  	_ =	shalt  }
0x71: {  	_ =	shalt  }
0x72: {  	_ =	shalt  }
0x73: {  	_ =	shalt  }
0x74: {  	_ =	shalt  }
0x75: {  	_ =	shalt  }
0x76: {  	_ =	shalt  }
0x77: {  	_ =	shalt  }
0x78: {  	_ =	shalt  }
0x79: {  	_ =	shalt  }
0x7a: {  	_ =	shalt  }
0x7b: {  	_ =	shalt  }
0x7c: {  	_ =	shalt  }
0x7d: {  	_ =	shalt  }
0x7e: {  	_ =	shalt  }
0x7f: {  	_ =	shalt  }
0x80: {  	_ =	shalt  }
0x81: {  	_ =	shalt  }
0x82: {  	_ =	shalt  }
0x83: {  	_ =	shalt  }
0x84: {  	_ =	shalt  }
0x85: {  	_ =	shalt  }
0x86: {  	_ =	shalt  }
0x87: {  	_ =	shalt  }
.Lfunc_end0:
.L_simem_size_0:
called_computation_lowered:
.L_overlay_start_0:
0x88: {  	s0 =	sld [smem:$0x3FD9]  }
0x89: {  	s1 =	sld [smem:$0x3FFE];
	_ =	sdelay $0x3  }
0x8a: {  	s0 =	sadd.s32 s1, s0  }
0x8b: {  	[smem:$0x3F8B] =	sst s0  }
0x8c: {  	_ = 	snop  }
0x8d: {  	(tm) =	ssettm $0x1  }
0x8e: {  	s15 =	sld [smem:$0x3FFB];
	_ =	sdelay $0x3  }
0x8f: {  	_ =	strace s15  }
0x90: {  	s0 =	sld [smem:$0x3FFC];
	_ =	sdelay $0x3  }
0x91: {  	_ =	strace s0  }
0x92: {  	s0 =	sld [smem:$0x3FFD];
	_ =	sdelay $0x3  }
0x93: {  	_ =	strace s0  }
0x94: {  	_ =	strace $0x8FFFFFFF  }
0x95: {  	s16 =	sld [smem:$0x3FDB];
	_ =	sdelay $0x1  }
0x96: {  	s17 =	simm.s32 $_scs_section_size  }
0x97: {  	s2 =	simm.s32 $_size__tile_overlayer_lowered;
	s3 =	simm.s32 $_tile_overlayer_lowered  }
0x98: {  	s20 =	simm.s32 $0x1BFF;
	s19 =	sshll.u32 s3, $0x1;
	s0 =	sadd.s32 s17, s16  }
0x99: {  	s4 =	simm.s32 $0x0;
	s18 =	sshll.u32 s2, $0x1;
	s2 =	sadd.s32 s19, s0  }
0x9a: {  	[timem:s4], [sflag:s20] =	dma.local [hbm:s2], s18  }
0x9b: {  	_ =	swait.ge [sflag:s20], s18  }
0x9c: {  	s1 =	ssub.s32 $0x0, s18;
	[sflag:s20] =	ssyncset.done $0x0  }
0x9d: {  	[sflag:s20] =	ssyncadd.s32 s1;
	_ =	sdelay $0x1  }
0x9e: {  	s21 =	simm.s32 $0x1B8B  }
0x9f: {  	_ =	swait.ge [sflag:s21], $0x1  }
0xa0: {  	[sflag:s21] =	ssyncset.done $0x0  }
0xa1: {  	s23 =	simm.s32 $0x1B8E;
	s22 =	sld [smem:$0x3FFE];
	[sflag:s21] =	ssyncadd.s32 $0xFFFFFFFF  }
0xa2: {  	s24 =	simm.s32 $execute0_lowered;
	[smem:$0x3FD2] =	sst s23  }
0xa3: {  	s2 =	sshll.u32 s24, $0x1;
	_ =	strace $0x80000046;
	[dreg:$0x1] =	wrdreg $0xFFFFFFFF  }
0xa4: {  	s25 =	simm.s32 $_size_execute0_lowered;
	s0 =	sadd.s32 s0, s2;
	[dreg:$0x0] =	wrdreg $0x0  }
0xa5: {  	s2 =	sshll.u32 s25, $0x1;
	[dreg:$0x2] =	wrdreg s0  }
0xa6: {  	[dreg:$0x3] =	wrdreg s2  }
0xa7: {  	[dreg:$0x4] =	wrdreg $0xC0  }
0xa8: {  	_ =	task [dreg:s4], $0x5FFFF  }
0xa9: {  	[dreg:$0x1] =	wrdreg $0xFFFFFFFF  }
0xaa: {  	[dreg:$0x0] =	wrdreg $0x60  }
0xab: {  	[dreg:$0x2] =	wrdreg s22  }
0xac: {  	[dreg:$0x3] =	wrdreg $0x9  }
0xad: {  	_ =	task.clear_ibuf [dreg:s4], $0x4FFFF;
	_ =	strace $0x90000046  }
0xae: {  	s26 =	simm.s32 $0x9;
	_ =	strace $0x80000048  }
0xaf: {  	_ =	swait.ge [sflag:s26], $0x1  }
0xb0: {  	[sflag:s26] =	ssyncadd.s32 $0xFFFFFFFF  }
0xb1: {  	_ =	strace $0x90000048  }
0xb2: {  	_ =	sfence  }
0xb3: {  	s28 =	sld [smem:$0x0];
	_ =	sdelay $0x1  }
0xb4: {  	s29 =	srdreg.scid  }
0xb5: {  	s30 =	sshll.u32 s29, $0xD;
	s31 =	sshrl.u32 s29, $0x2  }
0xb6: {  	s1 =	sand.u32 $0x1, s29;
	s2 =	sand.u32 $0x4000, s30;
	s0 =	sadd.s32 s31, s28  }
0xb7: {  	s1 =	sor.u32 s2, s1;
	s0 =	sshll.u32 s0, $0x11  }
0xb8: {  	s0 =	sor.u32 s0, s1  }
0xb9: {  	s0 =	sadd.s32 $0x8F2B, s0  }
0xba: {  	[sflag:s0] =	ssyncadd.remote.s32 $0x1  }
0xbb: {  	_ =	sfence.sel $0xFFFF  }
0xbc: {  	[dreg:$0x0] =	wrdreg $0xFFFFFFFF;
	(pc) =	sbr.abs _section_cstart, $3  }
0xbd: {  	[dreg:$0x1] =	wrdreg $0xFFFFFFFF  }
0xbe: {  	_ =	task.clear_ibuf [dreg:s4], $0x2FFFF;
	_ =	strace $0x9FFFFFFF  }
0xbf: {  	(tm) =	ssettm $0x7FFFFFFF  }
tec
execute0_lowered:
.L_overlay_start_1:
0x0: {  	(tag) =	ssettag $0x1  }
0x1: {  	s0 =	rddreg [dreg:$0x0]  }
0x2: {  	_ =	strace $0x80000047;
	s15 =	stileid.u32;
	s2 =	simm.s32 $0x1  }
0x3: {  	v1 =	vimm.s32 $0xFFFFFFFF;
	s1 =	smin.u32 s15, $0x8;
	s3 =	sshll.u32 s15, $0x1;
	[sflag:s2] =	ssyncpa.u1 $0x0  }
0x4: {  	s1 =	sadd.s32 s1, s3;
	[tilespmem:$0x10] =	vst v1  }
0x5: {  	v0 =	vimm.s32 $0x0;
	p0 =	slt.u32 s15, $0x8;
	[tilespmem:$0x20] =	vst v1;
	s4 =	smul.u32 $0x1F40, s1;
	s1 =	simm.s32 $0x5DC0  }
0x6: {  	[tilespmem:$0x30] =	vst v0;
	s1 =	simm.s32 @!p0 $0x3E80  }
0x7: {  	[tilespmem:$0x40] =	vst v0;
	s1 =	sadd.s32 s1, s4  }
0x8: {  	s7 =	simm.s32 $0x2;
	[tilespmem:$0x50] =	vst v0;
	s5 =	smin.u32 s1, $0x4E200  }
0x9: {  	s8 =	simm.s32 $0x8;
	s31 =	simm.s32 $0x9;
	[tilespmem:$0x60] =	vst v1;
	s9 =	ssub.s32 s5, s4  }
0xa: {  	s16 =	simm.s32 $0x0;
	s17 =	simm.s32 $0xF0;
	[tilespmem:$0x70] =	vst v1;
	p0 =	sgt.s32 s9, $0x0  }
0xb: {  	s18 =	simm.s32 $0xFFFFFFFF;
	s19 =	simm.s32 $0xFFFFC280;
	[tilespmem:$0x80] =	vst v1;
	s9 =	simm.s32 @!p0 $0x0  }
0xc: {  	s20 =	simm.s32 $0xFFFFFFFE;
	s21 =	simm.s32 $0xF;
	[tilespmem:$0x90] =	vst v0;
	s30 =	smulhi.u32 $0x10624DD3, s9  }
0xd: {  	s25 =	simm.s32 $0x0;
	s24 =	simm.s32 $0x0;
	s6 =	sadd.s32 $0x9DE00, s0;
	[tilespmem:$0xA0] =	vst v0  }
0xe: {  	[tilespmem:$0xB0] =	vst v0;
	[sflag:s7] =	ssyncpa.u1 $0x0;
	s7 =	simm.s32 $0x7;
	s10 =	sshrl.u32 s30, $0x9  }
0xf: {  	s15 =	sshllo.u32 s15, $0x1;
	[sflag:s7] =	ssyncpa.u1 $0x0;
	s11 =	smul.u32 $0x1F40, s10  }
.Ltmp0:
0x10: {  	s13 =	sor.u32 $0x80, s3;
	[sflag:s8] =	ssyncpa.u1 $0x0;
	(pc) =	sbr.rel .LBB2_1-.Ltmp0, $4  }
0x11: {  	s14 =	sor.u32 $0x81, s3;
	[sflag:s31] =	ssyncpa.u1 $0x0;
	p0 =	sne.s32 s9, s11  }
0x12: {  	s1 =	sadd.s32 $0xDA200, s0;
	s0 =	sadd.s32 $0xA7C00, s0;
	s2 =	simm.s32 @!p0 $0x0  }
0x13: {  	vm0 =	vmmov $0xffff;
	vm1 =	vmxor vm1, vm1;
	s23 =	smov.u32 s4;
	[dreg:$0x2] =	wrdreg s0;
	s10 =	sadd.s32 s2, s10  }
0x14: {  	vm2 =	vmmov $0x1;
	vm3 =	vcmask $0x3F3C;
	v1 =	vlaneseq.u32;
	p0 =	por $0x0, $0x0;
	s11 =	sadd.s32 $0x1, s10;
	s12 =	sadd.s32 $0x2, s10  }
.LBB2_9:
0x15: {  	p1 =	slt.u32 s24, $0x3  }
0x16: {  	s0 =	simm.s32 @!p1 $0x2  }
0x17: {  	_ =	swait.ge @!p1 [sflag:s0], $0x1F40  }
0x18: {  	[sflag:s0] =	ssyncset.done @!p1 $0x0  }
0x19: {  	[sflag:s0] =	ssyncadd.s32 @!p1 $0xFFFFE0C0;
	s0 =	simm.s32 @!p1 $0x9  }
0x1a: {  	_ =	swait.ge @!p1 [sflag:s0], $0x10  }
0x1b: {  	[sflag:s0] =	ssyncset.done @!p1 $0x0  }
0x1c: {  	[sflag:s0] =	ssyncadd.s32 @!p1 $0xFFFFFFF0;
	p1 =	sne.s32 s24, s12  }
.Ltmp1:
0x1d: {  	s2 =	sadd.s32 $0x1F40, s23;
	(pc) =	sbr.rel @!p1 .LBB2_10-.Ltmp1, $4  }
0x1e: {  	s9 =	smov.u32 s4;
	s31 =	sadd.s32 $0x1, s24;
	s17 =	sadd.s32 $0x1F40, s17  }
0x1f: {  	s18 =	sadd.s32 $0x1, s18;
	s25 =	smov.u32 s23;
	p2 =	slt.s32 s2, s5  }
0x20: {  	p0 =	por !p0, !p0;
	s19 =	sadd.s32 $0x1F40, s19;
	s9 =	smov.u32 @p2 s2  }
0x21: {  	s20 =	sadd.s32 $0x1, s20;
	s23 =	smov.u32 s9;
	s24 =	smov.u32 s31  }
.LBB2_1:
0x22: {  	p1 =	sge.u32 s24, s10  }
0x23: {  	s0 =	smulhi.u32 @!p1 $0xAAAAAAAB, s24;
	_ =	sdelay $0x1  }
0x24: {  	s0 =	sshrl.u32 @!p1 s0, $0x1  }
0x25: {  	s0 =	smul.u32 @!p1 $0x3, s0;
	_ =	sdelay $0x1  }
0x26: {  	s0 =	ssub.s32 @!p1 s24, s0  }
0x27: {  	s0 =	smul.u32 @!p1 $0x7D00, s0;
	_ =	sdelay $0x1  }
0x28: {  	s2 =	sshrl.u32 @!p1 s23, $0x3;
	s0 =	sshrl.u32 @!p1 s0, $0x2  }
0x29: {  	s22 =	sand.u32 @!p1 $0x7, s23;
	s2 =	sadd.s32 @!p1 s6, s2;
	s0 =	sadd.s32 @!p1 $0x100, s0  }
0x2a: {  	[tilespmem:s0], [sflag:$0x7] =	stream.linear.gather @!p1 [hbm4b:s2+s22], $0x1F40, $0x38;
	[tilespmem:$0x11A60] =	vst v63  }
0x2b: {  	s0 =	sadd.s32 $0xFFFFFFFF, s24  }
0x2c: {  	p1 =	sge.u32 s0, s10  }
.Ltmp2:
0x2d: {  	_ = 	snop;
	(pc) =	sbr.rel @p1 .LBB2_5-.Ltmp2, $1  }
0x2e: {  	_ =	sdelay $0x3  }
0x2f: {  	s2 =	smulhi.u32 $0xAAAAAAAB, s0;
	_ =	sdelay $0x1  }
0x30: {  	s2 =	sshrl.u32 s2, $0x1  }
0x31: {  	s2 =	smul.u32 $0x3, s2;
	_ =	sdelay $0x1  }
0x32: {  	s2 =	ssub.s32 s0, s2  }
0x33: {  	s2 =	smul.u32 $0x7D00, s2  }
0x34: {  	_ =	swait.ge [sflag:s7], $0x1F40  }
0x35: {  	[sflag:s7] =	ssyncset.done $0x0;
	s2 =	sshrl.u32 s2, $0x2  }
0x36: {  	[sflag:s7] =	ssyncadd.s32 $0xFFFFE0C0;
	(ifvalue) =	ssetifvalue $0xFFFFFFFF;
	v2 =	vld.msk [tilespmem:s2+$0x100 ss:$0x1], $0xffff;
	_ =	sdelay $0x2  }
0x37: {  	s30 =	smulhi.u32 $0xAAAAAAAB, s18;
	p1 =	sne.s32 s24, $0x1  }
0x38: {  	v3 =	vimm.s32 @!p1 $0x0  }
0x39: {  	s2 =	sshrl.u32 s30, $0x1;
	v3 =	vperm.xlane @!p1 v2, v3  }
0x3a: {  	s22 =	sshll.u32 s24, $0x4;
	s2 =	smul.u32 $0xFFFE8900, s2;
	vm4 =	vlt.u32 v2, $0x6400000  }
0x3b: {  	s22 =	sand.u32 $0x10, s22;
	v2 =	vnsel vm4, $0xFFFFFFFE, v2;
	vm4 =	vlt.u32 @!p1 v3, $0x6400000  }
0x3c: {  	s2 =	sshra.s32 s2, $0x2;
	[tilespmem:s22+$0x60] =	vst v2;
	v2 =	vnsel @!p1 vm4, $0xFFFFFFFE, v3  }
0x3d: {  	s2 =	sadd.s32 s2, s17;
	[tilespmem:$0x80] =	vst @!p1 v2  }
0x3e: {  	v2 =	vld.msk [tilespmem:s2+$0x0 ss:$0x1], $0xffff;
	_ =	sdelay $0x4  }
0x3f: {  	(xrf1) =	vunique.msk.u32 $0xffff, v2;
	_ =	sdelay $0xd  }
0x40: {  	v3 =	vimm.s32 $0xFFFFFFFF;
	v4, _, _ =	vpop (xrf1)  }
0x41: {  	vm5 =	vne.s32 v2, v3;
	vm4 =	veq.s32 v4, v1  }
0x42: {  	vm6 =	vlt.u32 v2, $0x6400000;
	vm4 =	vmand vm5, vm4  }
0x43: {  	vm4 =	vmand vm6, vm4  }
0x44: {  	v3 =	vnsel vm4, $0xFFFFFFFF, v2  }
0x45: {  	s31 =	sand.u32 $0x1, s0  }
0x46: {  	s26 =	simm.s32 $0x1F40;
	p1 =	seq.s32 s31, $0x1  }
0x47: {  	s26 =	simm.s32 @!p1 $0x0  }
0x48: {  	s0 =	sadd.s32 $0x7DF0, s26;
	(ifvalue) =	ssetifvalue $0xFFFFFFFF  }
0x49: {  	v2 =	vperm.xlane v2, v0;
	[tilespmem:s0], [sflag:$0x8] =	stream.indirect_vreg.gather [hbm4b:s1+s16], $0x1, v3, vm0, $0x4038;
	v3 =	vnsel vm6, $0xFFFFFFFE, v3;
	[tilespmem:$0x11A60] =	vst v63  }
0x4a: {  	s28 =	simm.s32 $0x0;
	s29 =	sadd.s32 $0xFFFFFFF0, s2;
	[tilespmem:s2+$0x0] =	vst v3  }
.LBB2_3:
0x4b: {  	v3 =	vld.msk [tilespmem:s29+$0x0 ss:$0x1], $0xffff;
	s28 =	sadd.s32 $0x10, s28;
	v4 =	vmov v2;
	s2 =	smov.u32 s29  }
0x4c: {  	p1 =	slt.u32 s28, $0x1F30;
	_ =	sdelay $0x4  }
0x4d: {  	v2 =	vperm.xlane v3, v0;
	(xrf1) =	vunique.msk.u32 $0xffff, v3;
	_ =	sdelay $0xd  }
0x4e: {  	v5, _, _ =	vpop (xrf1)  }
0x4f: {  	vm5 =	vne.s32 v3, v4;
	vm4 =	veq.s32 v5, v1  }
0x50: {  	vm6 =	vlt.u32 v3, $0x6400000;
	vm4 =	vmand vm5, vm4  }
0x51: {  	vm4 =	vmand vm6, vm4  }
0x52: {  	v3 =	vnsel vm4, $0xFFFFFFFF, v3  }
.Ltmp3:
0x53: {  	v4 =	vnsel vm6, $0xFFFFFFFE, v3;
	(pc) =	sbr.rel @p1 .LBB2_3-.Ltmp3, $3  }
0x54: {  	_ =	sdelay $0x1  }
0x55: {  	s29 =	sadd.s32 $0xFFFFFFF0, s29;
	s0 =	sadd.s32 $0xFFFFFFF0, s0;
	(ifvalue) =	ssetifvalue $0xFFFFFFFF  }
0x56: {  	[tilespmem:s0], [sflag:$0x8] =	stream.indirect_vreg.gather [hbm4b:s1+s16], $0x1, v3, vm0, $0x4038;
	[tilespmem:s2+$0x0] =	vst v4  }
0x57: {  	s0 =	sshrl.u32 s25, $0x3;
	s2 =	rddreg [dreg:$0x2]  }
0x58: {  	s31 =	sadd.s32 $0x9D40, s26;
	s0 =	sadd.s32 s2, s0  }
0x59: {  	[tilespmem:s31], [sflag:$0x8] =	stream.linear.gather [hbm:s0], $0x1F40, $0x38;
	[tilespmem:$0x11A60] =	vst v63  }
.LBB2_5:
0x5a: {  	p1 =	slt.u32 s24, $0x2  }
0x5b: {  	p2 =	sge.u32 @!p1 s24, s12  }
0x5c: {  	p1 =	por p1, p2  }
.Ltmp4:
0x5d: {  	_ = 	snop;
	(pc) =	sbr.rel @p1 .LBB2_9-.Ltmp4, $1  }
0x5e: {  	_ =	sdelay $0x3  }
0x5f: {  	s0 =	sadd.s32 $0xFFFFFFFE, s24  }
0x60: {  	s2 =	smulhi.u32 $0xAAAAAAAB, s0;
	_ =	sdelay $0x1  }
0x61: {  	s2 =	sshrl.u32 s2, $0x1  }
0x62: {  	s2 =	smul.u32 $0x3, s2;
	_ =	sdelay $0x1  }
0x63: {  	s0 =	ssub.s32 s0, s2  }
0x64: {  	_ =	swait.ge [sflag:s8], $0x3E80;
	s0 =	smul.u32 $0x1F40, s0  }
0x65: {  	p1 =	sne.s32 s24, s11;
	[sflag:s8] =	ssyncset.done $0x0  }
0x66: {  	[sflag:s8] =	ssyncadd.s32 $0xFFFFC180;
	s2 =	sadd.s32 @!p1 $0x203F, s0  }
0x67: {  	[spmem:s14] =	stream.linear.scatter @!p1 [tilespmem:s2], [sflag:$0x1], $0x1, $0x38;
	[tilespmem:$0x11A60] =	vst v63  }
0x68: {  	s2 =	simm.s32 @!p1 $0x1  }
0x69: {  	_ =	swait.ge @!p1 [sflag:s2], $0x1  }
0x6a: {  	s22 =	sshll.u32 s24, $0x4;
	[sflag:s2] =	ssyncset.done @!p1 $0x0  }
0x6b: {  	s25 =	sand.u32 $0x10, s22;
	[sflag:s2] =	ssyncadd.s32 @!p1 $0xFFFFFFFF  }
0x6c: {  	s2 =	sxor.u32 $0x10, s25;
	v3 =	vld [tilespmem:s25+$0x10]  }
0x6d: {  	v4 =	vld [tilespmem:s2+$0x60]  }
0x6e: {  	v2 =	vld [tilespmem:$0x80];
	_ =	sdelay $0x2  }
0x6f: {  	(v2sf) =	vpush v3, $0x0  }
0x70: {  	(v2sf) =	vpush v4, $0x0  }
0x71: {  	(v2sf) =	vpush v2, $0x0;
	_ =	sdelay $0xc  }
0x72: {  	s9 =	spop (v2sf)  }
0x73: {  	s26 =	spop (v2sf)  }
0x74: {  	s28 =	spop (v2sf)  }
0x75: {  	p2 =	seq.s32 s9, s26;
	p3 =	seq.s32 s28, s9  }
0x76: {  	p3 =	por p2, p3  }
0x77: {  	s26 =	sand.u32 $0x1, s24;
	v3 =	vpsel p3, $0xFFFFFFFF, v3  }
0x78: {  	s29 =	smul.u32 $0x1F40, s26;
	[tilespmem:s25+$0x10] =	vst.msk $0x1, v3  }
0x79: {  	v3 =	vld [tilespmem:$0x30]  }
0x7a: {  	v4 =	vld [tilespmem:s29+$0x9D40]  }
0x7b: {  	v5 =	vld [tilespmem:s25+$0x40];
	_ =	sdelay $0x2  }
0x7c: {  	vm4 =	vmmov vm1  }
0x7d: {  	vm5 =	vmmov vm2;
	vm4 =	vmmov @p2 vm2;
	s22 =	sshll.u32 s26, $0x4;
	v4 =	vadd.s32 v3, v4  }
0x7e: {  	s26 =	sor.u32 $0x11A40, s22;
	vm5 =	vmmov @p3 vm1;
	v3 =	vadd.s32 v3, v5;
	[tilespmem:s29+$0x9D40] =	vst.msk vm4, v4  }
0x7f: {  	[tilespmem:s26+$0x0] =	vst.msk vm5, v3  }
0x80: {  	v3 =	vld [tilespmem:s29+$0x7DF0];
	_ =	sdelay $0x3  }
0x81: {  	v4 =	vimm.s32 $0x0  }
0x82: {  	v3 =	vshift.insert v3, v4, s21  }
0x83: {  	s9 =	sor.u32 $0x40, s2  }
0x84: {  	[tilespmem:s9+$0x0] =	vst.msk $0x1, v3  }
0x85: {  	[tilespmem:s29+$0x7DFF] =	vst.msk $0x1, v4  }
0x86: {  	v3 =	vld [tilespmem:s0+$0x2030]  }
0x87: {  	s9 =	smulhi.u32 $0xAAAAAAAB, s20;
	_ =	sdelay $0x1  }
0x88: {  	s22 =	simm.s32 $0x1;
	s0 =	sshrl.u32 s9, $0x1  }
0x89: {  	s22 =	simm.s32 @!p0 $0x0;
	s0 =	smul.u32 $0xFFFE8900, s0  }
0x8a: {  	s22 =	smul.u32 $0x7D00, s22;
	v3 =	vshift.insert v3, v4, s21  }
0x8b: {  	s0 =	sshra.s32 s0, $0x2  }
0x8c: {  	s22 =	sshrl.u32 s22, $0x2;
	s9 =	sadd.s32 s0, s19;
	[tilespmem:s2+$0x10] =	vst.msk $0x1, v3  }
0x8d: {  	s30 =	sadd.s32 $0x9D40, s22;
	v5 =	vld [tilespmem:s9+$0x0]  }
0x8e: {  	v6 =	vld [tilespmem:s30+$0x0];
	_ =	sdelay $0x4  }
0x8f: {  	vm4 =	vne.s32 v5, $0xFFFFFFFF;
	v6 =	vadd.s32 v4, v6;
	v4 =	vperm.xlane v3, v4  }
0x90: {  	s31 =	sadd.s32 $0x5EC0, s22;
	(xrf0) =	vadd.seg.scan.s32 vm4, v6  }
0x91: {  	vm5 =	veq.s32 v5, v2;
	v6 =	vld [tilespmem:s31+$0x0];
	vm6 =	veq.s32 v5, v4  }
0x92: {  	vm7 =	vgt.u32 v5, $0xFFFFFFFD;
	vm6 =	vmor vm6, vm5  }
0x93: {  	v7 =	vld [tilespmem:$0xA0];
	vm6 =	vmor vm6, vm7  }
0x94: {  	v9 =	vld [tilespmem:$0x90];
	v5 =	vsel vm6, $0xFFFFFFFF, v5;
	_ =	sdelay $0x1  }
0x95: {  	v6 =	vsel vm5, $0x0, v6;
	v8, _, _ =	vpop (xrf0)  }
0x96: {  	s0 =	sadd.s32 $0xDBC0, s22;
	vm4 =	vmand vm4, vm3;
	v6 =	vadd.s32 v6, v8  }
0x97: {  	s22 =	sadd.s32 $0x10, s9;
	s2 =	simm.s32 $0x0;
	vm6 =	veq.s32 v7, $0x1;
	[tilespmem:s0+$0x0] =	vst v6;
	(ifvalue) =	ssetifvalue $0xFFFFFFFF;
	v6 =	vsel vm4, $0x0, v8  }
0x98: {  	vm4 =	vmor vm6, vm5;
	[hbm4b:s1+s16] =	stream.indirect_vreg.scatter [tilespmem:s0], [sflag:$0x2], $0x1, v5, vm0, $0x4038;
	v5 =	vsel vm5, v8, v9;
	v6 =	vshift.insert v6, v0, s21;
	[tilespmem:$0x11A60] =	vst v63  }
.LBB2_7:
0x99: {  	v7 =	vld [tilespmem:s22+$0x0];
	s30 =	sadd.s32 $0x10, s30  }
0x9a: {  	s31 =	sadd.s32 $0x10, s31;
	v8 =	vld [tilespmem:s30+$0x0]  }
0x9b: {  	s2 =	sadd.s32 $0x10, s2;
	v9 =	vld [tilespmem:s31+$0x0]  }
0x9c: {  	p2 =	slt.u32 s2, $0x1F30;
	_ =	sdelay $0x2  }
0x9d: {  	vm5 =	vne.s32 v7, $0xFFFFFFFF;
	v6 =	vadd.s32 v6, v8  }
0x9e: {  	vm6 =	vmand vm5, vm3;
	(xrf0) =	vadd.seg.scan.s32 vm5, v6  }
0x9f: {  	vm7 =	veq.s32 v7, v4;
	vm5 =	veq.s32 v7, v2  }
0xa0: {  	vm8 =	vgt.u32 v7, $0xFFFFFFFD;
	vm4 =	vmor vm4, vm5;
	vm7 =	vmor vm7, vm5  }
0xa1: {  	vm7 =	vmor vm7, vm8  }
0xa2: {  	v7 =	vsel vm7, $0xFFFFFFFF, v7  }
.Ltmp5:
0xa3: {  	(pc) =	sbr.rel @p2 .LBB2_7-.Ltmp5, $4  }
0xa4: {  	v6 =	vsel vm5, $0x0, v9;
	v8, _, _ =	vpop (xrf0)  }
0xa5: {  	s0 =	sadd.s32 $0x10, s0;
	v5 =	vsel vm5, v8, v5;
	v6 =	vadd.s32 v6, v8;
	v8 =	vsel vm6, $0x0, v8  }
0xa6: {  	s22 =	sadd.s32 $0x10, s22;
	[tilespmem:s0+$0x0] =	vst v6;
	v6 =	vshift.insert v8, v0, s21;
	(ifvalue) =	ssetifvalue $0xFFFFFFFF  }
0xa7: {  	[hbm4b:s1+s16] =	stream.indirect_vreg.scatter [tilespmem:s0], [sflag:$0x2], $0x1, v7, vm0, $0x4038;
	[tilespmem:$0x11A60] =	vst v63  }
0xa8: {  	v2 =	vld [tilespmem:s29+$0xFAF0];
	_ =	sdelay $0x4  }
0xa9: {  	v2 =	vshift.insert v2, v0, s21  }
0xaa: {  	s0 =	simm.s32 $0x30  }
0xab: {  	[tilespmem:s0+$0x0] =	vst.msk $0x1, v2  }
0xac: {  	v2 =	vsel vm4, $0x1, v0;
	[tilespmem:$0x90] =	vst v5  }
0xad: {  	s0 =	sadd.s32 @!p1 $0xFAFF, s29;
	[tilespmem:$0xA0] =	vst v2  }
0xae: {  	[spmem:s15] =	stream.linear.scatter @!p1 [tilespmem:s0], [sflag:$0x1], $0x1, $0x38;
	[tilespmem:$0x11A60] =	vst v63  }
0xaf: {  	s0 =	simm.s32 @!p1 $0x1  }
0xb0: {  	v2 =	vmctz.xlane @!p1 vm4;
	_ =	swait.ge @!p1 [sflag:s0], $0x1  }
0xb1: {  	(v2sf) =	vpush @!p1 v3, $0x0  }
0xb2: {  	(v2sf) =	vpush @!p1 v2, $0x0;
	_ =	sdelay $0xd  }
0xb3: {  	s2 =	spop @!p1 (v2sf)  }
0xb4: {  	s9 =	spop @!p1 (v2sf)  }
0xb5: {  	p2 =	sne.s32 @!p1 s28, s2;
	p3 =	slt.s32 @!p1 s9, $0xF  }
0xb6: {  	[sflag:s0] =	ssyncset.done @!p1 $0x0;
	p2 =	por p2, p1;
	p3 =	por !p3, p1  }
0xb7: {  	[sflag:s0] =	ssyncadd.s32 @!p1 $0xFFFFFFFF;
	v2 =	vimm.s32 @!p2 $0xFFFFFFFF;
	s9 =	simm.s32 @p3 $0xF  }
0xb8: {  	[tilespmem:$0x80] =	vst @!p2 v2;
	s2 =	sadd.s32 @!p1 $0x90, s9  }
0xb9: {  	[spmem:s3] =	stream.linear.scatter @!p1 [tilespmem:s2], [sflag:$0x1], $0x1, $0x38;
	[tilespmem:$0x11A60] =	vst v63  }
0xba: {  	_ =	swait.ge @!p1 [sflag:s0], $0x1  }
0xbb: {  	[sflag:s0] =	ssyncset.done @!p1 $0x0  }
0xbc: {  	s2 =	simm.s32 @!p1 $0x80;
	[sflag:s0] =	ssyncadd.s32 @!p1 $0xFFFFFFFF  }
0xbd: {  	[spmem:s13] =	stream.linear.scatter @!p1 [tilespmem:s2], [sflag:$0x1], $0x1, $0x38;
	[tilespmem:$0x11A60] =	vst v63  }
0xbe: {  	_ =	swait.ge @!p1 [sflag:s0], $0x1  }
0xbf: {  	[sflag:s0] =	ssyncset.done @!p1 $0x0  }
0xc0: {  	[sflag:s0] =	ssyncadd.s32 @!p1 $0xFFFFFFFF;
	(ifvalue) =	ssetifvalue $0xFFFFFFFF;
	v2 =	vld [tilespmem:s25+$0x10];
	_ =	sdelay $0x3  }
.Ltmp6:
0xc1: {  	_ = 	snop;
	(pc) =	sbr.rel .LBB2_9-.Ltmp6, $3  }
0xc2: {  	_ =	sdelay $0x1  }
0xc3: {  	(ifvalue) =	ssetifvalue $0xFFFFFFFF  }
0xc4: {  	[hbm4b:s1+s16] =	stream.indirect_vreg.scatter [tilespmem:s26], [sflag:$0x9], $0x1, v2, vm0, $0x4038;
	[tilespmem:$0x11A60] =	vst v63  }
.LBB2_10:
0xc5: {  	_ =	sfence.sel $0x180000  }
0xc6: {  	s0 =	simm.s32 $0x7;
	[bflag:$0x0] =	sbarrier.arrive $0xFFFF  }
0xc7: {  	s26 =	simm.s32 $0x8;
	[sflag:s0] =	ssyncpa.u1 $0x1  }
0xc8: {  	s28 =	simm.s32 $0x9;
	[sflag:s26] =	ssyncpa.u1 $0x1  }
0xc9: {  	[sflag:s28] =	ssyncpa.u1 $0x1  }
0xca: {  	_ =	sfence.stream.spmem  }
0xcb: {  	s29 =	simm.s32 $0x3;
	[bflag:$0x0] =	sbarrier.arrive $0xFFFF  }
0xcc: {  	s30 =	simm.s32 $0x4;
	[sflag:s29] =	ssyncpa.u1 $0x1  }
0xcd: {  	s31 =	simm.s32 $0x3C;
	s2 =	stileid.u32;
	[sflag:s30] =	ssyncpa.u1 $0x1  }
0xce: {  	p0 =	sne.s32 s2, $0x0;
	[sflag:s31] =	ssyncpa.u1 $0x1  }
0xcf: {  	s0 =	simm.s32 @p0 $0x1;
	_ =	sfence @p0  }
0xd0: {  	[sflag:s0] =	ssyncpa.u1 @p0 $0x1;
	s0 =	simm.s32 @p0 $0x2  }
0xd1: {  	[sflag:s0] =	ssyncpa.u1 @p0 $0x1  }
0xd2: {  	_ =	strace @p0 $0x90000047  }
0xd3: {  	[bflag:$0x2] =	sbarrier.arrive @p0 $0xFFFF  }
0xd4: {  	_ =	shalt @p0  }
.LBB2_11:
0xd5: {  	_ =	sfence.stream.spmem;
	s0 =	simm.s32 $0x5  }
0xd6: {  	s2 =	simm.s32 $0x80;
	s3 =	simm.s32 $0xC0;
	[sflag:s0] =	ssyncpa.u1 $0x0  }
0xd7: {  	[tilespmem:s3], [sflag:$0x5] =	stream.linear.gather [spmem:s2], $0x20, $0x38;
	[tilespmem:$0x11A60] =	vst v63  }
0xd8: {  	s2 =	simm.s32 $0x0;
	s3 =	simm.s32 $0xE0  }
0xd9: {  	[tilespmem:s3], [sflag:$0x5] =	stream.linear.gather [spmem:s2], $0x20, $0x38;
	[tilespmem:$0x11A60] =	vst v63  }
.Ltmp7:
0xda: {  	_ = 	snop;
	(pc) =	sbr.rel .LBB2_12-.Ltmp7, $4  }
0xdb: {  	_ =	swait.ge [sflag:s0], $0x40  }
0xdc: {  	[sflag:s0] =	ssyncset.done $0x0  }
0xdd: {  	s31 =	simm.s32 $0x6;
	[sflag:s0] =	ssyncadd.s32 $0xFFFFFFC0  }
0xde: {  	s4 =	simm.s32 $0x0;
	[sflag:s31] =	ssyncpa.u1 $0x0  }
.LBB2_17:
0xdf: {  	p0 =	sgt.u32 s5, $0x63FFFFF  }
0xe0: {  	s0 =	sshrl.u32 @!p0 s5, $0x3  }
0xe1: {  	s5 =	sand.u32 @!p0 $0x7, s5;
	s6 =	simm.s32 @!p0 $0xB0;
	s0 =	sadd.s32 @!p0 s1, s0  }
0xe2: {  	[tilespmem:s6], [sflag:$0x6] =	stream.linear.gather @!p0 [hbm4b:s0+s5], $0x1, $0x38;
	[tilespmem:$0x11A60] =	vst v63  }
0xe3: {  	s0 =	simm.s32 @!p0 $0x6  }
0xe4: {  	_ =	swait.ge @!p0 [sflag:s0], $0x1  }
0xe5: {  	[sflag:s0] =	ssyncset.done @!p0 $0x0  }
0xe6: {  	[sflag:s0] =	ssyncadd.s32 @!p0 $0xFFFFFFFF  }
0xe7: {  	v2 =	vmov @!p0 s4;
	v1 =	vld.msk @!p0 [tilespmem:$0xB0], $0x1;
	_ =	sdelay $0x3  }
0xe8: {  	s0 =	simm.s32 @!p0 $0xE0  }
0xe9: {  	[tilespmem:v2+s0+$0x0], v1 =	vst.idx.ret.add.s32.msk @!p0 $0x1, v1  }
0xea: {  	[tilespmem:s2+$0xC0] =	vst.msk $0x1, v0  }
0xeb: {  	v0 =	vld.msk [tilespmem:s4+$0xE0], $0x1;
	_ =	sdelay $0x4  }
0xec: {  	[tilespmem:s2+$0xE0] =	vst.msk $0x1, v0;
	s2 =	sadd.s32 $0x1, s2  }
.LBB2_19:
0xed: {  	s4 =	sadd.s32 $0x1, s4  }
0xee: {  	p0 =	sne.s32 s4, $0x20  }
.Ltmp8:
0xef: {  	_ = 	snop;
	(pc) =	sbr.rel @!p0 .LBB2_20-.Ltmp8, $1  }
0xf0: {  	_ =	sdelay $0x3  }
.LBB2_12:
0xf1: {  	v0 =	vld.msk [tilespmem:s4+$0xC0], $0x1;
	_ =	sdelay $0x4  }
0xf2: {  	(v2sf) =	vpush v0, $0x0;
	_ =	sdelay $0xe  }
0xf3: {  	s5 =	spop (v2sf)  }
0xf4: {  	p0 =	seq.s32 s5, $0xFFFFFFFF  }
.Ltmp9:
0xf5: {  	_ = 	snop;
	(pc) =	sbr.rel @p0 .LBB2_19-.Ltmp9, $1  }
0xf6: {  	_ =	sdelay $0x3  }
0xf7: {  	p0 =	slt.s32 s2, $0x1  }
.Ltmp10:
0xf8: {  	_ = 	snop;
	(pc) =	sbr.rel @p0 .LBB2_17-.Ltmp10, $1  }
0xf9: {  	_ =	sdelay $0x3  }
0xfa: {  	s0 =	simm.s32 $0xC0;
	p0 =	por $0x0, $0x0  }
0xfb: {  	v1 =	vld.msk @!p0 [tilespmem:s0+$0x0], $0x1;
	_ =	sdelay $0x4  }
0xfc: {  	(v2sf) =	vpush @!p0 v1, $0x0;
	_ =	sdelay $0xd  }
0xfd: {  	p2 =	sne.s32 s2, $0x1  }
.Ltmp11:
0xfe: {  	s6 =	spop @!p0 (v2sf);
	(pc) =	sbr.rel @!p2 .LBB2_16-.Ltmp11, $4  }
0xff: {  	p1 =	seq.s32 @!p0 s5, s6  }
0x100: {  	s6 =	simm.s32 $0x0;
	p1 =	por !p1, p0  }
0x101: {  	s8 =	simm.s32 $0xFFFFFFFF;
	s6 =	simm.s32 @p1 $0xFFFFFFFF  }
0x102: {  	s7 =	simm.s32 $0x1;
	s6 =	smov.u32 @p0 s8  }
.LBB2_15:
0x103: {  	s8 =	smov.u32 s6;
	p0 =	sne.s32 s6, $0xFFFFFFFF  }
0x104: {  	s0 =	sadd.s32 $0x1, s0;
	s6 =	smov.u32 s7;
	s7 =	sadd.s32 $0x1, s7  }
0x105: {  	p1 =	sne.s32 s2, s7;
	v1 =	vld.msk @!p0 [tilespmem:s0+$0x0], $0x1;
	_ =	sdelay $0x4  }
0x106: {  	(v2sf) =	vpush @!p0 v1, $0x0;
	_ =	sdelay $0xe  }
.Ltmp12:
0x107: {  	s9 =	spop @!p0 (v2sf);
	(pc) =	sbr.rel @p1 .LBB2_15-.Ltmp12, $4  }
0x108: {  	p2 =	seq.s32 @!p0 s5, s9  }
0x109: {  	p2 =	por !p2, p0  }
0x10a: {  	s6 =	simm.s32 @p2 $0xFFFFFFFF  }
0x10b: {  	s6 =	smov.u32 @p0 s8  }
.LBB2_16:
0x10c: {  	p0 =	sne.s32 s6, $0xFFFFFFFF  }
.Ltmp13:
0x10d: {  	_ = 	snop;
	(pc) =	sbr.rel @!p0 .LBB2_17-.Ltmp13, $1  }
0x10e: {  	_ =	sdelay $0x3  }
0x10f: {  	v0 =	vld.msk [tilespmem:s4+$0xE0], $0x1;
	v1 =	vmov s6  }
.Ltmp14:
0x110: {  	_ = 	snop;
	(pc) =	sbr.rel .LBB2_19-.Ltmp14, $2  }
0x111: {  	_ =	sdelay $0x2  }
0x112: {  	[tilespmem:v1+s3+$0x0], v0 =	vst.idx.ret.add.s32.msk $0x1, v0  }
.LBB2_20:
0x113: {  	p0 =	slt.s32 s2, $0x1  }
.Ltmp15:
0x114: {  	_ = 	snop;
	(pc) =	sbr.rel @p0 .LBB2_24-.Ltmp15, $3  }
0x115: {  	_ =	sdelay $0x1  }
0x116: {  	s0 =	simm.s32 $0x6  }
0x117: {  	s3 =	simm.s32 $0x0;
	[sflag:s0] =	ssyncpa.u1 $0x1  }
0x118: {  	s0 =	simm.s32 $0xC0  }
0x119: {  	v0 =	vld.msk [tilespmem:s0+$0x0], $0x1;
	_ =	sdelay $0x4  }
0x11a: {  	(v2sf) =	vpush v0, $0x0;
	_ =	sdelay $0xe  }
0x11b: {  	s2 =	sadd.s32 $0xFFFFFFFF, s2;
	s4 =	spop (v2sf)  }
0x11c: {  	p1 =	sne.s32 s2, $0x0;
	p0 =	sgt.u32 s4, $0x63FFFFF  }
.Ltmp16:
0x11d: {  	s5 =	sshrl.u32 @!p0 s4, $0x3;
	(pc) =	sbr.rel @!p1 .LBB2_23-.Ltmp16, $4  }
0x11e: {  	s0 =	simm.s32 $0xE0;
	s4 =	sand.u32 @!p0 $0x7, s4;
	s5 =	sadd.s32 @!p0 s1, s5  }
0x11f: {  	[hbm4b:s5+s4] =	stream.linear.scatter @!p0 [tilespmem:s0], [sflag:$0x5], $0x1, $0x38;
	[tilespmem:$0x11A60] =	vst v63  }
0x120: {  	s5 =	simm.s32 $0x0  }
0x121: {  	s4 =	simm.s32 $0xC1;
	s5 =	simm.s32 @!p0 $0x4  }
.LBB2_22:
0x122: {  	v0 =	vld.msk [tilespmem:s4+$0x0], $0x1;
	s2 =	sadd.s32 $0xFFFFFFFF, s2;
	s3 =	sadd.s32 s3, s5  }
0x123: {  	p0 =	sne.s32 s2, $0x0;
	_ =	sdelay $0x3  }
0x124: {  	(v2sf) =	vpush v0, $0x0;
	_ =	sdelay $0xe  }
.Ltmp17:
0x125: {  	s6 =	spop (v2sf);
	(pc) =	sbr.rel @p0 .LBB2_22-.Ltmp17, $4  }
0x126: {  	s5 =	simm.s32 $0x0;
	p1 =	sgt.u32 s6, $0x63FFFFF  }
0x127: {  	s0 =	sadd.s32 $0x1, s0;
	s5 =	simm.s32 @!p1 $0x4;
	s7 =	sshrl.u32 @!p1 s6, $0x3  }
0x128: {  	s4 =	sadd.s32 $0x1, s4;
	s6 =	sand.u32 @!p1 $0x7, s6;
	s7 =	sadd.s32 @!p1 s1, s7  }
0x129: {  	[hbm4b:s7+s6] =	stream.linear.scatter @!p1 [tilespmem:s0], [sflag:$0x5], $0x1, $0x38;
	[tilespmem:$0x11A60] =	vst v63  }
.LBB2_23:
0x12a: {  	s0 =	sadd.s32 s3, s5  }
0x12b: {  	s3 =	sshrl.u32 s0, $0x2  }
.LBB2_24:
0x12c: {  	s0 =	simm.s32 $0x5  }
0x12d: {  	_ =	swait.ge [sflag:s0], s3  }
0x12e: {  	s1 =	ssub.s32 $0x0, s3;
	[sflag:s0] =	ssyncset.done $0x0  }
0x12f: {  	[sflag:s0] =	ssyncadd.s32 s1  }
0x130: {  	[sflag:s0] =	ssyncpa.u1 $0x1  }
0x131: {  	s29 =	simm.s32 $0x1;
	_ =	sfence  }
0x132: {  	s30 =	simm.s32 $0x2;
	[sflag:s29] =	ssyncpa.u1 $0x1  }
0x133: {  	[sflag:s30] =	ssyncpa.u1 $0x1  }
0x134: {  	_ =	strace $0x90000047  }
0x135: {  	[bflag:$0x2] =	sbarrier.arrive $0xFFFF  }
0x136: {  	s31 =	rddreg [dreg:$0x1]  }
0x137: {  	s0 =	sadd.s32 $0x100000, s31  }
0x138: {  	[sflag:s0] =	ssyncadd.tile.s32 $0x1;
	_ =	shalt  }
.Lfunc_end2:
_tile_overlayer_lowered:
.L_overlay_start_2:
0x139: {  	(tag) =	ssettag $0x2  }
0x13a: {  	s0 =	rddreg [dreg:$0x0];
	s2 =	stileid.u32  }
0x13b: {  	s1 =	rddreg [dreg:$0x1];
	p0 =	sne.s32 s2, $0x0  }
0x13c: {  	s3 =	rddreg [dreg:$0x2];
	[bflag:$0x3] =	sbarrier.arrive $0xFFFF;
	s2 =	simm.s32 @!p0 $0x1C01  }
0x13d: {  	[timem:s3], [sflag:s2] =	dma.local @!p0 [hbm:s0], s1  }
0x13e: {  	s0 =	simm.s32 @!p0 $0x1  }
0x13f: {  	_ =	swait.ge @!p0 [sflag:s0], s1  }
0x140: {  	s1 =	ssub.s32 @!p0 $0x0, s1;
	[sflag:s0] =	ssyncset.done @!p0 $0x0  }
0x141: {  	[sflag:s0] =	ssyncadd.s32 @!p0 s1  }
0x142: {  	[bflag:$0x3] =	sbarrier.arrive $0xFFFF  }
0x143: {  	_ =	shalt  }

</sc_bundles>
